<compile_context>
chip_gen: v7x
topology: tpu7x:2x2x1
jax: 0.10.2.dev20260603
libtpu: 0.0.44.dev20260713+nightly
codegen_flags: <defaults>
</compile_context>

<pallas_src>
import functools

import jax
import jax.numpy as jnp
from jax import lax
from jax.experimental import pallas as pl
from jax.experimental.pallas import tpu as pltpu
from jax.experimental.pallas import tpu_sc as plsc

_BT = 512
_PW = 512
_TL = 448


def _head_kernel(col_ref, h_ref, p_ref, w_ref, b_ref, lse_ref, tgt_ref,
                 ph_ref, s_ref, g_ref, *, nv, bv, bt):
    v = pl.program_id(1)

    @pl.when(v == 0)
    def _init():
        ph_ref[...] = jax.lax.dot_general(
            h_ref[...], p_ref[...], (((1,), (0,)), ((), ())),
            preferred_element_type=jnp.float32).astype(jnp.bfloat16)
        s_ref[...] = jnp.zeros((bt, 1), dtype=jnp.float32)
        g_ref[...] = jnp.zeros((bt, 1), dtype=jnp.float32)

    logits = jax.lax.dot_general(
        ph_ref[...], w_ref[...], (((1,), (1,)), ((), ())),
        preferred_element_type=jnp.float32).astype(jnp.bfloat16) + b_ref[...]
    el = jnp.exp(logits)
    cols = jax.lax.broadcasted_iota(jnp.int32, (bt, bv), 1)
    masked = jnp.where(cols == col_ref[0] - v * bv, logits, jnp.bfloat16(0))
    ones = jnp.ones((bv, 1), dtype=jnp.bfloat16)
    s_ref[...] += jax.lax.dot_general(
        el, ones, (((1,), (0,)), ((), ())), preferred_element_type=jnp.float32)
    g_ref[...] += jax.lax.dot_general(
        masked, ones, (((1,), (0,)), ((), ())),
        preferred_element_type=jnp.float32)

    @pl.when(v == nv - 1)
    def _fin():
        lse_ref[...] = jnp.log(s_ref[...])
        tgt_ref[...] = g_ref[...]


def _head_stage(h, proj, w, b, col, bv):
    n, d = h.shape
    vocab, dp = w.shape
    nt = n // _BT
    nv = -(-vocab // bv)
    vp = nv * bv
    w_pad = jnp.pad(w.astype(jnp.bfloat16), ((0, vp - vocab), (0, 0)))
    b_pad = jnp.pad(b, (0, vp - vocab),
                    constant_values=-1e30).astype(jnp.bfloat16).reshape(1, vp)
    col3 = col.reshape(nt, _BT, 1)

    lse, tgt = pl.pallas_call(
        functools.partial(_head_kernel, nv=nv, bv=bv, bt=_BT),
        grid=(nt, nv),
        in_specs=[
            pl.BlockSpec((1, _BT, 1), lambda t, v: (t, 0, 0)),
            pl.BlockSpec((_BT, d), lambda t, v: (t, 0)),
            pl.BlockSpec((d, dp), lambda t, v: (0, 0)),
            pl.BlockSpec((bv, dp), lambda t, v: (v, 0)),
            pl.BlockSpec((1, bv), lambda t, v: (0, v)),
        ],
        out_specs=[
            pl.BlockSpec((_BT, 1), lambda t, v: (t, 0)),
            pl.BlockSpec((_BT, 1), lambda t, v: (t, 0)),
        ],
        out_shape=[
            jax.ShapeDtypeStruct((n, 1), jnp.float32),
            jax.ShapeDtypeStruct((n, 1), jnp.float32),
        ],
        scratch_shapes=[
            pltpu.VMEM((_BT, dp), jnp.bfloat16),
            pltpu.VMEM((_BT, 1), jnp.float32),
            pltpu.VMEM((_BT, 1), jnp.float32),
        ],
        compiler_params=pltpu.CompilerParams(
            dimension_semantics=("arbitrary", "arbitrary")),
    )(col3, h, proj.astype(jnp.bfloat16), w_pad, b_pad)
    return lse, tgt


def _slot_kernel(c2d_ref, slot_ref, cnt_ref):
    c = c2d_ref[...]
    rows, lanes = c.shape
    tri_l = (jax.lax.broadcasted_iota(jnp.int32, (lanes, lanes), 0)
             < jax.lax.broadcasted_iota(jnp.int32, (lanes, lanes), 1)
             ).astype(jnp.float32)
    tri_r = (jax.lax.broadcasted_iota(jnp.int32, (rows, rows), 0)
             > jax.lax.broadcasted_iota(jnp.int32, (rows, rows), 1)
             ).astype(jnp.float32)
    ones = jnp.ones((lanes, 1), dtype=jnp.float32)
    slotf = jnp.zeros((rows, lanes), dtype=jnp.float32)
    off = jnp.float32(0.0)
    for k in range(4):
        oh = (c == k).astype(jnp.float32)
        prefix = jax.lax.dot_general(
            oh, tri_l, (((1,), (0,)), ((), ())),
            preferred_element_type=jnp.float32)
        rs = jax.lax.dot_general(
            oh, ones, (((1,), (0,)), ((), ())),
            preferred_element_type=jnp.float32)
        rp = jax.lax.dot_general(
            tri_r, rs, (((1,), (0,)), ((), ())),
            preferred_element_type=jnp.float32)
        slotf += oh * (off + prefix + rp)
        cntk = jnp.sum(rs)
        cnt_ref[pl.ds(k, 1), :] = jnp.full((1, lanes), cntk
                                           ).astype(jnp.int32)
        off = off + cntk
    slot_ref[...] = slotf.astype(jnp.int32)


def _compute_slots(clus, n):
    c2d = clus.reshape(n // 128, 128)
    slot2d, cnt = pl.pallas_call(
        _slot_kernel,
        out_shape=[
            jax.ShapeDtypeStruct((n // 128, 128), jnp.int32),
            jax.ShapeDtypeStruct((8, 128), jnp.int32),
        ],
    )(c2d)
    return slot2d.reshape(n), cnt[:4, 0]


def _proj_kernel(h_ref, p_ref, t_ref, out_ref, *, bt, pw, tl):
    res = jax.lax.dot_general(
        h_ref[...], p_ref[...], (((1,), (0,)), ((), ())),
        preferred_element_type=jnp.float32)
    lane = jax.lax.broadcasted_iota(jnp.int32, (bt, pw), 1)
    out_ref[...] = res + jnp.where(lane == tl, t_ref[...], 0.0)


def _pack_proj(h_bf, pcat, t, n, nt):
    return pl.pallas_call(
        functools.partial(_proj_kernel, bt=_BT, pw=_PW, tl=_TL),
        grid=(nt,),
        in_specs=[
            pl.BlockSpec((_BT, h_bf.shape[1]), lambda i: (i, 0)),
            pl.BlockSpec((h_bf.shape[1], _PW), lambda i: (0, 0)),
            pl.BlockSpec((_BT, 1), lambda i: (i, 0)),
        ],
        out_specs=pl.BlockSpec((_BT, _PW), lambda i: (i, 0)),
        out_shape=jax.ShapeDtypeStruct((n, _PW), jnp.float32),
    )(h_bf, pcat, t.astype(jnp.float32).reshape(n, 1))


def _sc_scatter(phcat, slot):
    info = plsc.get_sparse_core_info()
    nw = info.num_cores * info.num_subcores
    n, pw = phcat.shape
    bpw = n // nw
    ck = 64

    mesh = plsc.VectorSubcoreMesh(core_axis_name="c", subcore_axis_name="s")

    @functools.partial(
        pl.kernel, mesh=mesh,
        out_type=jax.ShapeDtypeStruct((n, pw), jnp.float32),
        scratch_types=[
            pltpu.VMEM((ck,), jnp.int32),
            pltpu.VMEM((ck,), jnp.int32),
            pltpu.VMEM((ck, pw), jnp.float32),
            pltpu.VMEM((ck, pw), jnp.float32),
            pltpu.SemaphoreType.DMA,
            pltpu.SemaphoreType.DMA,
        ],
    )
    def sk(ph_h, slot_h, out_h, xa, xb, ra, rb, sa, sb):
        wid = lax.axis_index("s") * info.num_cores + lax.axis_index("c")
        base = wid * bpw
        nck = bpw // ck
        xs = (xa, xb)
        rs = (ra, rb)
        sems = (sa, sb)
        cps = [None, None]
        for j in range(min(2, nck)):
            pltpu.sync_copy(slot_h.at[pl.ds(base + j * ck, ck)], xs[j])
            pltpu.sync_copy(ph_h.at[pl.ds(base + j * ck, ck)], rs[j])
            cps[j] = pltpu.async_copy(rs[j], out_h.at[xs[j]], sems[j])
        for j in range(nck):
            cps[j % 2].wait()
            if j + 2 < nck:
                jj = j + 2
                pltpu.sync_copy(slot_h.at[pl.ds(base + jj * ck, ck)],
                                xs[j % 2])
                pltpu.sync_copy(ph_h.at[pl.ds(base + jj * ck, ck)],
                                rs[j % 2])
                cps[j % 2] = pltpu.async_copy(rs[j % 2], out_h.at[xs[j % 2]],
                                              sems[j % 2])

    return sk(phcat, slot)


def _tail_kernel(bnd_ref, ph_ref, w_ref, b_ref, lse_ref, phb_ref, s_ref,
                 *, nv, bv, bt, dp):
    t = pl.program_id(0)
    v = pl.program_id(1)
    active = (t >= bnd_ref[0]) & (t <= bnd_ref[1])

    @pl.when(active & (v == 0))
    def _init():
        phb_ref[...] = ph_ref[:, :dp].astype(jnp.bfloat16)
        s_ref[...] = jnp.zeros((bt, 1), dtype=jnp.float32)

    @pl.when(active)
    def _main():
        logits = jax.lax.dot_general(
            phb_ref[...], w_ref[...], (((1,), (1,)), ((), ())),
            preferred_element_type=jnp.float32).astype(jnp.bfloat16)
        el = jnp.exp(logits)
        eb = jnp.exp(b_ref[...]).astype(jnp.bfloat16)
        s_ref[...] += jax.lax.dot_general(
            el, eb, (((1,), (0,)), ((), ())),
            preferred_element_type=jnp.float32)

    @pl.when(active & (v == nv - 1))
    def _fin():
        lse_ref[...] = jnp.log(s_ref[...])


def _tail_stage(phs, off, w, b, bv, bounds):
    n = phs.shape[0]
    vocab, dp = w.shape
    nt = n // _BT
    nv = -(-vocab // bv)
    vp = nv * bv
    w_pad = jnp.pad(w.astype(jnp.bfloat16), ((0, vp - vocab), (0, 0)))
    b_pad = jnp.pad(b, (0, vp - vocab), constant_values=-1e30).reshape(vp, 1)
    bw = max(dp, 128)
    ob = off // bw

    def act(t, b):
        return (t >= b[0]) & (t <= b[1])

    lse = pl.pallas_call(
        functools.partial(_tail_kernel, nv=nv, bv=bv, bt=_BT, dp=dp),
        grid_spec=pltpu.PrefetchScalarGridSpec(
            num_scalar_prefetch=1,
            grid=(nt, nv),
            in_specs=[
                pl.BlockSpec(
                    (_BT, bw),
                    lambda t, v, b: (jnp.where(act(t, b), t, 0), ob)),
                pl.BlockSpec(
                    (bv, dp),
                    lambda t, v, b: (jnp.where(act(t, b), v, 0), 0)),
                pl.BlockSpec(
                    (bv, 1),
                    lambda t, v, b: (jnp.where(act(t, b), v, 0), 0)),
            ],
            out_specs=pl.BlockSpec((_BT, 1), lambda t, v, b: (t, 0)),
            scratch_shapes=[
                pltpu.VMEM((_BT, dp), jnp.bfloat16),
                pltpu.VMEM((_BT, 1), jnp.float32),
            ],
        ),
        out_shape=jax.ShapeDtypeStruct((n, 1), jnp.float32),
        compiler_params=pltpu.CompilerParams(
            dimension_semantics=("arbitrary", "arbitrary")),
    )(bounds, phs, w_pad, b_pad)
    return lse


def _sc_gather(w1, w23, bt_tab, i1, i23, ibt):
    info = plsc.get_sparse_core_info()
    nw = info.num_cores * info.num_subcores
    b = i1.shape[0]
    bpw = b // nw
    ck = 64

    mesh = plsc.VectorSubcoreMesh(core_axis_name="c", subcore_axis_name="s")

    @functools.partial(
        pl.kernel, mesh=mesh,
        out_type=[
            jax.ShapeDtypeStruct((b, w1.shape[1]), jnp.float32),
            jax.ShapeDtypeStruct((b, 128), jnp.float32),
            jax.ShapeDtypeStruct((b, 128), jnp.float32),
        ],
        scratch_types=[
            pltpu.VMEM((bpw,), jnp.int32),
            pltpu.VMEM((bpw,), jnp.int32),
            pltpu.VMEM((bpw,), jnp.int32),
            pltpu.VMEM((ck, w1.shape[1]), jnp.float32),
            pltpu.VMEM((ck, w1.shape[1]), jnp.float32),
            pltpu.VMEM((bpw, 128), jnp.float32),
            pltpu.VMEM((bpw, 128), jnp.float32),
            pltpu.SemaphoreType.DMA,
            pltpu.SemaphoreType.DMA,
        ],
    )
    def gk(w1h, w23h, bth, i1h, i23h, ibth,
           o1, o2, o3, x1, x2, xb, ra, rb, pa, pb, sa, sb):
        wid = lax.axis_index("s") * info.num_cores + lax.axis_index("c")
        base = wid * bpw
        pltpu.sync_copy(i1h.at[pl.ds(base, bpw)], x1)
        pltpu.sync_copy(i23h.at[pl.ds(base, bpw)], x2)
        pltpu.sync_copy(ibth.at[pl.ds(base, bpw)], xb)

        jobs = ((w23h, x2, o2), (bth, xb, o3))
        bufs = (pa, pb)
        sems = (sa, sb)
        cps = [None, None]
        for j, (tab, idx, _) in enumerate(jobs):
            cps[j] = pltpu.async_copy(tab.at[idx], bufs[j], sems[j])
        for j, (tab, idx, dst) in enumerate(jobs):
            cps[j].wait()
            pltpu.sync_copy(bufs[j], dst.at[pl.ds(base, bpw)])

        nck = bpw // ck
        wbufs = (ra, rb)
        wcps = [None, None]
        for j in range(min(2, nck)):
            wcps[j] = pltpu.async_copy(
                w1h.at[x1.at[pl.ds(j * ck, ck)]], wbufs[j], sems[j])
        for j in range(nck):
            wcps[j % 2].wait()
            pltpu.sync_copy(wbufs[j % 2], o1.at[pl.ds(base + j * ck, ck)])
            if j + 2 < nck:
                wcps[j % 2] = pltpu.async_copy(
                    w1h.at[x1.at[pl.ds((j + 2) * ck, ck)]], wbufs[j % 2],
                    sems[j % 2])

    return gk(w1, w23, bt_tab, i1, i23, ibt)


def _combine_kernel(c_ref, tlane_ref, s2_ref, s3_ref, ph1_ref, wg1_ref,
                    ph2_ref, wg2_ref, ph3_ref, wg3_ref, bt_ref, l1_ref,
                    l2_ref, l3_ref, out_ref):
    c = c_ref[...]

    def rdot(ph, wg):
        return jnp.sum(ph * wg, axis=1, keepdims=True)

    d1 = rdot(ph1_ref[...], wg1_ref[...])

    lane = jax.lax.broadcasted_iota(jnp.int32, wg2_ref.shape, 1)
    ph2x = jnp.where(lane // 64 == s2_ref[...],
                     jnp.concatenate([ph2_ref[:, :64]] * 2, axis=1), 0.0)
    d2 = rdot(ph2x, wg2_ref[...])
    ph3x = jnp.where(lane // 16 == s3_ref[...],
                     jnp.concatenate([ph3_ref[:, :16]] * 8, axis=1), 0.0)
    d3 = rdot(ph3x, wg3_ref[...])

    bt_sel = jnp.sum(jnp.where(lane == tlane_ref[...], bt_ref[...], 0.0),
                     axis=1, keepdims=True)

    tail_dot = jnp.where(c == 1, d1, jnp.where(c == 2, d2, d3))
    tail_lse = jnp.where(c == 1, l1_ref[...],
                         jnp.where(c == 2, l2_ref[...], l3_ref[...]))
    out_ref[...] = jnp.where(c > 0, tail_dot + bt_sel - tail_lse, 0.0)


def _unscatter_kernel(slot_ref, hl_ref, hg_ref, tc2_ref, out_ref, *, bt):
    s = slot_ref[...]
    rows = tc2_ref.shape[0]
    g = s // 128
    l = s % 128
    mg = (jax.lax.broadcasted_iota(jnp.int32, (bt, rows), 1) == g
          ).astype(jnp.float32)
    a = jax.lax.dot_general(mg, tc2_ref[...], (((1,), (0,)), ((), ())),
                            preferred_element_type=jnp.float32)
    ml = jax.lax.broadcasted_iota(jnp.int32, (bt, 128), 1) == l
    sc = jnp.sum(jnp.where(ml, a, 0.0), axis=1, keepdims=True)
    out_ref[...] = -(hg_ref[...] - hl_ref[...] + sc)


def kernel(hidden, target, w0, b0, p0, w1, b1, p1, w2, b2, p2, w3, b3, p3,
           cluster_w, cluster_b):
    shape = target.shape
    d = hidden.shape[-1]
    h = hidden.reshape(-1, d)
    t = target.reshape(-1)
    n = h.shape[0]
    nt = n // _BT

    v1, v2 = w1.shape[0], w2.shape[0]
    c1 = w0.shape[0]
    c2, c3 = c1 + v1, c1 + v1 + v2
    clus = ((t >= c1).astype(jnp.int32) + (t >= c2).astype(jnp.int32)
            + (t >= c3).astype(jnp.int32))

    v0 = w0.shape[0] + cluster_w.shape[0]
    w0c = jnp.concatenate([w0, cluster_w], axis=0)
    b0c = jnp.concatenate([b0, cluster_b], axis=0)
    hcol = jnp.where(clus == 0, t, v0 - clus)

    slot, counts = _compute_slots(clus, n)
    s1 = counts[0]
    e1 = s1 + counts[1]
    e2 = e1 + counts[2]
    bnd1 = jnp.stack([s1 // _BT, (e1 - 1) // _BT]).astype(jnp.int32)
    bnd2 = jnp.stack([e1 // _BT, (e2 - 1) // _BT]).astype(jnp.int32)
    bnd3 = jnp.stack([e2 // _BT, jnp.int32(n - 1) // _BT]).astype(jnp.int32)

    h_bf = h.astype(jnp.bfloat16)
    dp1, dp2, dp3 = p1.shape[1], p2.shape[1], p3.shape[1]
    pcat = jnp.zeros((d, _PW), jnp.bfloat16)
    pcat = pcat.at[:, :dp1].set(p1.astype(jnp.bfloat16))
    pcat = pcat.at[:, 256:256 + dp2].set(p2.astype(jnp.bfloat16))
    pcat = pcat.at[:, 384:384 + dp3].set(p3.astype(jnp.bfloat16))

    phcat = _pack_proj(h_bf, pcat, t, n, nt)
    phs = _sc_scatter(phcat, slot)
    t_s = phs[:, _TL].astype(jnp.int32)

    clus_s = ((t_s >= c1).astype(jnp.int32) + (t_s >= c2).astype(jnp.int32)
              + (t_s >= c3).astype(jnp.int32))
    off_s = jnp.where(clus_s == 1, c1, jnp.where(clus_s == 2, c2, c3))
    tcol_s = jnp.where(clus_s == 0, 0, t_s - off_s)
    i1 = jnp.where(clus_s == 1, tcol_s, 0)
    i2 = jnp.where(clus_s == 2, tcol_s, 0)
    i3 = jnp.where(clus_s == 3, tcol_s, 0)
    toff = jnp.where(clus_s == 1, 0, jnp.where(clus_s == 2, v1, v1 + v2))
    tbidx = jnp.where(clus_s == 0, 0, toff + tcol_s)

    w2p = w2.reshape(-1, 128)
    pad3 = (-w3.shape[0]) % 8
    w3p = jnp.pad(w3, ((0, pad3), (0, 0))).reshape(-1, 128)
    w23 = jnp.concatenate([w2p, w3p], axis=0)
    i23 = jnp.where(clus_s == 2, i2 // 2,
                    jnp.where(clus_s == 3, w2p.shape[0] + i3 // 8, 0))
    btail = jnp.concatenate([b1, b2, b3])
    padt = (-btail.shape[0]) % 128
    bt_tab = jnp.pad(btail, (0, padt)).reshape(-1, 128)

    hl, hg = _head_stage(h_bf, p0, w0c, b0c, hcol, 1024)
    l1 = _tail_stage(phs, 0, w1, b1, 2048, bnd1)
    l2 = _tail_stage(phs, 256, w2, b2, 8192, bnd2)
    l3 = _tail_stage(phs, 384, w3, b3, 8192, bnd3)

    wg1, wg23, btg = _sc_gather(w1, w23, bt_tab, i1, i23, tbidx // 128)

    tok_spec = pl.BlockSpec((_BT, 1), lambda i: (i, 0))

    def ph_spec(bw, off):
        return pl.BlockSpec((_BT, bw), lambda i: (i, off // bw))

    def vec_spec(dp):
        return pl.BlockSpec((_BT, dp), lambda i: (i, 0))

    tc_s = pl.pallas_call(
        _combine_kernel,
        grid=(nt,),
        in_specs=[
            tok_spec, tok_spec, tok_spec, tok_spec,
            ph_spec(256, 0), vec_spec(dp1),
            ph_spec(128, 256), vec_spec(128),
            ph_spec(128, 384), vec_spec(128),
            vec_spec(128),
            tok_spec, tok_spec, tok_spec,
        ],
        out_specs=tok_spec,
        out_shape=jax.ShapeDtypeStruct((n, 1), jnp.float32),
    )(clus_s.reshape(n, 1), (tbidx % 128).reshape(n, 1),
      (i2 % 2).reshape(n, 1), (i3 % 8).reshape(n, 1),
      phs, wg1, phs, wg23, phs, wg23, btg, l1, l2, l3)

    nll = pl.pallas_call(
        functools.partial(_unscatter_kernel, bt=_BT),
        grid=(nt,),
        in_specs=[
            tok_spec, tok_spec, tok_spec,
            pl.BlockSpec((n // 128, 128), lambda i: (0, 0)),
        ],
        out_specs=tok_spec,
        out_shape=jax.ShapeDtypeStruct((n, 1), jnp.float32),
    )(slot.reshape(n, 1), hl, hg, tc_s.reshape(n // 128, 128))
    return nll.reshape(shape)

# --- scband reference (transcript-rebuilt; emitter-appended) ---
"""Pipeline reference for scband-projected-adaptive-log-softmax-72730976191127 (READ-ONLY COPY).

The authoritative reference and input builder live on the scoring server;
editing this copy changes nothing except your own understanding.
"""

import jax, jax.numpy as jnp
import numpy as np

N_TOKENS = 267735
D_EMBED = 1024
D_PROJ = 1024
CUTOFFS = [20000, 40000, 200000]
DIV_VAL = 4


def _compute_logit(hidden, weight, bias, proj):
    # torch: F.linear(hidden, proj.t()) = hidden @ proj ; F.linear(ph, w, b) = ph @ w.T + b
    proj_hid = hidden @ proj
    return proj_hid @ weight.T + bias


def setup_inputs(seed: int = 0) -> dict:
    key = jax.random.key(seed)
    ks = jax.random.split(key, 16)
    hidden = jax.random.normal(ks[0], (4, 2048, D_PROJ), dtype=jnp.float32)
    target = jax.random.randint(ks[1], (4, 2048), 0, N_TOKENS, dtype=jnp.int32)
    inp = {"hidden": hidden, "target": target}
    cutoff_ends = [0] + CUTOFFS + [N_TOKENS]
    k = 2
    for i in range(4):
        l, r = cutoff_ends[i], cutoff_ends[i + 1]
        d_emb_i = D_EMBED // DIV_VAL ** i
        inp[f"w{i}"] = jax.random.normal(ks[k], (r - l, d_emb_i), dtype=jnp.float32) * 0.02; k += 1
        inp[f"b{i}"] = jnp.zeros((r - l,), dtype=jnp.float32)
        inp[f"p{i}"] = jax.random.normal(ks[k], (D_PROJ, d_emb_i), dtype=jnp.float32) * 0.02; k += 1
    inp["cluster_w"] = jax.random.normal(ks[k], (3, D_EMBED), dtype=jnp.float32) * 0.02
    inp["cluster_b"] = jnp.zeros((3,), dtype=jnp.float32)
    return inp


def reference(hidden, target, w0, b0, p0, w1, b1, p1, w2, b2, p2, w3, b3, p3, cluster_w, cluster_b):
    shape = target.shape
    h = hidden.reshape(-1, D_PROJ)
    t = target.reshape(-1)
    w0c = jnp.concatenate([w0, cluster_w], axis=0)
    b0c = jnp.concatenate([b0, cluster_b], axis=0)
    head_logit = _compute_logit(h, w0c, b0c, p0)
    head_lp = jax.nn.log_softmax(head_logit.astype(jnp.float32), axis=1)
    nll = jnp.zeros((h.shape[0],), dtype=jnp.float32)
    cv = [0] + CUTOFFS + [N_TOKENS]
    Ws = [w0, w1, w2, w3]
    Bs = [b0, b1, b2, b3]
    Ps = [p0, p1, p2, p3]
    for i in range(4):
        l, r = cv[i], cv[i + 1]
        mask = (t >= l) & (t < r)
        ti = jnp.clip(t - l, 0, r - l - 1)
        if i == 0:
            lp = jnp.take_along_axis(head_lp, ti[:, None], axis=1)[:, 0]
        else:
            tail_logit = _compute_logit(h, Ws[i], Bs[i], Ps[i])
            tail_lp = jax.nn.log_softmax(tail_logit.astype(jnp.float32), axis=1)
            # faithful to the original code's head_logprob_i[:, -i] indexing
            lp = head_lp[:, -i] + jnp.take_along_axis(tail_lp, ti[:, None], axis=1)[:, 0]
        nll = jnp.where(mask, -lp, nll)
    return nll.reshape(shape)

if __name__ == "__main__":
    import jax
    _d = setup_inputs()
    print(jax.jit(kernel)(*tuple(_d.values())))

</pallas_src>

<mosaic_0001>
#map = affine_map<(d0, d1) -> (0, 0)>
#map1 = affine_map<(d0, d1) -> (0)>
module attributes {stable_mosaic.version = 14 : i64} {
  func.func @gk(%arg0: i32, %arg1: i32, %arg2: memref<20000x256xf32, #tpu.memory_space<hbm>>, %arg3: memref<88467x128xf32, #tpu.memory_space<hbm>>, %arg4: memref<1936x128xf32, #tpu.memory_space<hbm>>, %arg5: memref<8192xi32, #tpu.memory_space<hbm>>, %arg6: memref<8192xi32, #tpu.memory_space<hbm>>, %arg7: memref<8192xi32, #tpu.memory_space<hbm>>, %arg8: memref<8192x256xf32, #tpu.memory_space<hbm>>, %arg9: memref<8192x128xf32, #tpu.memory_space<hbm>>, %arg10: memref<8192x128xf32, #tpu.memory_space<hbm>>, %arg11: memref<256xi32, #tpu.memory_space<vmem>>, %arg12: memref<256xi32, #tpu.memory_space<vmem>>, %arg13: memref<256xi32, #tpu.memory_space<vmem>>, %arg14: memref<64x256xf32, #tpu.memory_space<vmem>>, %arg15: memref<64x256xf32, #tpu.memory_space<vmem>>, %arg16: memref<256x128xf32, #tpu.memory_space<vmem>>, %arg17: memref<256x128xf32, #tpu.memory_space<vmem>>, %arg18: memref<!tpu.dma_semaphore, #tpu.memory_space<semaphore_mem>>, %arg19: memref<!tpu.dma_semaphore, #tpu.memory_space<semaphore_mem>>) attributes {dimension_semantics = [#tpu.dimension_semantics<core_parallel>, #tpu.dimension_semantics<subcore_parallel>], iteration_bounds = array<i64: 2, 16>, scalar_prefetch = 0 : i64, scratch_operands = 9 : i64, tpu.core_type = #tpu.core_type<sc_vector_subcore>, window_params = [{transform_indices = #map}, {transform_indices = #map}, {transform_indices = #map}, {transform_indices = #map1}, {transform_indices = #map1}, {transform_indices = #map1}, {transform_indices = #map}, {transform_indices = #map}, {transform_indices = #map}]} {
    %mul3A = arith.constant 2 : i32
    %mul3A_0 = arith.muli %arg1, %mul3A : i32
    %add3A = arith.addi %mul3A_0, %arg0 : i32
    %mul3A_1 = arith.constant 256 : i32
    %mul3A_2 = arith.muli %add3A, %mul3A_1 : i32
    "tpu.region"() ({
      %run_scoped3A = tpu.sem_alloc : memref<!tpu.dma_semaphore, #tpu.memory_space<semaphore_mem>>
      %dma_start3A_61 = tpu.memref_slice %arg5[%mul3A_2] : memref<8192xi32, #tpu.memory_space<hbm>> -> memref<256xi32, #tpu.memory_space<hbm>>
      %dma_start3A_62 = tpu.memref_slice %arg5[%mul3A_2] : memref<8192xi32, #tpu.memory_space<hbm>> -> memref<256xi32, #tpu.memory_space<hbm>>
      tpu.enqueue_dma source(%dma_start3A_62 : memref<256xi32, #tpu.memory_space<hbm>>) target(%arg11 : memref<256xi32, #tpu.memory_space<vmem>>) target_semaphore(%run_scoped3A : memref<!tpu.dma_semaphore, #tpu.memory_space<semaphore_mem>>)
      %dma_wait3A_63 = tpu.memref_slice %arg5[%mul3A_2] : memref<8192xi32, #tpu.memory_space<hbm>> -> memref<256xi32, #tpu.memory_space<hbm>>
      %dma_wait3A_64 = tpu.memref_slice %arg5[%mul3A_2] : memref<8192xi32, #tpu.memory_space<hbm>> -> memref<256xi32, #tpu.memory_space<hbm>>
      tpu.wait_dma2 semaphore(%run_scoped3A : memref<!tpu.dma_semaphore, #tpu.memory_space<semaphore_mem>>) src(%dma_wait3A_64 : memref<256xi32, #tpu.memory_space<hbm>>) dst(%arg11 : memref<256xi32, #tpu.memory_space<vmem>>)
      tpu.yield
    }) : () -> ()
    "tpu.region"() ({
      %run_scoped3A = tpu.sem_alloc : memref<!tpu.dma_semaphore, #tpu.memory_space<semaphore_mem>>
      %dma_start3A_61 = tpu.memref_slice %arg6[%mul3A_2] : memref<8192xi32, #tpu.memory_space<hbm>> -> memref<256xi32, #tpu.memory_space<hbm>>
      %dma_start3A_62 = tpu.memref_slice %arg6[%mul3A_2] : memref<8192xi32, #tpu.memory_space<hbm>> -> memref<256xi32, #tpu.memory_space<hbm>>
      tpu.enqueue_dma source(%dma_start3A_62 : memref<256xi32, #tpu.memory_space<hbm>>) target(%arg12 : memref<256xi32, #tpu.memory_space<vmem>>) target_semaphore(%run_scoped3A : memref<!tpu.dma_semaphore, #tpu.memory_space<semaphore_mem>>)
      %dma_wait3A_63 = tpu.memref_slice %arg6[%mul3A_2] : memref<8192xi32, #tpu.memory_space<hbm>> -> memref<256xi32, #tpu.memory_space<hbm>>
      %dma_wait3A_64 = tpu.memref_slice %arg6[%mul3A_2] : memref<8192xi32, #tpu.memory_space<hbm>> -> memref<256xi32, #tpu.memory_space<hbm>>
      tpu.wait_dma2 semaphore(%run_scoped3A : memref<!tpu.dma_semaphore, #tpu.memory_space<semaphore_mem>>) src(%dma_wait3A_64 : memref<256xi32, #tpu.memory_space<hbm>>) dst(%arg12 : memref<256xi32, #tpu.memory_space<vmem>>)
      tpu.yield
    }) : () -> ()
    "tpu.region"() ({
      %run_scoped3A = tpu.sem_alloc : memref<!tpu.dma_semaphore, #tpu.memory_space<semaphore_mem>>
      %dma_start3A_61 = tpu.memref_slice %arg7[%mul3A_2] : memref<8192xi32, #tpu.memory_space<hbm>> -> memref<256xi32, #tpu.memory_space<hbm>>
      %dma_start3A_62 = tpu.memref_slice %arg7[%mul3A_2] : memref<8192xi32, #tpu.memory_space<hbm>> -> memref<256xi32, #tpu.memory_space<hbm>>
      tpu.enqueue_dma source(%dma_start3A_62 : memref<256xi32, #tpu.memory_space<hbm>>) target(%arg13 : memref<256xi32, #tpu.memory_space<vmem>>) target_semaphore(%run_scoped3A : memref<!tpu.dma_semaphore, #tpu.memory_space<semaphore_mem>>)
      %dma_wait3A_63 = tpu.memref_slice %arg7[%mul3A_2] : memref<8192xi32, #tpu.memory_space<hbm>> -> memref<256xi32, #tpu.memory_space<hbm>>
      %dma_wait3A_64 = tpu.memref_slice %arg7[%mul3A_2] : memref<8192xi32, #tpu.memory_space<hbm>> -> memref<256xi32, #tpu.memory_space<hbm>>
      tpu.wait_dma2 semaphore(%run_scoped3A : memref<!tpu.dma_semaphore, #tpu.memory_space<semaphore_mem>>) src(%dma_wait3A_64 : memref<256xi32, #tpu.memory_space<hbm>>) dst(%arg13 : memref<256xi32, #tpu.memory_space<vmem>>)
      tpu.yield
    }) : () -> ()
    %dma_start3A = arith.constant 0 : i32
    %dma_start3A_3 = arith.constant 0 : i32
    %dma_start3A_4 = tpu.memref_slice %arg3[%dma_start3A, %dma_start3A_3] : memref<88467x128xf32, #tpu.memory_space<hbm>> -> memref<88467x128xf32, #tpu.memory_space<hbm>>
    tpu.enqueue_indirect_dma source(%dma_start3A_4 : memref<88467x128xf32, #tpu.memory_space<hbm>>) target(%arg16 : memref<256x128xf32, #tpu.memory_space<vmem>>) offsets(%arg12 : memref<256xi32, #tpu.memory_space<vmem>>) semaphore(%arg18 : memref<!tpu.dma_semaphore, #tpu.memory_space<semaphore_mem>>)
    %dma_start3A_5 = arith.constant 0 : i32
    %dma_start3A_6 = arith.constant 0 : i32
    %dma_start3A_7 = tpu.memref_slice %arg4[%dma_start3A_5, %dma_start3A_6] : memref<1936x128xf32, #tpu.memory_space<hbm>> -> memref<1936x128xf32, #tpu.memory_space<hbm>>
    tpu.enqueue_indirect_dma source(%dma_start3A_7 : memref<1936x128xf32, #tpu.memory_space<hbm>>) target(%arg17 : memref<256x128xf32, #tpu.memory_space<vmem>>) offsets(%arg13 : memref<256xi32, #tpu.memory_space<vmem>>) semaphore(%arg19 : memref<!tpu.dma_semaphore, #tpu.memory_space<semaphore_mem>>)
    %dma_wait3A = arith.constant 0 : i32
    %dma_wait3A_8 = arith.constant 0 : i32
    %dma_wait3A_9 = tpu.memref_slice %arg3[%dma_wait3A, %dma_wait3A_8] : memref<88467x128xf32, #tpu.memory_space<hbm>> -> memref<88467x128xf32, #tpu.memory_space<hbm>>
    tpu.wait_indirect_dma semaphore(%arg18 : memref<!tpu.dma_semaphore, #tpu.memory_space<semaphore_mem>>) src(%dma_wait3A_9 : memref<88467x128xf32, #tpu.memory_space<hbm>>) dst(%arg16 : memref<256x128xf32, #tpu.memory_space<vmem>>)
    "tpu.region"() ({
      %run_scoped3A = tpu.sem_alloc : memref<!tpu.dma_semaphore, #tpu.memory_space<semaphore_mem>>
      %dma_start3A_61 = arith.constant 0 : i32
      %dma_start3A_62 = tpu.memref_slice %arg9[%mul3A_2, %dma_start3A_61] : memref<8192x128xf32, #tpu.memory_space<hbm>> -> memref<256x128xf32, #tpu.memory_space<hbm>>
      %dma_start3A_63 = arith.constant 0 : i32
      %dma_start3A_64 = tpu.memref_slice %arg9[%mul3A_2, %dma_start3A_63] : memref<8192x128xf32, #tpu.memory_space<hbm>> -> memref<256x128xf32, #tpu.memory_space<hbm>>
      tpu.enqueue_dma source(%arg16 : memref<256x128xf32, #tpu.memory_space<vmem>>) target(%dma_start3A_64 : memref<256x128xf32, #tpu.memory_space<hbm>>) target_semaphore(%run_scoped3A : memref<!tpu.dma_semaphore, #tpu.memory_space<semaphore_mem>>)
      %dma_wait3A_65 = arith.constant 0 : i32
      %dma_wait3A_66 = tpu.memref_slice %arg9[%mul3A_2, %dma_wait3A_65] : memref<8192x128xf32, #tpu.memory_space<hbm>> -> memref<256x128xf32, #tpu.memory_space<hbm>>
      %dma_wait3A_67 = arith.constant 0 : i32
      %dma_wait3A_68 = tpu.memref_slice %arg9[%mul3A_2, %dma_wait3A_67] : memref<8192x128xf32, #tpu.memory_space<hbm>> -> memref<256x128xf32, #tpu.memory_space<hbm>>
      tpu.wait_dma2 semaphore(%run_scoped3A : memref<!tpu.dma_semaphore, #tpu.memory_space<semaphore_mem>>) src(%arg16 : memref<256x128xf32, #tpu.memory_space<vmem>>) dst(%dma_wait3A_68 : memref<256x128xf32, #tpu.memory_space<hbm>>)
      tpu.yield
    }) : () -> ()
    %dma_wait3A_10 = arith.constant 0 : i32
    %dma_wait3A_11 = arith.constant 0 : i32
    %dma_wait3A_12 = tpu.memref_slice %arg4[%dma_wait3A_10, %dma_wait3A_11] : memref<1936x128xf32, #tpu.memory_space<hbm>> -> memref<1936x128xf32, #tpu.memory_space<hbm>>
    tpu.wait_indirect_dma semaphore(%arg19 : memref<!tpu.dma_semaphore, #tpu.memory_space<semaphore_mem>>) src(%dma_wait3A_12 : memref<1936x128xf32, #tpu.memory_space<hbm>>) dst(%arg17 : memref<256x128xf32, #tpu.memory_space<vmem>>)
    "tpu.region"() ({
      %run_scoped3A = tpu.sem_alloc : memref<!tpu.dma_semaphore, #tpu.memory_space<semaphore_mem>>
      %dma_start3A_61 = arith.constant 0 : i32
      %dma_start3A_62 = tpu.memref_slice %arg10[%mul3A_2, %dma_start3A_61] : memref<8192x128xf32, #tpu.memory_space<hbm>> -> memref<256x128xf32, #tpu.memory_space<hbm>>
      %dma_start3A_63 = arith.constant 0 : i32
      %dma_start3A_64 = tpu.memref_slice %arg10[%mul3A_2, %dma_start3A_63] : memref<8192x128xf32, #tpu.memory_space<hbm>> -> memref<256x128xf32, #tpu.memory_space<hbm>>
      tpu.enqueue_dma source(%arg17 : memref<256x128xf32, #tpu.memory_space<vmem>>) target(%dma_start3A_64 : memref<256x128xf32, #tpu.memory_space<hbm>>) target_semaphore(%run_scoped3A : memref<!tpu.dma_semaphore, #tpu.memory_space<semaphore_mem>>)
      %dma_wait3A_65 = arith.constant 0 : i32
      %dma_wait3A_66 = tpu.memref_slice %arg10[%mul3A_2, %dma_wait3A_65] : memref<8192x128xf32, #tpu.memory_space<hbm>> -> memref<256x128xf32, #tpu.memory_space<hbm>>
      %dma_wait3A_67 = arith.constant 0 : i32
      %dma_wait3A_68 = tpu.memref_slice %arg10[%mul3A_2, %dma_wait3A_67] : memref<8192x128xf32, #tpu.memory_space<hbm>> -> memref<256x128xf32, #tpu.memory_space<hbm>>
      tpu.wait_dma2 semaphore(%run_scoped3A : memref<!tpu.dma_semaphore, #tpu.memory_space<semaphore_mem>>) src(%arg17 : memref<256x128xf32, #tpu.memory_space<vmem>>) dst(%dma_wait3A_68 : memref<256x128xf32, #tpu.memory_space<hbm>>)
      tpu.yield
    }) : () -> ()
    %dma_start3A_13 = arith.constant 0 : i32
    %dma_start3A_14 = tpu.memref_slice %arg11[%dma_start3A_13] : memref<256xi32, #tpu.memory_space<vmem>> -> memref<64xi32, #tpu.memory_space<vmem>>
    %dma_start3A_15 = arith.constant 0 : i32
    %dma_start3A_16 = arith.constant 0 : i32
    %dma_start3A_17 = tpu.memref_slice %arg2[%dma_start3A_15, %dma_start3A_16] : memref<20000x256xf32, #tpu.memory_space<hbm>> -> memref<20000x256xf32, #tpu.memory_space<hbm>>
    tpu.enqueue_indirect_dma source(%dma_start3A_17 : memref<20000x256xf32, #tpu.memory_space<hbm>>) target(%arg14 : memref<64x256xf32, #tpu.memory_space<vmem>>) offsets(%dma_start3A_14 : memref<64xi32, #tpu.memory_space<vmem>>) semaphore(%arg18 : memref<!tpu.dma_semaphore, #tpu.memory_space<semaphore_mem>>)
    %dma_start3A_18 = arith.constant 64 : i32
    %dma_start3A_19 = tpu.memref_slice %arg11[%dma_start3A_18] : memref<256xi32, #tpu.memory_space<vmem>> -> memref<64xi32, #tpu.memory_space<vmem>>
    %dma_start3A_20 = arith.constant 0 : i32
    %dma_start3A_21 = arith.constant 0 : i32
    %dma_start3A_22 = tpu.memref_slice %arg2[%dma_start3A_20, %dma_start3A_21] : memref<20000x256xf32, #tpu.memory_space<hbm>> -> memref<20000x256xf32, #tpu.memory_space<hbm>>
    tpu.enqueue_indirect_dma source(%dma_start3A_22 : memref<20000x256xf32, #tpu.memory_space<hbm>>) target(%arg15 : memref<64x256xf32, #tpu.memory_space<vmem>>) offsets(%dma_start3A_19 : memref<64xi32, #tpu.memory_space<vmem>>) semaphore(%arg19 : memref<!tpu.dma_semaphore, #tpu.memory_space<semaphore_mem>>)
    %dma_wait3A_23 = arith.constant 0 : i32
    %dma_wait3A_24 = tpu.memref_slice %arg11[%dma_wait3A_23] : memref<256xi32, #tpu.memory_space<vmem>> -> memref<64xi32, #tpu.memory_space<vmem>>
    %dma_wait3A_25 = arith.constant 0 : i32
    %dma_wait3A_26 = arith.constant 0 : i32
    %dma_wait3A_27 = tpu.memref_slice %arg2[%dma_wait3A_25, %dma_wait3A_26] : memref<20000x256xf32, #tpu.memory_space<hbm>> -> memref<20000x256xf32, #tpu.memory_space<hbm>>
    tpu.wait_indirect_dma semaphore(%arg18 : memref<!tpu.dma_semaphore, #tpu.memory_space<semaphore_mem>>) src(%dma_wait3A_27 : memref<20000x256xf32, #tpu.memory_space<hbm>>) dst(%arg14 : memref<64x256xf32, #tpu.memory_space<vmem>>)
    %add3A_28 = arith.constant 0 : i32
    %add3A_29 = arith.addi %mul3A_2, %add3A_28 : i32
    "tpu.region"() ({
      %run_scoped3A = tpu.sem_alloc : memref<!tpu.dma_semaphore, #tpu.memory_space<semaphore_mem>>
      %dma_start3A_61 = arith.constant 0 : i32
      %dma_start3A_62 = tpu.memref_slice %arg8[%add3A_29, %dma_start3A_61] : memref<8192x256xf32, #tpu.memory_space<hbm>> -> memref<64x256xf32, #tpu.memory_space<hbm>>
      %dma_start3A_63 = arith.constant 0 : i32
      %dma_start3A_64 = tpu.memref_slice %arg8[%add3A_29, %dma_start3A_63] : memref<8192x256xf32, #tpu.memory_space<hbm>> -> memref<64x256xf32, #tpu.memory_space<hbm>>
      tpu.enqueue_dma source(%arg14 : memref<64x256xf32, #tpu.memory_space<vmem>>) target(%dma_start3A_64 : memref<64x256xf32, #tpu.memory_space<hbm>>) target_semaphore(%run_scoped3A : memref<!tpu.dma_semaphore, #tpu.memory_space<semaphore_mem>>)
      %dma_wait3A_65 = arith.constant 0 : i32
      %dma_wait3A_66 = tpu.memref_slice %arg8[%add3A_29, %dma_wait3A_65] : memref<8192x256xf32, #tpu.memory_space<hbm>> -> memref<64x256xf32, #tpu.memory_space<hbm>>
      %dma_wait3A_67 = arith.constant 0 : i32
      %dma_wait3A_68 = tpu.memref_slice %arg8[%add3A_29, %dma_wait3A_67] : memref<8192x256xf32, #tpu.memory_space<hbm>> -> memref<64x256xf32, #tpu.memory_space<hbm>>
      tpu.wait_dma2 semaphore(%run_scoped3A : memref<!tpu.dma_semaphore, #tpu.memory_space<semaphore_mem>>) src(%arg14 : memref<64x256xf32, #tpu.memory_space<vmem>>) dst(%dma_wait3A_68 : memref<64x256xf32, #tpu.memory_space<hbm>>)
      tpu.yield
    }) : () -> ()
    %dma_start3A_30 = arith.constant 128 : i32
    %dma_start3A_31 = tpu.memref_slice %arg11[%dma_start3A_30] : memref<256xi32, #tpu.memory_space<vmem>> -> memref<64xi32, #tpu.memory_space<vmem>>
    %dma_start3A_32 = arith.constant 0 : i32
    %dma_start3A_33 = arith.constant 0 : i32
    %dma_start3A_34 = tpu.memref_slice %arg2[%dma_start3A_32, %dma_start3A_33] : memref<20000x256xf32, #tpu.memory_space<hbm>> -> memref<20000x256xf32, #tpu.memory_space<hbm>>
    tpu.enqueue_indirect_dma source(%dma_start3A_34 : memref<20000x256xf32, #tpu.memory_space<hbm>>) target(%arg14 : memref<64x256xf32, #tpu.memory_space<vmem>>) offsets(%dma_start3A_31 : memref<64xi32, #tpu.memory_space<vmem>>) semaphore(%arg18 : memref<!tpu.dma_semaphore, #tpu.memory_space<semaphore_mem>>)
    %dma_wait3A_35 = arith.constant 64 : i32
    %dma_wait3A_36 = tpu.memref_slice %arg11[%dma_wait3A_35] : memref<256xi32, #tpu.memory_space<vmem>> -> memref<64xi32, #tpu.memory_space<vmem>>
    %dma_wait3A_37 = arith.constant 0 : i32
    %dma_wait3A_38 = arith.constant 0 : i32
    %dma_wait3A_39 = tpu.memref_slice %arg2[%dma_wait3A_37, %dma_wait3A_38] : memref<20000x256xf32, #tpu.memory_space<hbm>> -> memref<20000x256xf32, #tpu.memory_space<hbm>>
    tpu.wait_indirect_dma semaphore(%arg19 : memref<!tpu.dma_semaphore, #tpu.memory_space<semaphore_mem>>) src(%dma_wait3A_39 : memref<20000x256xf32, #tpu.memory_space<hbm>>) dst(%arg15 : memref<64x256xf32, #tpu.memory_space<vmem>>)
    %add3A_40 = arith.constant 64 : i32
    %add3A_41 = arith.addi %mul3A_2, %add3A_40 : i32
    "tpu.region"() ({
      %run_scoped3A = tpu.sem_alloc : memref<!tpu.dma_semaphore, #tpu.memory_space<semaphore_mem>>
      %dma_start3A_61 = arith.constant 0 : i32
      %dma_start3A_62 = tpu.memref_slice %arg8[%add3A_41, %dma_start3A_61] : memref<8192x256xf32, #tpu.memory_space<hbm>> -> memref<64x256xf32, #tpu.memory_space<hbm>>
      %dma_start3A_63 = arith.constant 0 : i32
      %dma_start3A_64 = tpu.memref_slice %arg8[%add3A_41, %dma_start3A_63] : memref<8192x256xf32, #tpu.memory_space<hbm>> -> memref<64x256xf32, #tpu.memory_space<hbm>>
      tpu.enqueue_dma source(%arg15 : memref<64x256xf32, #tpu.memory_space<vmem>>) target(%dma_start3A_64 : memref<64x256xf32, #tpu.memory_space<hbm>>) target_semaphore(%run_scoped3A : memref<!tpu.dma_semaphore, #tpu.memory_space<semaphore_mem>>)
      %dma_wait3A_65 = arith.constant 0 : i32
      %dma_wait3A_66 = tpu.memref_slice %arg8[%add3A_41, %dma_wait3A_65] : memref<8192x256xf32, #tpu.memory_space<hbm>> -> memref<64x256xf32, #tpu.memory_space<hbm>>
      %dma_wait3A_67 = arith.constant 0 : i32
      %dma_wait3A_68 = tpu.memref_slice %arg8[%add3A_41, %dma_wait3A_67] : memref<8192x256xf32, #tpu.memory_space<hbm>> -> memref<64x256xf32, #tpu.memory_space<hbm>>
      tpu.wait_dma2 semaphore(%run_scoped3A : memref<!tpu.dma_semaphore, #tpu.memory_space<semaphore_mem>>) src(%arg15 : memref<64x256xf32, #tpu.memory_space<vmem>>) dst(%dma_wait3A_68 : memref<64x256xf32, #tpu.memory_space<hbm>>)
      tpu.yield
    }) : () -> ()
    %dma_start3A_42 = arith.constant 192 : i32
    %dma_start3A_43 = tpu.memref_slice %arg11[%dma_start3A_42] : memref<256xi32, #tpu.memory_space<vmem>> -> memref<64xi32, #tpu.memory_space<vmem>>
    %dma_start3A_44 = arith.constant 0 : i32
    %dma_start3A_45 = arith.constant 0 : i32
    %dma_start3A_46 = tpu.memref_slice %arg2[%dma_start3A_44, %dma_start3A_45] : memref<20000x256xf32, #tpu.memory_space<hbm>> -> memref<20000x256xf32, #tpu.memory_space<hbm>>
    tpu.enqueue_indirect_dma source(%dma_start3A_46 : memref<20000x256xf32, #tpu.memory_space<hbm>>) target(%arg15 : memref<64x256xf32, #tpu.memory_space<vmem>>) offsets(%dma_start3A_43 : memref<64xi32, #tpu.memory_space<vmem>>) semaphore(%arg19 : memref<!tpu.dma_semaphore, #tpu.memory_space<semaphore_mem>>)
    %dma_wait3A_47 = arith.constant 128 : i32
    %dma_wait3A_48 = tpu.memref_slice %arg11[%dma_wait3A_47] : memref<256xi32, #tpu.memory_space<vmem>> -> memref<64xi32, #tpu.memory_space<vmem>>
    %dma_wait3A_49 = arith.constant 0 : i32
    %dma_wait3A_50 = arith.constant 0 : i32
    %dma_wait3A_51 = tpu.memref_slice %arg2[%dma_wait3A_49, %dma_wait3A_50] : memref<20000x256xf32, #tpu.memory_space<hbm>> -> memref<20000x256xf32, #tpu.memory_space<hbm>>
    tpu.wait_indirect_dma semaphore(%arg18 : memref<!tpu.dma_semaphore, #tpu.memory_space<semaphore_mem>>) src(%dma_wait3A_51 : memref<20000x256xf32, #tpu.memory_space<hbm>>) dst(%arg14 : memref<64x256xf32, #tpu.memory_space<vmem>>)
    %add3A_52 = arith.constant 128 : i32
    %add3A_53 = arith.addi %mul3A_2, %add3A_52 : i32
    "tpu.region"() ({
      %run_scoped3A = tpu.sem_alloc : memref<!tpu.dma_semaphore, #tpu.memory_space<semaphore_mem>>
      %dma_start3A_61 = arith.constant 0 : i32
      %dma_start3A_62 = tpu.memref_slice %arg8[%add3A_53, %dma_start3A_61] : memref<8192x256xf32, #tpu.memory_space<hbm>> -> memref<64x256xf32, #tpu.memory_space<hbm>>
      %dma_start3A_63 = arith.constant 0 : i32
      %dma_start3A_64 = tpu.memref_slice %arg8[%add3A_53, %dma_start3A_63] : memref<8192x256xf32, #tpu.memory_space<hbm>> -> memref<64x256xf32, #tpu.memory_space<hbm>>
      tpu.enqueue_dma source(%arg14 : memref<64x256xf32, #tpu.memory_space<vmem>>) target(%dma_start3A_64 : memref<64x256xf32, #tpu.memory_space<hbm>>) target_semaphore(%run_scoped3A : memref<!tpu.dma_semaphore, #tpu.memory_space<semaphore_mem>>)
      %dma_wait3A_65 = arith.constant 0 : i32
      %dma_wait3A_66 = tpu.memref_slice %arg8[%add3A_53, %dma_wait3A_65] : memref<8192x256xf32, #tpu.memory_space<hbm>> -> memref<64x256xf32, #tpu.memory_space<hbm>>
      %dma_wait3A_67 = arith.constant 0 : i32
      %dma_wait3A_68 = tpu.memref_slice %arg8[%add3A_53, %dma_wait3A_67] : memref<8192x256xf32, #tpu.memory_space<hbm>> -> memref<64x256xf32, #tpu.memory_space<hbm>>
      tpu.wait_dma2 semaphore(%run_scoped3A : memref<!tpu.dma_semaphore, #tpu.memory_space<semaphore_mem>>) src(%arg14 : memref<64x256xf32, #tpu.memory_space<vmem>>) dst(%dma_wait3A_68 : memref<64x256xf32, #tpu.memory_space<hbm>>)
      tpu.yield
    }) : () -> ()
    %dma_wait3A_54 = arith.constant 192 : i32
    %dma_wait3A_55 = tpu.memref_slice %arg11[%dma_wait3A_54] : memref<256xi32, #tpu.memory_space<vmem>> -> memref<64xi32, #tpu.memory_space<vmem>>
    %dma_wait3A_56 = arith.constant 0 : i32
    %dma_wait3A_57 = arith.constant 0 : i32
    %dma_wait3A_58 = tpu.memref_slice %arg2[%dma_wait3A_56, %dma_wait3A_57] : memref<20000x256xf32, #tpu.memory_space<hbm>> -> memref<20000x256xf32, #tpu.memory_space<hbm>>
    tpu.wait_indirect_dma semaphore(%arg19 : memref<!tpu.dma_semaphore, #tpu.memory_space<semaphore_mem>>) src(%dma_wait3A_58 : memref<20000x256xf32, #tpu.memory_space<hbm>>) dst(%arg15 : memref<64x256xf32, #tpu.memory_space<vmem>>)
    %add3A_59 = arith.constant 192 : i32
    %add3A_60 = arith.addi %mul3A_2, %add3A_59 : i32
    "tpu.region"() ({
      %run_scoped3A = tpu.sem_alloc : memref<!tpu.dma_semaphore, #tpu.memory_space<semaphore_mem>>
      %dma_start3A_61 = arith.constant 0 : i32
      %dma_start3A_62 = tpu.memref_slice %arg8[%add3A_60, %dma_start3A_61] : memref<8192x256xf32, #tpu.memory_space<hbm>> -> memref<64x256xf32, #tpu.memory_space<hbm>>
      %dma_start3A_63 = arith.constant 0 : i32
      %dma_start3A_64 = tpu.memref_slice %arg8[%add3A_60, %dma_start3A_63] : memref<8192x256xf32, #tpu.memory_space<hbm>> -> memref<64x256xf32, #tpu.memory_space<hbm>>
      tpu.enqueue_dma source(%arg15 : memref<64x256xf32, #tpu.memory_space<vmem>>) target(%dma_start3A_64 : memref<64x256xf32, #tpu.memory_space<hbm>>) target_semaphore(%run_scoped3A : memref<!tpu.dma_semaphore, #tpu.memory_space<semaphore_mem>>)
      %dma_wait3A_65 = arith.constant 0 : i32
      %dma_wait3A_66 = tpu.memref_slice %arg8[%add3A_60, %dma_wait3A_65] : memref<8192x256xf32, #tpu.memory_space<hbm>> -> memref<64x256xf32, #tpu.memory_space<hbm>>
      %dma_wait3A_67 = arith.constant 0 : i32
      %dma_wait3A_68 = tpu.memref_slice %arg8[%add3A_60, %dma_wait3A_67] : memref<8192x256xf32, #tpu.memory_space<hbm>> -> memref<64x256xf32, #tpu.memory_space<hbm>>
      tpu.wait_dma2 semaphore(%run_scoped3A : memref<!tpu.dma_semaphore, #tpu.memory_space<semaphore_mem>>) src(%arg15 : memref<64x256xf32, #tpu.memory_space<vmem>>) dst(%dma_wait3A_68 : memref<64x256xf32, #tpu.memory_space<hbm>>)
      tpu.yield
    }) : () -> ()
    return
  }
}

#map = affine_map<(d0, d1) -> (0, 0)>
#map1 = affine_map<(d0, d1) -> (0)>
module attributes {stable_mosaic.version = 14 : i64} {
  func.func @sk(%arg0: i32, %arg1: i32, %arg2: memref<8192x512xf32, #tpu.memory_space<hbm>>, %arg3: memref<8192xi32, #tpu.memory_space<hbm>>, %arg4: memref<8192x512xf32, #tpu.memory_space<hbm>>, %arg5: memref<64xi32, #tpu.memory_space<vmem>>, %arg6: memref<64xi32, #tpu.memory_space<vmem>>, %arg7: memref<64x512xf32, #tpu.memory_space<vmem>>, %arg8: memref<64x512xf32, #tpu.memory_space<vmem>>, %arg9: memref<!tpu.dma_semaphore, #tpu.memory_space<semaphore_mem>>, %arg10: memref<!tpu.dma_semaphore, #tpu.memory_space<semaphore_mem>>) attributes {dimension_semantics = [#tpu.dimension_semantics<core_parallel>, #tpu.dimension_semantics<subcore_parallel>], iteration_bounds = array<i64: 2, 16>, scalar_prefetch = 0 : i64, scratch_operands = 6 : i64, tpu.core_type = #tpu.core_type<sc_vector_subcore>, window_params = [{transform_indices = #map}, {transform_indices = #map1}, {transform_indices = #map}]} {
    %mul3A = arith.constant 2 : i32
    %mul3A_0 = arith.muli %arg1, %mul3A : i32
    %add3A = arith.addi %mul3A_0, %arg0 : i32
    %mul3A_1 = arith.constant 256 : i32
    %mul3A_2 = arith.muli %add3A, %mul3A_1 : i32
    %add3A_3 = arith.constant 0 : i32
    %add3A_4 = arith.addi %mul3A_2, %add3A_3 : i32
    "tpu.region"() ({
      %run_scoped3A = tpu.sem_alloc : memref<!tpu.dma_semaphore, #tpu.memory_space<semaphore_mem>>
      %dma_start3A_41 = tpu.memref_slice %arg3[%add3A_4] : memref<8192xi32, #tpu.memory_space<hbm>> -> memref<64xi32, #tpu.memory_space<hbm>>
      %dma_start3A_42 = tpu.memref_slice %arg3[%add3A_4] : memref<8192xi32, #tpu.memory_space<hbm>> -> memref<64xi32, #tpu.memory_space<hbm>>
      tpu.enqueue_dma source(%dma_start3A_42 : memref<64xi32, #tpu.memory_space<hbm>>) target(%arg5 : memref<64xi32, #tpu.memory_space<vmem>>) target_semaphore(%run_scoped3A : memref<!tpu.dma_semaphore, #tpu.memory_space<semaphore_mem>>)
      %dma_wait3A_43 = tpu.memref_slice %arg3[%add3A_4] : memref<8192xi32, #tpu.memory_space<hbm>> -> memref<64xi32, #tpu.memory_space<hbm>>
      %dma_wait3A_44 = tpu.memref_slice %arg3[%add3A_4] : memref<8192xi32, #tpu.memory_space<hbm>> -> memref<64xi32, #tpu.memory_space<hbm>>
      tpu.wait_dma2 semaphore(%run_scoped3A : memref<!tpu.dma_semaphore, #tpu.memory_space<semaphore_mem>>) src(%dma_wait3A_44 : memref<64xi32, #tpu.memory_space<hbm>>) dst(%arg5 : memref<64xi32, #tpu.memory_space<vmem>>)
      tpu.yield
    }) : () -> ()
    %add3A_5 = arith.constant 0 : i32
    %add3A_6 = arith.addi %mul3A_2, %add3A_5 : i32
    "tpu.region"() ({
      %run_scoped3A = tpu.sem_alloc : memref<!tpu.dma_semaphore, #tpu.memory_space<semaphore_mem>>
      %dma_start3A_41 = arith.constant 0 : i32
      %dma_start3A_42 = tpu.memref_slice %arg2[%add3A_6, %dma_start3A_41] : memref<8192x512xf32, #tpu.memory_space<hbm>> -> memref<64x512xf32, #tpu.memory_space<hbm>>
      %dma_start3A_43 = arith.constant 0 : i32
      %dma_start3A_44 = tpu.memref_slice %arg2[%add3A_6, %dma_start3A_43] : memref<8192x512xf32, #tpu.memory_space<hbm>> -> memref<64x512xf32, #tpu.memory_space<hbm>>
      tpu.enqueue_dma source(%dma_start3A_44 : memref<64x512xf32, #tpu.memory_space<hbm>>) target(%arg7 : memref<64x512xf32, #tpu.memory_space<vmem>>) target_semaphore(%run_scoped3A : memref<!tpu.dma_semaphore, #tpu.memory_space<semaphore_mem>>)
      %dma_wait3A_45 = arith.constant 0 : i32
      %dma_wait3A_46 = tpu.memref_slice %arg2[%add3A_6, %dma_wait3A_45] : memref<8192x512xf32, #tpu.memory_space<hbm>> -> memref<64x512xf32, #tpu.memory_space<hbm>>
      %dma_wait3A_47 = arith.constant 0 : i32
      %dma_wait3A_48 = tpu.memref_slice %arg2[%add3A_6, %dma_wait3A_47] : memref<8192x512xf32, #tpu.memory_space<hbm>> -> memref<64x512xf32, #tpu.memory_space<hbm>>
      tpu.wait_dma2 semaphore(%run_scoped3A : memref<!tpu.dma_semaphore, #tpu.memory_space<semaphore_mem>>) src(%dma_wait3A_48 : memref<64x512xf32, #tpu.memory_space<hbm>>) dst(%arg7 : memref<64x512xf32, #tpu.memory_space<vmem>>)
      tpu.yield
    }) : () -> ()
    %dma_start3A = arith.constant 0 : i32
    %dma_start3A_7 = arith.constant 0 : i32
    %dma_start3A_8 = tpu.memref_slice %arg4[%dma_start3A, %dma_start3A_7] : memref<8192x512xf32, #tpu.memory_space<hbm>> -> memref<8192x512xf32, #tpu.memory_space<hbm>>
    tpu.enqueue_indirect_dma source(%arg7 : memref<64x512xf32, #tpu.memory_space<vmem>>) target(%dma_start3A_8 : memref<8192x512xf32, #tpu.memory_space<hbm>>) offsets(%arg5 : memref<64xi32, #tpu.memory_space<vmem>>) semaphore(%arg9 : memref<!tpu.dma_semaphore, #tpu.memory_space<semaphore_mem>>)
    %add3A_9 = arith.constant 64 : i32
    %add3A_10 = arith.addi %mul3A_2, %add3A_9 : i32
    "tpu.region"() ({
      %run_scoped3A = tpu.sem_alloc : memref<!tpu.dma_semaphore, #tpu.memory_space<semaphore_mem>>
      %dma_start3A_41 = tpu.memref_slice %arg3[%add3A_10] : memref<8192xi32, #tpu.memory_space<hbm>> -> memref<64xi32, #tpu.memory_space<hbm>>
      %dma_start3A_42 = tpu.memref_slice %arg3[%add3A_10] : memref<8192xi32, #tpu.memory_space<hbm>> -> memref<64xi32, #tpu.memory_space<hbm>>
      tpu.enqueue_dma source(%dma_start3A_42 : memref<64xi32, #tpu.memory_space<hbm>>) target(%arg6 : memref<64xi32, #tpu.memory_space<vmem>>) target_semaphore(%run_scoped3A : memref<!tpu.dma_semaphore, #tpu.memory_space<semaphore_mem>>)
      %dma_wait3A_43 = tpu.memref_slice %arg3[%add3A_10] : memref<8192xi32, #tpu.memory_space<hbm>> -> memref<64xi32, #tpu.memory_space<hbm>>
      %dma_wait3A_44 = tpu.memref_slice %arg3[%add3A_10] : memref<8192xi32, #tpu.memory_space<hbm>> -> memref<64xi32, #tpu.memory_space<hbm>>
      tpu.wait_dma2 semaphore(%run_scoped3A : memref<!tpu.dma_semaphore, #tpu.memory_space<semaphore_mem>>) src(%dma_wait3A_44 : memref<64xi32, #tpu.memory_space<hbm>>) dst(%arg6 : memref<64xi32, #tpu.memory_space<vmem>>)
      tpu.yield
    }) : () -> ()
    %add3A_11 = arith.constant 64 : i32
    %add3A_12 = arith.addi %mul3A_2, %add3A_11 : i32
    "tpu.region"() ({
      %run_scoped3A = tpu.sem_alloc : memref<!tpu.dma_semaphore, #tpu.memory_space<semaphore_mem>>
      %dma_start3A_41 = arith.constant 0 : i32
      %dma_start3A_42 = tpu.memref_slice %arg2[%add3A_12, %dma_start3A_41] : memref<8192x512xf32, #tpu.memory_space<hbm>> -> memref<64x512xf32, #tpu.memory_space<hbm>>
      %dma_start3A_43 = arith.constant 0 : i32
      %dma_start3A_44 = tpu.memref_slice %arg2[%add3A_12, %dma_start3A_43] : memref<8192x512xf32, #tpu.memory_space<hbm>> -> memref<64x512xf32, #tpu.memory_space<hbm>>
      tpu.enqueue_dma source(%dma_start3A_44 : memref<64x512xf32, #tpu.memory_space<hbm>>) target(%arg8 : memref<64x512xf32, #tpu.memory_space<vmem>>) target_semaphore(%run_scoped3A : memref<!tpu.dma_semaphore, #tpu.memory_space<semaphore_mem>>)
      %dma_wait3A_45 = arith.constant 0 : i32
      %dma_wait3A_46 = tpu.memref_slice %arg2[%add3A_12, %dma_wait3A_45] : memref<8192x512xf32, #tpu.memory_space<hbm>> -> memref<64x512xf32, #tpu.memory_space<hbm>>
      %dma_wait3A_47 = arith.constant 0 : i32
      %dma_wait3A_48 = tpu.memref_slice %arg2[%add3A_12, %dma_wait3A_47] : memref<8192x512xf32, #tpu.memory_space<hbm>> -> memref<64x512xf32, #tpu.memory_space<hbm>>
      tpu.wait_dma2 semaphore(%run_scoped3A : memref<!tpu.dma_semaphore, #tpu.memory_space<semaphore_mem>>) src(%dma_wait3A_48 : memref<64x512xf32, #tpu.memory_space<hbm>>) dst(%arg8 : memref<64x512xf32, #tpu.memory_space<vmem>>)
      tpu.yield
    }) : () -> ()
    %dma_start3A_13 = arith.constant 0 : i32
    %dma_start3A_14 = arith.constant 0 : i32
    %dma_start3A_15 = tpu.memref_slice %arg4[%dma_start3A_13, %dma_start3A_14] : memref<8192x512xf32, #tpu.memory_space<hbm>> -> memref<8192x512xf32, #tpu.memory_space<hbm>>
    tpu.enqueue_indirect_dma source(%arg8 : memref<64x512xf32, #tpu.memory_space<vmem>>) target(%dma_start3A_15 : memref<8192x512xf32, #tpu.memory_space<hbm>>) offsets(%arg6 : memref<64xi32, #tpu.memory_space<vmem>>) semaphore(%arg10 : memref<!tpu.dma_semaphore, #tpu.memory_space<semaphore_mem>>)
    %dma_wait3A = arith.constant 0 : i32
    %dma_wait3A_16 = arith.constant 0 : i32
    %dma_wait3A_17 = tpu.memref_slice %arg4[%dma_wait3A, %dma_wait3A_16] : memref<8192x512xf32, #tpu.memory_space<hbm>> -> memref<8192x512xf32, #tpu.memory_space<hbm>>
    tpu.wait_indirect_dma semaphore(%arg9 : memref<!tpu.dma_semaphore, #tpu.memory_space<semaphore_mem>>) src(%arg7 : memref<64x512xf32, #tpu.memory_space<vmem>>) dst(%dma_wait3A_17 : memref<8192x512xf32, #tpu.memory_space<hbm>>)
    %add3A_18 = arith.constant 128 : i32
    %add3A_19 = arith.addi %mul3A_2, %add3A_18 : i32
    "tpu.region"() ({
      %run_scoped3A = tpu.sem_alloc : memref<!tpu.dma_semaphore, #tpu.memory_space<semaphore_mem>>
      %dma_start3A_41 = tpu.memref_slice %arg3[%add3A_19] : memref<8192xi32, #tpu.memory_space<hbm>> -> memref<64xi32, #tpu.memory_space<hbm>>
      %dma_start3A_42 = tpu.memref_slice %arg3[%add3A_19] : memref<8192xi32, #tpu.memory_space<hbm>> -> memref<64xi32, #tpu.memory_space<hbm>>
      tpu.enqueue_dma source(%dma_start3A_42 : memref<64xi32, #tpu.memory_space<hbm>>) target(%arg5 : memref<64xi32, #tpu.memory_space<vmem>>) target_semaphore(%run_scoped3A : memref<!tpu.dma_semaphore, #tpu.memory_space<semaphore_mem>>)
      %dma_wait3A_43 = tpu.memref_slice %arg3[%add3A_19] : memref<8192xi32, #tpu.memory_space<hbm>> -> memref<64xi32, #tpu.memory_space<hbm>>
      %dma_wait3A_44 = tpu.memref_slice %arg3[%add3A_19] : memref<8192xi32, #tpu.memory_space<hbm>> -> memref<64xi32, #tpu.memory_space<hbm>>
      tpu.wait_dma2 semaphore(%run_scoped3A : memref<!tpu.dma_semaphore, #tpu.memory_space<semaphore_mem>>) src(%dma_wait3A_44 : memref<64xi32, #tpu.memory_space<hbm>>) dst(%arg5 : memref<64xi32, #tpu.memory_space<vmem>>)
      tpu.yield
    }) : () -> ()
    %add3A_20 = arith.constant 128 : i32
    %add3A_21 = arith.addi %mul3A_2, %add3A_20 : i32
    "tpu.region"() ({
      %run_scoped3A = tpu.sem_alloc : memref<!tpu.dma_semaphore, #tpu.memory_space<semaphore_mem>>
      %dma_start3A_41 = arith.constant 0 : i32
      %dma_start3A_42 = tpu.memref_slice %arg2[%add3A_21, %dma_start3A_41] : memref<8192x512xf32, #tpu.memory_space<hbm>> -> memref<64x512xf32, #tpu.memory_space<hbm>>
      %dma_start3A_43 = arith.constant 0 : i32
      %dma_start3A_44 = tpu.memref_slice %arg2[%add3A_21, %dma_start3A_43] : memref<8192x512xf32, #tpu.memory_space<hbm>> -> memref<64x512xf32, #tpu.memory_space<hbm>>
      tpu.enqueue_dma source(%dma_start3A_44 : memref<64x512xf32, #tpu.memory_space<hbm>>) target(%arg7 : memref<64x512xf32, #tpu.memory_space<vmem>>) target_semaphore(%run_scoped3A : memref<!tpu.dma_semaphore, #tpu.memory_space<semaphore_mem>>)
      %dma_wait3A_45 = arith.constant 0 : i32
      %dma_wait3A_46 = tpu.memref_slice %arg2[%add3A_21, %dma_wait3A_45] : memref<8192x512xf32, #tpu.memory_space<hbm>> -> memref<64x512xf32, #tpu.memory_space<hbm>>
      %dma_wait3A_47 = arith.constant 0 : i32
      %dma_wait3A_48 = tpu.memref_slice %arg2[%add3A_21, %dma_wait3A_47] : memref<8192x512xf32, #tpu.memory_space<hbm>> -> memref<64x512xf32, #tpu.memory_space<hbm>>
      tpu.wait_dma2 semaphore(%run_scoped3A : memref<!tpu.dma_semaphore, #tpu.memory_space<semaphore_mem>>) src(%dma_wait3A_48 : memref<64x512xf32, #tpu.memory_space<hbm>>) dst(%arg7 : memref<64x512xf32, #tpu.memory_space<vmem>>)
      tpu.yield
    }) : () -> ()
    %dma_start3A_22 = arith.constant 0 : i32
    %dma_start3A_23 = arith.constant 0 : i32
    %dma_start3A_24 = tpu.memref_slice %arg4[%dma_start3A_22, %dma_start3A_23] : memref<8192x512xf32, #tpu.memory_space<hbm>> -> memref<8192x512xf32, #tpu.memory_space<hbm>>
    tpu.enqueue_indirect_dma source(%arg7 : memref<64x512xf32, #tpu.memory_space<vmem>>) target(%dma_start3A_24 : memref<8192x512xf32, #tpu.memory_space<hbm>>) offsets(%arg5 : memref<64xi32, #tpu.memory_space<vmem>>) semaphore(%arg9 : memref<!tpu.dma_semaphore, #tpu.memory_space<semaphore_mem>>)
    %dma_wait3A_25 = arith.constant 0 : i32
    %dma_wait3A_26 = arith.constant 0 : i32
    %dma_wait3A_27 = tpu.memref_slice %arg4[%dma_wait3A_25, %dma_wait3A_26] : memref<8192x512xf32, #tpu.memory_space<hbm>> -> memref<8192x512xf32, #tpu.memory_space<hbm>>
    tpu.wait_indirect_dma semaphore(%arg10 : memref<!tpu.dma_semaphore, #tpu.memory_space<semaphore_mem>>) src(%arg8 : memref<64x512xf32, #tpu.memory_space<vmem>>) dst(%dma_wait3A_27 : memref<8192x512xf32, #tpu.memory_space<hbm>>)
    %add3A_28 = arith.constant 192 : i32
    %add3A_29 = arith.addi %mul3A_2, %add3A_28 : i32
    "tpu.region"() ({
      %run_scoped3A = tpu.sem_alloc : memref<!tpu.dma_semaphore, #tpu.memory_space<semaphore_mem>>
      %dma_start3A_41 = tpu.memref_slice %arg3[%add3A_29] : memref<8192xi32, #tpu.memory_space<hbm>> -> memref<64xi32, #tpu.memory_space<hbm>>
      %dma_start3A_42 = tpu.memref_slice %arg3[%add3A_29] : memref<8192xi32, #tpu.memory_space<hbm>> -> memref<64xi32, #tpu.memory_space<hbm>>
      tpu.enqueue_dma source(%dma_start3A_42 : memref<64xi32, #tpu.memory_space<hbm>>) target(%arg6 : memref<64xi32, #tpu.memory_space<vmem>>) target_semaphore(%run_scoped3A : memref<!tpu.dma_semaphore, #tpu.memory_space<semaphore_mem>>)
      %dma_wait3A_43 = tpu.memref_slice %arg3[%add3A_29] : memref<8192xi32, #tpu.memory_space<hbm>> -> memref<64xi32, #tpu.memory_space<hbm>>
      %dma_wait3A_44 = tpu.memref_slice %arg3[%add3A_29] : memref<8192xi32, #tpu.memory_space<hbm>> -> memref<64xi32, #tpu.memory_space<hbm>>
      tpu.wait_dma2 semaphore(%run_scoped3A : memref<!tpu.dma_semaphore, #tpu.memory_space<semaphore_mem>>) src(%dma_wait3A_44 : memref<64xi32, #tpu.memory_space<hbm>>) dst(%arg6 : memref<64xi32, #tpu.memory_space<vmem>>)
      tpu.yield
    }) : () -> ()
    %add3A_30 = arith.constant 192 : i32
    %add3A_31 = arith.addi %mul3A_2, %add3A_30 : i32
    "tpu.region"() ({
      %run_scoped3A = tpu.sem_alloc : memref<!tpu.dma_semaphore, #tpu.memory_space<semaphore_mem>>
      %dma_start3A_41 = arith.constant 0 : i32
      %dma_start3A_42 = tpu.memref_slice %arg2[%add3A_31, %dma_start3A_41] : memref<8192x512xf32, #tpu.memory_space<hbm>> -> memref<64x512xf32, #tpu.memory_space<hbm>>
      %dma_start3A_43 = arith.constant 0 : i32
      %dma_start3A_44 = tpu.memref_slice %arg2[%add3A_31, %dma_start3A_43] : memref<8192x512xf32, #tpu.memory_space<hbm>> -> memref<64x512xf32, #tpu.memory_space<hbm>>
      tpu.enqueue_dma source(%dma_start3A_44 : memref<64x512xf32, #tpu.memory_space<hbm>>) target(%arg8 : memref<64x512xf32, #tpu.memory_space<vmem>>) target_semaphore(%run_scoped3A : memref<!tpu.dma_semaphore, #tpu.memory_space<semaphore_mem>>)
      %dma_wait3A_45 = arith.constant 0 : i32
      %dma_wait3A_46 = tpu.memref_slice %arg2[%add3A_31, %dma_wait3A_45] : memref<8192x512xf32, #tpu.memory_space<hbm>> -> memref<64x512xf32, #tpu.memory_space<hbm>>
      %dma_wait3A_47 = arith.constant 0 : i32
      %dma_wait3A_48 = tpu.memref_slice %arg2[%add3A_31, %dma_wait3A_47] : memref<8192x512xf32, #tpu.memory_space<hbm>> -> memref<64x512xf32, #tpu.memory_space<hbm>>
      tpu.wait_dma2 semaphore(%run_scoped3A : memref<!tpu.dma_semaphore, #tpu.memory_space<semaphore_mem>>) src(%dma_wait3A_48 : memref<64x512xf32, #tpu.memory_space<hbm>>) dst(%arg8 : memref<64x512xf32, #tpu.memory_space<vmem>>)
      tpu.yield
    }) : () -> ()
    %dma_start3A_32 = arith.constant 0 : i32
    %dma_start3A_33 = arith.constant 0 : i32
    %dma_start3A_34 = tpu.memref_slice %arg4[%dma_start3A_32, %dma_start3A_33] : memref<8192x512xf32, #tpu.memory_space<hbm>> -> memref<8192x512xf32, #tpu.memory_space<hbm>>
    tpu.enqueue_indirect_dma source(%arg8 : memref<64x512xf32, #tpu.memory_space<vmem>>) target(%dma_start3A_34 : memref<8192x512xf32, #tpu.memory_space<hbm>>) offsets(%arg6 : memref<64xi32, #tpu.memory_space<vmem>>) semaphore(%arg10 : memref<!tpu.dma_semaphore, #tpu.memory_space<semaphore_mem>>)
    %dma_wait3A_35 = arith.constant 0 : i32
    %dma_wait3A_36 = arith.constant 0 : i32
    %dma_wait3A_37 = tpu.memref_slice %arg4[%dma_wait3A_35, %dma_wait3A_36] : memref<8192x512xf32, #tpu.memory_space<hbm>> -> memref<8192x512xf32, #tpu.memory_space<hbm>>
    tpu.wait_indirect_dma semaphore(%arg9 : memref<!tpu.dma_semaphore, #tpu.memory_space<semaphore_mem>>) src(%arg7 : memref<64x512xf32, #tpu.memory_space<vmem>>) dst(%dma_wait3A_37 : memref<8192x512xf32, #tpu.memory_space<hbm>>)
    %dma_wait3A_38 = arith.constant 0 : i32
    %dma_wait3A_39 = arith.constant 0 : i32
    %dma_wait3A_40 = tpu.memref_slice %arg4[%dma_wait3A_38, %dma_wait3A_39] : memref<8192x512xf32, #tpu.memory_space<hbm>> -> memref<8192x512xf32, #tpu.memory_space<hbm>>
    tpu.wait_indirect_dma semaphore(%arg10 : memref<!tpu.dma_semaphore, #tpu.memory_space<semaphore_mem>>) src(%arg8 : memref<64x512xf32, #tpu.memory_space<vmem>>) dst(%dma_wait3A_40 : memref<8192x512xf32, #tpu.memory_space<hbm>>)
    return
  }
}

module attributes {stable_mosaic.version = 14 : i64} {
  func.func @_slot_kernel(%arg0: memref<64x128xi32, #tpu.memory_space<vmem>>, %arg1: memref<64x128xi32, #tpu.memory_space<vmem>>, %arg2: memref<8x128xi32, #tpu.memory_space<vmem>>) attributes {dimension_semantics = [], scalar_prefetch = 0 : i64, scratch_operands = 0 : i64, tpu.core_type = #tpu.core_type<tc>} {
    %get3A = arith.constant 0 : index
    %get3A_0 = arith.constant 0 : index
    %get3A_1 = vector.load %arg0[%get3A, %get3A_0] : memref<64x128xi32, #tpu.memory_space<vmem>>, vector<64x128xi32>
    %iota3A = tpu.iota {dimensions = array<i32: 0>} : vector<128x128xi32>
    %iota3A_2 = tpu.iota {dimensions = array<i32: 1>} : vector<128x128xi32>
    %lt3A = arith.cmpi slt, %iota3A, %iota3A_2 : vector<128x128xi32>
    %convert_element_type3A = arith.extui %lt3A : vector<128x128xi1> to vector<128x128xi32>
    %convert_element_type3A_3 = arith.sitofp %convert_element_type3A : vector<128x128xi32> to vector<128x128xf32>
    %iota3A_4 = tpu.iota {dimensions = array<i32: 0>} : vector<64x64xi32>
    %iota3A_5 = tpu.iota {dimensions = array<i32: 1>} : vector<64x64xi32>
    %gt3A = arith.cmpi sgt, %iota3A_4, %iota3A_5 : vector<64x64xi32>
    %convert_element_type3A_6 = arith.extui %gt3A : vector<64x64xi1> to vector<64x64xi32>
    %convert_element_type3A_7 = arith.sitofp %convert_element_type3A_6 : vector<64x64xi32> to vector<64x64xf32>
    %broadcast_in_dim3A = arith.constant 1.000000e+00 : f32
    %broadcast_in_dim3A_8 = vector.broadcast %broadcast_in_dim3A : f32 to vector<128x1xf32>
    %broadcast_in_dim3A_9 = arith.constant 0.000000e+00 : f32
    %broadcast_in_dim3A_10 = vector.broadcast %broadcast_in_dim3A_9 : f32 to vector<64x128xf32>
    %eq3A = arith.constant 0 : i32
    %eq3A_11 = vector.broadcast %eq3A : i32 to vector<64x128xi32>
    %eq3A_12 = arith.cmpi eq, %get3A_1, %eq3A_11 : vector<64x128xi32>
    %convert_element_type3A_13 = arith.extui %eq3A_12 : vector<64x128xi1> to vector<64x128xi32>
    %convert_element_type3A_14 = arith.sitofp %convert_element_type3A_13 : vector<64x128xi32> to vector<64x128xf32>
    %dot_general3A = arith.constant dense<0.000000e+00> : vector<64x128xf32>
    %dot_general3A_15 = tpu.matmul %convert_element_type3A_14, %convert_element_type3A_3, %dot_general3A {dimension_numbers = #tpu.dot_dimension_numbers<[1], [0], [0], [1], [0, 0, 1, 1], [], []>, transpose_lhs_hint = false} : vector<64x128xf32>, vector<128x128xf32>, vector<64x128xf32> -> vector<64x128xf32>
    %dot_general3A_16 = arith.constant dense<0.000000e+00> : vector<64x1xf32>
    %dot_general3A_17 = tpu.matmul %convert_element_type3A_14, %broadcast_in_dim3A_8, %dot_general3A_16 {dimension_numbers = #tpu.dot_dimension_numbers<[1], [0], [0], [1], [0, 0, 1, 1], [], []>, transpose_lhs_hint = false} : vector<64x128xf32>, vector<128x1xf32>, vector<64x1xf32> -> vector<64x1xf32>
    %dot_general3A_18 = arith.constant dense<0.000000e+00> : vector<64x1xf32>
    %dot_general3A_19 = tpu.matmul %convert_element_type3A_7, %dot_general3A_17, %dot_general3A_18 {dimension_numbers = #tpu.dot_dimension_numbers<[1], [0], [0], [1], [0, 0, 1, 1], [], []>, transpose_lhs_hint = false} : vector<64x64xf32>, vector<64x1xf32>, vector<64x1xf32> -> vector<64x1xf32>
    %add3A = arith.constant 0.000000e+00 : f32
    %add3A_20 = vector.broadcast %add3A : f32 to vector<64x128xf32>
    %add3A_21 = arith.addf %add3A_20, %dot_general3A_15 : vector<64x128xf32>
    %add3A_22 = vector.broadcast %dot_general3A_19 : vector<64x1xf32> to vector<64x128xf32>
    %add3A_23 = arith.addf %add3A_21, %add3A_22 : vector<64x128xf32>
    %mul3A = arith.mulf %convert_element_type3A_14, %add3A_23 : vector<64x128xf32>
    %add3A_24 = arith.addf %broadcast_in_dim3A_10, %mul3A : vector<64x128xf32>
    %reduce_sum3A = vector.shape_cast %dot_general3A_17 : vector<64x1xf32> to vector<1x64x1xf32>
    %reduce_sum3A_25 = arith.constant dense<0.000000e+00> : vector<1xf32>
    %reduce_sum3A_26 = vector.multi_reduction <add>, %reduce_sum3A, %reduce_sum3A_25 [1, 2] : vector<1x64x1xf32> to vector<1xf32>
    %reduce_sum3A_27 = vector.shape_cast %reduce_sum3A_26 : vector<1xf32> to vector<1x1x1xf32>
    %reduce_sum3A_28 = vector.extract %reduce_sum3A_27[0, 0, 0] : f32 from vector<1x1x1xf32>
    %broadcast_in_dim3A_29 = vector.broadcast %reduce_sum3A_28 : f32 to vector<1x128xf32>
    %convert_element_type3A_30 = arith.fptosi %broadcast_in_dim3A_29 : vector<1x128xf32> to vector<1x128xi32>
    %swap3A = arith.constant 0 : index
    %swap3A_31 = arith.constant 0 : index
    %swap3A_32 = vector.load %arg2[%swap3A, %swap3A_31] : memref<8x128xi32, #tpu.memory_space<vmem>>, vector<1x128xi32>
    tpu.vector_store %arg2[%swap3A, %swap3A_31], %convert_element_type3A_30 {strides = array<i32>} : memref<8x128xi32, #tpu.memory_space<vmem>>, vector<1x128xi32>,
    %add3A_33 = arith.constant 0.000000e+00 : f32
    %add3A_34 = arith.addf %add3A_33, %reduce_sum3A_28 : f32
    %eq3A_35 = arith.constant 1 : i32
    %eq3A_36 = vector.broadcast %eq3A_35 : i32 to vector<64x128xi32>
    %eq3A_37 = arith.cmpi eq, %get3A_1, %eq3A_36 : vector<64x128xi32>
    %convert_element_type3A_38 = arith.extui %eq3A_37 : vector<64x128xi1> to vector<64x128xi32>
    %convert_element_type3A_39 = arith.sitofp %convert_element_type3A_38 : vector<64x128xi32> to vector<64x128xf32>
    %dot_general3A_40 = arith.constant dense<0.000000e+00> : vector<64x128xf32>
    %dot_general3A_41 = tpu.matmul %convert_element_type3A_39, %convert_element_type3A_3, %dot_general3A_40 {dimension_numbers = #tpu.dot_dimension_numbers<[1], [0], [0], [1], [0, 0, 1, 1], [], []>, transpose_lhs_hint = false} : vector<64x128xf32>, vector<128x128xf32>, vector<64x128xf32> -> vector<64x128xf32>
    %dot_general3A_42 = arith.constant dense<0.000000e+00> : vector<64x1xf32>
    %dot_general3A_43 = tpu.matmul %convert_element_type3A_39, %broadcast_in_dim3A_8, %dot_general3A_42 {dimension_numbers = #tpu.dot_dimension_numbers<[1], [0], [0], [1], [0, 0, 1, 1], [], []>, transpose_lhs_hint = false} : vector<64x128xf32>, vector<128x1xf32>, vector<64x1xf32> -> vector<64x1xf32>
    %dot_general3A_44 = arith.constant dense<0.000000e+00> : vector<64x1xf32>
    %dot_general3A_45 = tpu.matmul %convert_element_type3A_7, %dot_general3A_43, %dot_general3A_44 {dimension_numbers = #tpu.dot_dimension_numbers<[1], [0], [0], [1], [0, 0, 1, 1], [], []>, transpose_lhs_hint = false} : vector<64x64xf32>, vector<64x1xf32>, vector<64x1xf32> -> vector<64x1xf32>
    %add3A_46 = vector.broadcast %add3A_34 : f32 to vector<64x128xf32>
    %add3A_47 = arith.addf %add3A_46, %dot_general3A_41 : vector<64x128xf32>
    %add3A_48 = vector.broadcast %dot_general3A_45 : vector<64x1xf32> to vector<64x128xf32>
    %add3A_49 = arith.addf %add3A_47, %add3A_48 : vector<64x128xf32>
    %mul3A_50 = arith.mulf %convert_element_type3A_39, %add3A_49 : vector<64x128xf32>
    %add3A_51 = arith.addf %add3A_24, %mul3A_50 : vector<64x128xf32>
    %reduce_sum3A_52 = vector.shape_cast %dot_general3A_43 : vector<64x1xf32> to vector<1x64x1xf32>
    %reduce_sum3A_53 = arith.constant dense<0.000000e+00> : vector<1xf32>
    %reduce_sum3A_54 = vector.multi_reduction <add>, %reduce_sum3A_52, %reduce_sum3A_53 [1, 2] : vector<1x64x1xf32> to vector<1xf32>
    %reduce_sum3A_55 = vector.shape_cast %reduce_sum3A_54 : vector<1xf32> to vector<1x1x1xf32>
    %reduce_sum3A_56 = vector.extract %reduce_sum3A_55[0, 0, 0] : f32 from vector<1x1x1xf32>
    %broadcast_in_dim3A_57 = vector.broadcast %reduce_sum3A_56 : f32 to vector<1x128xf32>
    %convert_element_type3A_58 = arith.fptosi %broadcast_in_dim3A_57 : vector<1x128xf32> to vector<1x128xi32>
    %swap3A_59 = arith.constant 1 : index
    %swap3A_60 = arith.constant 0 : index
    %swap3A_61 = vector.load %arg2[%swap3A_59, %swap3A_60] : memref<8x128xi32, #tpu.memory_space<vmem>>, vector<1x128xi32>
    tpu.vector_store %arg2[%swap3A_59, %swap3A_60], %convert_element_type3A_58 {strides = array<i32>} : memref<8x128xi32, #tpu.memory_space<vmem>>, vector<1x128xi32>,
    %add3A_62 = arith.addf %add3A_34, %reduce_sum3A_56 : f32
    %eq3A_63 = arith.constant 2 : i32
    %eq3A_64 = vector.broadcast %eq3A_63 : i32 to vector<64x128xi32>
    %eq3A_65 = arith.cmpi eq, %get3A_1, %eq3A_64 : vector<64x128xi32>
    %convert_element_type3A_66 = arith.extui %eq3A_65 : vector<64x128xi1> to vector<64x128xi32>
    %convert_element_type3A_67 = arith.sitofp %convert_element_type3A_66 : vector<64x128xi32> to vector<64x128xf32>
    %dot_general3A_68 = arith.constant dense<0.000000e+00> : vector<64x128xf32>
    %dot_general3A_69 = tpu.matmul %convert_element_type3A_67, %convert_element_type3A_3, %dot_general3A_68 {dimension_numbers = #tpu.dot_dimension_numbers<[1], [0], [0], [1], [0, 0, 1, 1], [], []>, transpose_lhs_hint = false} : vector<64x128xf32>, vector<128x128xf32>, vector<64x128xf32> -> vector<64x128xf32>
    %dot_general3A_70 = arith.constant dense<0.000000e+00> : vector<64x1xf32>
    %dot_general3A_71 = tpu.matmul %convert_element_type3A_67, %broadcast_in_dim3A_8, %dot_general3A_70 {dimension_numbers = #tpu.dot_dimension_numbers<[1], [0], [0], [1], [0, 0, 1, 1], [], []>, transpose_lhs_hint = false} : vector<64x128xf32>, vector<128x1xf32>, vector<64x1xf32> -> vector<64x1xf32>
    %dot_general3A_72 = arith.constant dense<0.000000e+00> : vector<64x1xf32>
    %dot_general3A_73 = tpu.matmul %convert_element_type3A_7, %dot_general3A_71, %dot_general3A_72 {dimension_numbers = #tpu.dot_dimension_numbers<[1], [0], [0], [1], [0, 0, 1, 1], [], []>, transpose_lhs_hint = false} : vector<64x64xf32>, vector<64x1xf32>, vector<64x1xf32> -> vector<64x1xf32>
    %add3A_74 = vector.broadcast %add3A_62 : f32 to vector<64x128xf32>
    %add3A_75 = arith.addf %add3A_74, %dot_general3A_69 : vector<64x128xf32>
    %add3A_76 = vector.broadcast %dot_general3A_73 : vector<64x1xf32> to vector<64x128xf32>
    %add3A_77 = arith.addf %add3A_75, %add3A_76 : vector<64x128xf32>
    %mul3A_78 = arith.mulf %convert_element_type3A_67, %add3A_77 : vector<64x128xf32>
    %add3A_79 = arith.addf %add3A_51, %mul3A_78 : vector<64x128xf32>
    %reduce_sum3A_80 = vector.shape_cast %dot_general3A_71 : vector<64x1xf32> to vector<1x64x1xf32>
    %reduce_sum3A_81 = arith.constant dense<0.000000e+00> : vector<1xf32>
    %reduce_sum3A_82 = vector.multi_reduction <add>, %reduce_sum3A_80, %reduce_sum3A_81 [1, 2] : vector<1x64x1xf32> to vector<1xf32>
    %reduce_sum3A_83 = vector.shape_cast %reduce_sum3A_82 : vector<1xf32> to vector<1x1x1xf32>
    %reduce_sum3A_84 = vector.extract %reduce_sum3A_83[0, 0, 0] : f32 from vector<1x1x1xf32>
    %broadcast_in_dim3A_85 = vector.broadcast %reduce_sum3A_84 : f32 to vector<1x128xf32>
    %convert_element_type3A_86 = arith.fptosi %broadcast_in_dim3A_85 : vector<1x128xf32> to vector<1x128xi32>
    %swap3A_87 = arith.constant 2 : index
    %swap3A_88 = arith.constant 0 : index
    %swap3A_89 = vector.load %arg2[%swap3A_87, %swap3A_88] : memref<8x128xi32, #tpu.memory_space<vmem>>, vector<1x128xi32>
    tpu.vector_store %arg2[%swap3A_87, %swap3A_88], %convert_element_type3A_86 {strides = array<i32>} : memref<8x128xi32, #tpu.memory_space<vmem>>, vector<1x128xi32>,
    %add3A_90 = arith.addf %add3A_62, %reduce_sum3A_84 : f32
    %eq3A_91 = arith.constant 3 : i32
    %eq3A_92 = vector.broadcast %eq3A_91 : i32 to vector<64x128xi32>
    %eq3A_93 = arith.cmpi eq, %get3A_1, %eq3A_92 : vector<64x128xi32>
    %convert_element_type3A_94 = arith.extui %eq3A_93 : vector<64x128xi1> to vector<64x128xi32>
    %convert_element_type3A_95 = arith.sitofp %convert_element_type3A_94 : vector<64x128xi32> to vector<64x128xf32>
    %dot_general3A_96 = arith.constant dense<0.000000e+00> : vector<64x128xf32>
    %dot_general3A_97 = tpu.matmul %convert_element_type3A_95, %convert_element_type3A_3, %dot_general3A_96 {dimension_numbers = #tpu.dot_dimension_numbers<[1], [0], [0], [1], [0, 0, 1, 1], [], []>, transpose_lhs_hint = false} : vector<64x128xf32>, vector<128x128xf32>, vector<64x128xf32> -> vector<64x128xf32>
    %dot_general3A_98 = arith.constant dense<0.000000e+00> : vector<64x1xf32>
    %dot_general3A_99 = tpu.matmul %convert_element_type3A_95, %broadcast_in_dim3A_8, %dot_general3A_98 {dimension_numbers = #tpu.dot_dimension_numbers<[1], [0], [0], [1], [0, 0, 1, 1], [], []>, transpose_lhs_hint = false} : vector<64x128xf32>, vector<128x1xf32>, vector<64x1xf32> -> vector<64x1xf32>
    %dot_general3A_100 = arith.constant dense<0.000000e+00> : vector<64x1xf32>
    %dot_general3A_101 = tpu.matmul %convert_element_type3A_7, %dot_general3A_99, %dot_general3A_100 {dimension_numbers = #tpu.dot_dimension_numbers<[1], [0], [0], [1], [0, 0, 1, 1], [], []>, transpose_lhs_hint = false} : vector<64x64xf32>, vector<64x1xf32>, vector<64x1xf32> -> vector<64x1xf32>
    %add3A_102 = vector.broadcast %add3A_90 : f32 to vector<64x128xf32>
    %add3A_103 = arith.addf %add3A_102, %dot_general3A_97 : vector<64x128xf32>
    %add3A_104 = vector.broadcast %dot_general3A_101 : vector<64x1xf32> to vector<64x128xf32>
    %add3A_105 = arith.addf %add3A_103, %add3A_104 : vector<64x128xf32>
    %mul3A_106 = arith.mulf %convert_element_type3A_95, %add3A_105 : vector<64x128xf32>
    %add3A_107 = arith.addf %add3A_79, %mul3A_106 : vector<64x128xf32>
    %reduce_sum3A_108 = vector.shape_cast %dot_general3A_99 : vector<64x1xf32> to vector<1x64x1xf32>
    %reduce_sum3A_109 = arith.constant dense<0.000000e+00> : vector<1xf32>
    %reduce_sum3A_110 = vector.multi_reduction <add>, %reduce_sum3A_108, %reduce_sum3A_109 [1, 2] : vector<1x64x1xf32> to vector<1xf32>
    %reduce_sum3A_111 = vector.shape_cast %reduce_sum3A_110 : vector<1xf32> to vector<1x1x1xf32>
    %reduce_sum3A_112 = vector.extract %reduce_sum3A_111[0, 0, 0] : f32 from vector<1x1x1xf32>
    %broadcast_in_dim3A_113 = vector.broadcast %reduce_sum3A_112 : f32 to vector<1x128xf32>
    %convert_element_type3A_114 = arith.fptosi %broadcast_in_dim3A_113 : vector<1x128xf32> to vector<1x128xi32>
    %swap3A_115 = arith.constant 3 : index
    %swap3A_116 = arith.constant 0 : index
    %swap3A_117 = vector.load %arg2[%swap3A_115, %swap3A_116] : memref<8x128xi32, #tpu.memory_space<vmem>>, vector<1x128xi32>
    tpu.vector_store %arg2[%swap3A_115, %swap3A_116], %convert_element_type3A_114 {strides = array<i32>} : memref<8x128xi32, #tpu.memory_space<vmem>>, vector<1x128xi32>,
    %convert_element_type3A_118 = arith.fptosi %add3A_107 : vector<64x128xf32> to vector<64x128xi32>
    %swap3A_119 = arith.constant 0 : index
    %swap3A_120 = arith.constant 0 : index
    %swap3A_121 = vector.load %arg1[%swap3A_119, %swap3A_120] : memref<64x128xi32, #tpu.memory_space<vmem>>, vector<64x128xi32>
    tpu.vector_store %arg1[%swap3A_119, %swap3A_120], %convert_element_type3A_118 {strides = array<i32>} : memref<64x128xi32, #tpu.memory_space<vmem>>, vector<64x128xi32>,
    return
  }
}

module attributes {stable_mosaic.version = 14 : i64} {
  func.func @_proj_kernel(%arg0: i32, %arg1: memref<512x1024xbf16, #tpu.memory_space<vmem>>, %arg2: memref<1024x512xbf16, #tpu.memory_space<vmem>>, %arg3: memref<512x1xf32, #tpu.memory_space<vmem>>, %arg4: memref<512x512xf32, #tpu.memory_space<vmem>>) attributes {dimension_semantics = [#tpu.dimension_semantics<arbitrary>], iteration_bounds = array<i64: 16>, scalar_prefetch = 0 : i64, scratch_operands = 0 : i64, tpu.core_type = #tpu.core_type<tc>, window_params = [{transform_indices = @transform_0, window_bounds = array<i64: 512, 1024>}, {pipeline_mode = #tpu.pipeline_mode<synchronous>, transform_indices = @transform_1, window_bounds = array<i64: 1024, 512>}, {transform_indices = @transform_2, window_bounds = array<i64: 512, 1>}, {transform_indices = @transform_3, window_bounds = array<i64: 512, 512>}]} {
    %get3A = arith.constant 0 : index
    %get3A_0 = arith.constant 0 : index
    %get3A_1 = vector.load %arg1[%get3A, %get3A_0] : memref<512x1024xbf16, #tpu.memory_space<vmem>>, vector<512x1024xbf16>
    %get3A_2 = arith.constant 0 : index
    %get3A_3 = arith.constant 0 : index
    %get3A_4 = vector.load %arg2[%get3A_2, %get3A_3] : memref<1024x512xbf16, #tpu.memory_space<vmem>>, vector<1024x512xbf16>
    %dot_general3A = arith.constant dense<0.000000e+00> : vector<512x512xf32>
    %dot_general3A_5 = tpu.matmul %get3A_1, %get3A_4, %dot_general3A {dimension_numbers = #tpu.dot_dimension_numbers<[1], [0], [0], [1], [0, 0, 1, 1], [], []>, transpose_lhs_hint = false} : vector<512x1024xbf16>, vector<1024x512xbf16>, vector<512x512xf32> -> vector<512x512xf32>
    %iota3A = tpu.iota {dimensions = array<i32: 1>} : vector<512x512xi32>
    %eq3A = arith.constant 448 : i32
    %eq3A_6 = vector.broadcast %eq3A : i32 to vector<512x512xi32>
    %eq3A_7 = arith.cmpi eq, %iota3A, %eq3A_6 : vector<512x512xi32>
    %get3A_8 = arith.constant 0 : index
    %get3A_9 = arith.constant 0 : index
    %get3A_10 = vector.load %arg3[%get3A_8, %get3A_9] : memref<512x1xf32, #tpu.memory_space<vmem>>, vector<512x1xf32>
    %jit3A = arith.constant 0.000000e+00 : f32
    %broadcast_in_dim3A = vector.shape_cast %get3A_10 : vector<512x1xf32> to vector<512x1xf32>
    %broadcast_in_dim3A_11 = vector.broadcast %broadcast_in_dim3A : vector<512x1xf32> to vector<512x512xf32>
    %broadcast_in_dim3A_12 = vector.broadcast %jit3A : f32 to vector<512x512xf32>
    %select_n3A = arith.select %eq3A_7, %broadcast_in_dim3A_11, %broadcast_in_dim3A_12 : vector<512x512xi1>, vector<512x512xf32>
    %add3A = arith.addf %dot_general3A_5, %select_n3A : vector<512x512xf32>
    %swap3A = arith.constant 0 : index
    %swap3A_13 = arith.constant 0 : index
    %swap3A_14 = vector.load %arg4[%swap3A, %swap3A_13] : memref<512x512xf32, #tpu.memory_space<vmem>>, vector<512x512xf32>
    tpu.vector_store %arg4[%swap3A, %swap3A_13], %add3A {strides = array<i32>} : memref<512x512xf32, #tpu.memory_space<vmem>>, vector<512x512xf32>,
    return
  }
  func.func @transform_0(%arg0: i32) -> (i32, i32) {
    %c0_i32 = arith.constant 0 : i32
    %c0_i32_0 = arith.constant 0 : i32
    return %arg0, %c0_i32 : i32, i32
  }
  func.func @transform_1(%arg0: i32) -> (i32, i32) {
    %c0_i32 = arith.constant 0 : i32
    %c0_i32_0 = arith.constant 0 : i32
    %c0_i32_1 = arith.constant 0 : i32
    return %c0_i32, %c0_i32_0 : i32, i32
  }
  func.func @transform_2(%arg0: i32) -> (i32, i32) {
    %c0_i32 = arith.constant 0 : i32
    %c0_i32_0 = arith.constant 0 : i32
    return %arg0, %c0_i32 : i32, i32
  }
  func.func @transform_3(%arg0: i32) -> (i32, i32) {
    %c0_i32 = arith.constant 0 : i32
    %c0_i32_0 = arith.constant 0 : i32
    return %arg0, %c0_i32 : i32, i32
  }
}

module attributes {stable_mosaic.version = 14 : i64} {
  func.func @_head_kernel(%arg0: i32, %arg1: i32, %arg2: memref<1x512x1xi32, #tpu.memory_space<vmem>>, %arg3: memref<512x1024xbf16, #tpu.memory_space<vmem>>, %arg4: memref<1024x1024xbf16, #tpu.memory_space<vmem>>, %arg5: memref<1024x1024xbf16, #tpu.memory_space<vmem>>, %arg6: memref<1x1024xbf16, #tpu.memory_space<vmem>>, %arg7: memref<512x1xf32, #tpu.memory_space<vmem>>, %arg8: memref<512x1xf32, #tpu.memory_space<vmem>>, %arg9: memref<512x1024xbf16, #tpu.memory_space<vmem>>, %arg10: memref<512x1xf32, #tpu.memory_space<vmem>>, %arg11: memref<512x1xf32, #tpu.memory_space<vmem>>) attributes {dimension_semantics = [#tpu.dimension_semantics<arbitrary>, #tpu.dimension_semantics<arbitrary>], iteration_bounds = array<i64: 16, 20>, scalar_prefetch = 0 : i64, scratch_operands = 3 : i64, tpu.core_type = #tpu.core_type<tc>, window_params = [{transform_indices = @transform_0, window_bounds = array<i64: 1, 512, 1>}, {transform_indices = @transform_1, window_bounds = array<i64: 512, 1024>}, {pipeline_mode = #tpu.pipeline_mode<synchronous>, transform_indices = @transform_2, window_bounds = array<i64: 1024, 1024>}, {transform_indices = @transform_3, window_bounds = array<i64: 1024, 1024>}, {transform_indices = @transform_4, window_bounds = array<i64: 1, 1024>}, {transform_indices = @transform_5, window_bounds = array<i64: 512, 1>}, {transform_indices = @transform_6, window_bounds = array<i64: 512, 1>}]} {
    %eq3A = arith.constant 0 : i32
    %eq3A_0 = arith.cmpi eq, %arg1, %eq3A : i32
    %convert_element_type3A = arith.extui %eq3A_0 : i1 to i32
    %cond3A = arith.constant 0 : i32
    %cond3A_1 = arith.cmpi ne, %convert_element_type3A, %cond3A : i32
    scf.if %cond3A_1 {
      %get3A_46 = arith.constant 0 : index
      %get3A_47 = arith.constant 0 : index
      %get3A_48 = vector.load %arg3[%get3A_46, %get3A_47] : memref<512x1024xbf16, #tpu.memory_space<vmem>>, vector<512x1024xbf16>
      %get3A_49 = arith.constant 0 : index
      %get3A_50 = arith.constant 0 : index
      %get3A_51 = vector.load %arg4[%get3A_49, %get3A_50] : memref<1024x1024xbf16, #tpu.memory_space<vmem>>, vector<1024x1024xbf16>
      %dot_general3A_52 = arith.constant dense<0.000000e+00> : vector<512x1024xf32>
      %dot_general3A_53 = tpu.matmul %get3A_48, %get3A_51, %dot_general3A_52 {dimension_numbers = #tpu.dot_dimension_numbers<[1], [0], [0], [1], [0, 0, 1, 1], [], []>, transpose_lhs_hint = false} : vector<512x1024xbf16>, vector<1024x1024xbf16>, vector<512x1024xf32> -> vector<512x1024xf32>
      %convert_element_type3A_54 = arith.truncf %dot_general3A_53 : vector<512x1024xf32> to vector<512x1024xbf16>
      %swap3A_55 = arith.constant 0 : index
      %swap3A_56 = arith.constant 0 : index
      %swap3A_57 = vector.load %arg9[%swap3A_55, %swap3A_56] : memref<512x1024xbf16, #tpu.memory_space<vmem>>, vector<512x1024xbf16>
      tpu.vector_store %arg9[%swap3A_55, %swap3A_56], %convert_element_type3A_54 {strides = array<i32>} : memref<512x1024xbf16, #tpu.memory_space<vmem>>, vector<512x1024xbf16>,
      %broadcast_in_dim3A_58 = arith.constant 0.000000e+00 : f32
      %broadcast_in_dim3A_59 = vector.broadcast %broadcast_in_dim3A_58 : f32 to vector<512x1xf32>
      %swap3A_60 = arith.constant 0 : index
      %swap3A_61 = arith.constant 0 : index
      %swap3A_62 = vector.load %arg10[%swap3A_60, %swap3A_61] : memref<512x1xf32, #tpu.memory_space<vmem>>, vector<512x1xf32>
      tpu.vector_store %arg10[%swap3A_60, %swap3A_61], %broadcast_in_dim3A_59 {strides = array<i32>} : memref<512x1xf32, #tpu.memory_space<vmem>>, vector<512x1xf32>,
      %broadcast_in_dim3A_63 = arith.constant 0.000000e+00 : f32
      %broadcast_in_dim3A_64 = vector.broadcast %broadcast_in_dim3A_63 : f32 to vector<512x1xf32>
      %swap3A_65 = arith.constant 0 : index
      %swap3A_66 = arith.constant 0 : index
      %swap3A_67 = vector.load %arg11[%swap3A_65, %swap3A_66] : memref<512x1xf32, #tpu.memory_space<vmem>>, vector<512x1xf32>
      tpu.vector_store %arg11[%swap3A_65, %swap3A_66], %broadcast_in_dim3A_64 {strides = array<i32>} : memref<512x1xf32, #tpu.memory_space<vmem>>, vector<512x1xf32>,
    } else {
    }
    %get3A = arith.constant 0 : index
    %get3A_2 = arith.constant 0 : index
    %get3A_3 = vector.load %arg9[%get3A, %get3A_2] : memref<512x1024xbf16, #tpu.memory_space<vmem>>, vector<512x1024xbf16>
    %get3A_4 = arith.constant 0 : index
    %get3A_5 = arith.constant 0 : index
    %get3A_6 = vector.load %arg5[%get3A_4, %get3A_5] : memref<1024x1024xbf16, #tpu.memory_space<vmem>>, vector<1024x1024xbf16>
    %dot_general3A = arith.constant dense<0.000000e+00> : vector<512x1024xf32>
    %dot_general3A_7 = tpu.matmul %get3A_3, %get3A_6, %dot_general3A {dimension_numbers = #tpu.dot_dimension_numbers<[1], [1], [0], [0], [0, 0, 1, 0], [], []>, transpose_lhs_hint = false} : vector<512x1024xbf16>, vector<1024x1024xbf16>, vector<512x1024xf32> -> vector<512x1024xf32>
    %convert_element_type3A_8 = arith.truncf %dot_general3A_7 : vector<512x1024xf32> to vector<512x1024xbf16>
    %get3A_9 = arith.constant 0 : index
    %get3A_10 = arith.constant 0 : index
    %get3A_11 = vector.load %arg6[%get3A_9, %get3A_10] : memref<1x1024xbf16, #tpu.memory_space<vmem>>, vector<1x1024xbf16>
    %add3A = vector.broadcast %get3A_11 : vector<1x1024xbf16> to vector<512x1024xbf16>
    %add3A_12 = arith.addf %convert_element_type3A_8, %add3A : vector<512x1024xbf16>
    %exp3A = math.exp %add3A_12 : vector<512x1024xbf16>
    %iota3A = tpu.iota {dimensions = array<i32: 1>} : vector<512x1024xi32>
    %get3A_13 = arith.constant 0 : index
    %get3A_14 = arith.constant 0 : index
    %get3A_15 = arith.constant 0 : index
    %get3A_16 = vector.load %arg2[%get3A_13, %get3A_14, %get3A_15] : memref<1x512x1xi32, #tpu.memory_space<vmem>>, vector<1x512x1xi32>
    %get3A_17 = vector.shape_cast %get3A_16 : vector<1x512x1xi32> to vector<512x1xi32>
    %mul3A = arith.constant 1024 : i32
    %mul3A_18 = arith.muli %arg1, %mul3A : i32
    %sub3A = vector.broadcast %mul3A_18 : i32 to vector<512x1xi32>
    %sub3A_19 = arith.subi %get3A_17, %sub3A : vector<512x1xi32>
    %eq3A_20 = vector.broadcast %sub3A_19 : vector<512x1xi32> to vector<512x1024xi32>
    %eq3A_21 = arith.cmpi eq, %iota3A, %eq3A_20 : vector<512x1024xi32>
    %jit3A = arith.constant 0.000000e+00 : bf16
    %broadcast_in_dim3A = vector.broadcast %jit3A : bf16 to vector<512x1024xbf16>
    %select_n3A = arith.select %eq3A_21, %add3A_12, %broadcast_in_dim3A : vector<512x1024xi1>, vector<512x1024xbf16>
    %broadcast_in_dim3A_22 = arith.constant 1.000000e+00 : bf16
    %broadcast_in_dim3A_23 = vector.broadcast %broadcast_in_dim3A_22 : bf16 to vector<1024x1xbf16>
    %get3A_24 = arith.constant 0 : index
    %get3A_25 = arith.constant 0 : index
    %get3A_26 = vector.load %arg10[%get3A_24, %get3A_25] : memref<512x1xf32, #tpu.memory_space<vmem>>, vector<512x1xf32>
    %dot_general3A_27 = arith.constant dense<0.000000e+00> : vector<512x1xf32>
    %dot_general3A_28 = tpu.matmul %exp3A, %broadcast_in_dim3A_23, %dot_general3A_27 {dimension_numbers = #tpu.dot_dimension_numbers<[1], [0], [0], [1], [0, 0, 1, 1], [], []>, transpose_lhs_hint = false} : vector<512x1024xbf16>, vector<1024x1xbf16>, vector<512x1xf32> -> vector<512x1xf32>
    %add3A_29 = arith.addf %get3A_26, %dot_general3A_28 : vector<512x1xf32>
    %swap3A = arith.constant 0 : index
    %swap3A_30 = arith.constant 0 : index
    %swap3A_31 = vector.load %arg10[%swap3A, %swap3A_30] : memref<512x1xf32, #tpu.memory_space<vmem>>, vector<512x1xf32>
    tpu.vector_store %arg10[%swap3A, %swap3A_30], %add3A_29 {strides = array<i32>} : memref<512x1xf32, #tpu.memory_space<vmem>>, vector<512x1xf32>,
    %get3A_32 = arith.constant 0 : index
    %get3A_33 = arith.constant 0 : index
    %get3A_34 = vector.load %arg11[%get3A_32, %get3A_33] : memref<512x1xf32, #tpu.memory_space<vmem>>, vector<512x1xf32>
    %dot_general3A_35 = arith.constant dense<0.000000e+00> : vector<512x1xf32>
    %dot_general3A_36 = tpu.matmul %select_n3A, %broadcast_in_dim3A_23, %dot_general3A_35 {dimension_numbers = #tpu.dot_dimension_numbers<[1], [0], [0], [1], [0, 0, 1, 1], [], []>, transpose_lhs_hint = false} : vector<512x1024xbf16>, vector<1024x1xbf16>, vector<512x1xf32> -> vector<512x1xf32>
    %add3A_37 = arith.addf %get3A_34, %dot_general3A_36 : vector<512x1xf32>
    %swap3A_38 = arith.constant 0 : index
    %swap3A_39 = arith.constant 0 : index
    %swap3A_40 = vector.load %arg11[%swap3A_38, %swap3A_39] : memref<512x1xf32, #tpu.memory_space<vmem>>, vector<512x1xf32>
    tpu.vector_store %arg11[%swap3A_38, %swap3A_39], %add3A_37 {strides = array<i32>} : memref<512x1xf32, #tpu.memory_space<vmem>>, vector<512x1xf32>,
    %eq3A_41 = arith.constant 19 : i32
    %eq3A_42 = arith.cmpi eq, %arg1, %eq3A_41 : i32
    %convert_element_type3A_43 = arith.extui %eq3A_42 : i1 to i32
    %cond3A_44 = arith.constant 0 : i32
    %cond3A_45 = arith.cmpi ne, %convert_element_type3A_43, %cond3A_44 : i32
    scf.if %cond3A_45 {
      %get3A_46 = arith.constant 0 : index
      %get3A_47 = arith.constant 0 : index
      %get3A_48 = vector.load %arg10[%get3A_46, %get3A_47] : memref<512x1xf32, #tpu.memory_space<vmem>>, vector<512x1xf32>
      %log3A = math.log %get3A_48 : vector<512x1xf32>
      %swap3A_49 = arith.constant 0 : index
      %swap3A_50 = arith.constant 0 : index
      %swap3A_51 = vector.load %arg7[%swap3A_49, %swap3A_50] : memref<512x1xf32, #tpu.memory_space<vmem>>, vector<512x1xf32>
      tpu.vector_store %arg7[%swap3A_49, %swap3A_50], %log3A {strides = array<i32>} : memref<512x1xf32, #tpu.memory_space<vmem>>, vector<512x1xf32>,
      %get3A_52 = arith.constant 0 : index
      %get3A_53 = arith.constant 0 : index
      %get3A_54 = vector.load %arg11[%get3A_52, %get3A_53] : memref<512x1xf32, #tpu.memory_space<vmem>>, vector<512x1xf32>
      %swap3A_55 = arith.constant 0 : index
      %swap3A_56 = arith.constant 0 : index
      %swap3A_57 = vector.load %arg8[%swap3A_55, %swap3A_56] : memref<512x1xf32, #tpu.memory_space<vmem>>, vector<512x1xf32>
      tpu.vector_store %arg8[%swap3A_55, %swap3A_56], %get3A_54 {strides = array<i32>} : memref<512x1xf32, #tpu.memory_space<vmem>>, vector<512x1xf32>,
    } else {
    }
    return
  }
  func.func @transform_0(%arg0: i32, %arg1: i32) -> (i32, i32, i32) {
    %c0_i32 = arith.constant 0 : i32
    %c0_i32_0 = arith.constant 0 : i32
    %c0_i32_1 = arith.constant 0 : i32
    return %arg0, %c0_i32, %c0_i32_0 : i32, i32, i32
  }
  func.func @transform_1(%arg0: i32, %arg1: i32) -> (i32, i32) {
    %c0_i32 = arith.constant 0 : i32
    %c0_i32_0 = arith.constant 0 : i32
    return %arg0, %c0_i32 : i32, i32
  }
  func.func @transform_2(%arg0: i32, %arg1: i32) -> (i32, i32) {
    %c0_i32 = arith.constant 0 : i32
    %c0_i32_0 = arith.constant 0 : i32
    %c0_i32_1 = arith.constant 0 : i32
    return %c0_i32, %c0_i32_0 : i32, i32
  }
  func.func @transform_3(%arg0: i32, %arg1: i32) -> (i32, i32) {
    %c0_i32 = arith.constant 0 : i32
    %c0_i32_0 = arith.constant 0 : i32
    return %arg1, %c0_i32 : i32, i32
  }
  func.func @transform_4(%arg0: i32, %arg1: i32) -> (i32, i32) {
    %c0_i32 = arith.constant 0 : i32
    %c0_i32_0 = arith.constant 0 : i32
    return %c0_i32, %arg1 : i32, i32
  }
  func.func @transform_5(%arg0: i32, %arg1: i32) -> (i32, i32) {
    %c0_i32 = arith.constant 0 : i32
    %c0_i32_0 = arith.constant 0 : i32
    return %arg0, %c0_i32 : i32, i32
  }
  func.func @transform_6(%arg0: i32, %arg1: i32) -> (i32, i32) {
    %c0_i32 = arith.constant 0 : i32
    %c0_i32_0 = arith.constant 0 : i32
    return %arg0, %c0_i32 : i32, i32
  }
}

module attributes {stable_mosaic.version = 14 : i64} {
  func.func @_tail_kernel(%arg0: i32, %arg1: i32, %arg2: memref<2xi32, #tpu.memory_space<smem>>, %arg3: memref<512x128xf32, #tpu.memory_space<vmem>>, %arg4: memref<8192x64xbf16, #tpu.memory_space<vmem>>, %arg5: memref<8192x1xf32, #tpu.memory_space<vmem>>, %arg6: memref<512x1xf32, #tpu.memory_space<vmem>>, %arg7: memref<512x64xbf16, #tpu.memory_space<vmem>>, %arg8: memref<512x1xf32, #tpu.memory_space<vmem>>) attributes {dimension_semantics = [#tpu.dimension_semantics<arbitrary>, #tpu.dimension_semantics<arbitrary>], iteration_bounds = array<i64: 16, 20>, scalar_prefetch = 1 : i64, scratch_operands = 2 : i64, tpu.core_type = #tpu.core_type<tc>, window_params = [{transform_indices = @transform_0, window_bounds = array<i64: 512, 128>}, {transform_indices = @transform_1, window_bounds = array<i64: 8192, 64>}, {transform_indices = @transform_2, window_bounds = array<i64: 8192, 1>}, {transform_indices = @transform_3, window_bounds = array<i64: 512, 1>}]} {
    %get3A = arith.constant 0 : index
    %get3A_0 = memref.load %arg2[%get3A] : memref<2xi32, #tpu.memory_space<smem>>
    %ge3A = arith.cmpi sge, %arg0, %get3A_0 : i32
    %get3A_1 = arith.constant 1 : index
    %get3A_2 = memref.load %arg2[%get3A_1] : memref<2xi32, #tpu.memory_space<smem>>
    %le3A = arith.cmpi sle, %arg0, %get3A_2 : i32
    %and3A = arith.andi %ge3A, %le3A : i1
    %eq3A = arith.constant 0 : i32
    %eq3A_3 = arith.cmpi eq, %arg1, %eq3A : i32
    %and3A_4 = arith.andi %and3A, %eq3A_3 : i1
    %convert_element_type3A = arith.extui %and3A_4 : i1 to i32
    %cond3A = arith.constant 0 : i32
    %cond3A_5 = arith.cmpi ne, %convert_element_type3A, %cond3A : i32
    scf.if %cond3A_5 {
      %get3A_15 = arith.constant 0 : index
      %get3A_16 = arith.constant 0 : index
      %get3A_17 = vector.load %arg3[%get3A_15, %get3A_16] : memref<512x128xf32, #tpu.memory_space<vmem>>, vector<512x64xf32>
      %convert_element_type3A_18 = arith.truncf %get3A_17 : vector<512x64xf32> to vector<512x64xbf16>
      %swap3A = arith.constant 0 : index
      %swap3A_19 = arith.constant 0 : index
      %swap3A_20 = vector.load %arg7[%swap3A, %swap3A_19] : memref<512x64xbf16, #tpu.memory_space<vmem>>, vector<512x64xbf16>
      tpu.vector_store %arg7[%swap3A, %swap3A_19], %convert_element_type3A_18 {strides = array<i32>} : memref<512x64xbf16, #tpu.memory_space<vmem>>, vector<512x64xbf16>,
      %broadcast_in_dim3A = arith.constant 0.000000e+00 : f32
      %broadcast_in_dim3A_21 = vector.broadcast %broadcast_in_dim3A : f32 to vector<512x1xf32>
      %swap3A_22 = arith.constant 0 : index
      %swap3A_23 = arith.constant 0 : index
      %swap3A_24 = vector.load %arg8[%swap3A_22, %swap3A_23] : memref<512x1xf32, #tpu.memory_space<vmem>>, vector<512x1xf32>
      tpu.vector_store %arg8[%swap3A_22, %swap3A_23], %broadcast_in_dim3A_21 {strides = array<i32>} : memref<512x1xf32, #tpu.memory_space<vmem>>, vector<512x1xf32>,
    } else {
    }
    %convert_element_type3A_6 = arith.extui %and3A : i1 to i32
    %cond3A_7 = arith.constant 0 : i32
    %cond3A_8 = arith.cmpi ne, %convert_element_type3A_6, %cond3A_7 : i32
    scf.if %cond3A_8 {
      %get3A_15 = arith.constant 0 : index
      %get3A_16 = arith.constant 0 : index
      %get3A_17 = vector.load %arg7[%get3A_15, %get3A_16] : memref<512x64xbf16, #tpu.memory_space<vmem>>, vector<512x64xbf16>
      %get3A_18 = arith.constant 0 : index
      %get3A_19 = arith.constant 0 : index
      %get3A_20 = vector.load %arg4[%get3A_18, %get3A_19] : memref<8192x64xbf16, #tpu.memory_space<vmem>>, vector<8192x64xbf16>
      %dot_general3A = arith.constant dense<0.000000e+00> : vector<512x8192xf32>
      %dot_general3A_21 = tpu.matmul %get3A_17, %get3A_20, %dot_general3A {dimension_numbers = #tpu.dot_dimension_numbers<[1], [1], [0], [0], [0, 0, 1, 0], [], []>, transpose_lhs_hint = false} : vector<512x64xbf16>, vector<8192x64xbf16>, vector<512x8192xf32> -> vector<512x8192xf32>
      %convert_element_type3A_22 = arith.truncf %dot_general3A_21 : vector<512x8192xf32> to vector<512x8192xbf16>
      %exp3A = math.exp %convert_element_type3A_22 : vector<512x8192xbf16>
      %get3A_23 = arith.constant 0 : index
      %get3A_24 = arith.constant 0 : index
      %get3A_25 = vector.load %arg5[%get3A_23, %get3A_24] : memref<8192x1xf32, #tpu.memory_space<vmem>>, vector<8192x1xf32>
      %exp3A_26 = math.exp %get3A_25 : vector<8192x1xf32>
      %convert_element_type3A_27 = arith.truncf %exp3A_26 : vector<8192x1xf32> to vector<8192x1xbf16>
      %get3A_28 = arith.constant 0 : index
      %get3A_29 = arith.constant 0 : index
      %get3A_30 = vector.load %arg8[%get3A_28, %get3A_29] : memref<512x1xf32, #tpu.memory_space<vmem>>, vector<512x1xf32>
      %dot_general3A_31 = arith.constant dense<0.000000e+00> : vector<512x1xf32>
      %dot_general3A_32 = tpu.matmul %exp3A, %convert_element_type3A_27, %dot_general3A_31 {dimension_numbers = #tpu.dot_dimension_numbers<[1], [0], [0], [1], [0, 0, 1, 1], [], []>, transpose_lhs_hint = false} : vector<512x8192xbf16>, vector<8192x1xbf16>, vector<512x1xf32> -> vector<512x1xf32>
      %add3A = arith.addf %get3A_30, %dot_general3A_32 : vector<512x1xf32>
      %swap3A = arith.constant 0 : index
      %swap3A_33 = arith.constant 0 : index
      %swap3A_34 = vector.load %arg8[%swap3A, %swap3A_33] : memref<512x1xf32, #tpu.memory_space<vmem>>, vector<512x1xf32>
      tpu.vector_store %arg8[%swap3A, %swap3A_33], %add3A {strides = array<i32>} : memref<512x1xf32, #tpu.memory_space<vmem>>, vector<512x1xf32>,
    } else {
    }
    %eq3A_9 = arith.constant 19 : i32
    %eq3A_10 = arith.cmpi eq, %arg1, %eq3A_9 : i32
    %and3A_11 = arith.andi %and3A, %eq3A_10 : i1
    %convert_element_type3A_12 = arith.extui %and3A_11 : i1 to i32
    %cond3A_13 = arith.constant 0 : i32
    %cond3A_14 = arith.cmpi ne, %convert_element_type3A_12, %cond3A_13 : i32
    scf.if %cond3A_14 {
      %get3A_15 = arith.constant 0 : index
      %get3A_16 = arith.constant 0 : index
      %get3A_17 = vector.load %arg8[%get3A_15, %get3A_16] : memref<512x1xf32, #tpu.memory_space<vmem>>, vector<512x1xf32>
      %log3A = math.log %get3A_17 : vector<512x1xf32>
      %swap3A = arith.constant 0 : index
      %swap3A_18 = arith.constant 0 : index
      %swap3A_19 = vector.load %arg6[%swap3A, %swap3A_18] : memref<512x1xf32, #tpu.memory_space<vmem>>, vector<512x1xf32>
      tpu.vector_store %arg6[%swap3A, %swap3A_18], %log3A {strides = array<i32>} : memref<512x1xf32, #tpu.memory_space<vmem>>, vector<512x1xf32>,
    } else {
    }
    return
  }
  func.func @transform_0(%arg0: i32, %arg1: i32, %arg2: memref<2xi32, #tpu.memory_space<smem>>) -> (i32, i32) {
    %get3A = arith.constant 0 : index
    %get3A_0 = memref.load %arg2[%get3A] : memref<2xi32, #tpu.memory_space<smem>>
    %ge3A = arith.cmpi sge, %arg0, %get3A_0 : i32
    %get3A_1 = arith.constant 1 : index
    %get3A_2 = memref.load %arg2[%get3A_1] : memref<2xi32, #tpu.memory_space<smem>>
    %le3A = arith.cmpi sle, %arg0, %get3A_2 : i32
    %and3A = arith.andi %ge3A, %le3A : i1
    %jit3A = arith.constant 0 : i32
    %select_n3A = arith.select %and3A, %arg0, %jit3A : i32
    %c2_i32 = arith.constant 2 : i32
    %c0_i32 = arith.constant 0 : i32
    return %select_n3A, %c2_i32 : i32, i32
  }
  func.func @transform_1(%arg0: i32, %arg1: i32, %arg2: memref<2xi32, #tpu.memory_space<smem>>) -> (i32, i32) {
    %get3A = arith.constant 0 : index
    %get3A_0 = memref.load %arg2[%get3A] : memref<2xi32, #tpu.memory_space<smem>>
    %ge3A = arith.cmpi sge, %arg0, %get3A_0 : i32
    %get3A_1 = arith.constant 1 : index
    %get3A_2 = memref.load %arg2[%get3A_1] : memref<2xi32, #tpu.memory_space<smem>>
    %le3A = arith.cmpi sle, %arg0, %get3A_2 : i32
    %and3A = arith.andi %ge3A, %le3A : i1
    %jit3A = arith.constant 0 : i32
    %select_n3A = arith.select %and3A, %arg1, %jit3A : i32
    %c0_i32 = arith.constant 0 : i32
    %c0_i32_3 = arith.constant 0 : i32
    return %select_n3A, %c0_i32 : i32, i32
  }
  func.func @transform_2(%arg0: i32, %arg1: i32, %arg2: memref<2xi32, #tpu.memory_space<smem>>) -> (i32, i32) {
    %get3A = arith.constant 0 : index
    %get3A_0 = memref.load %arg2[%get3A] : memref<2xi32, #tpu.memory_space<smem>>
    %ge3A = arith.cmpi sge, %arg0, %get3A_0 : i32
    %get3A_1 = arith.constant 1 : index
    %get3A_2 = memref.load %arg2[%get3A_1] : memref<2xi32, #tpu.memory_space<smem>>
    %le3A = arith.cmpi sle, %arg0, %get3A_2 : i32
    %and3A = arith.andi %ge3A, %le3A : i1
    %jit3A = arith.constant 0 : i32
    %select_n3A = arith.select %and3A, %arg1, %jit3A : i32
    %c0_i32 = arith.constant 0 : i32
    %c0_i32_3 = arith.constant 0 : i32
    return %select_n3A, %c0_i32 : i32, i32
  }
  func.func @transform_3(%arg0: i32, %arg1: i32, %arg2: memref<2xi32, #tpu.memory_space<smem>>) -> (i32, i32) {
    %c0_i32 = arith.constant 0 : i32
    %c0_i32_0 = arith.constant 0 : i32
    return %arg0, %c0_i32 : i32, i32
  }
}

module attributes {stable_mosaic.version = 14 : i64} {
  func.func @_tail_kernel(%arg0: i32, %arg1: i32, %arg2: memref<2xi32, #tpu.memory_space<smem>>, %arg3: memref<512x128xf32, #tpu.memory_space<vmem>>, %arg4: memref<8192x16xbf16, #tpu.memory_space<vmem>>, %arg5: memref<8192x1xf32, #tpu.memory_space<vmem>>, %arg6: memref<512x1xf32, #tpu.memory_space<vmem>>, %arg7: memref<512x16xbf16, #tpu.memory_space<vmem>>, %arg8: memref<512x1xf32, #tpu.memory_space<vmem>>) attributes {dimension_semantics = [#tpu.dimension_semantics<arbitrary>, #tpu.dimension_semantics<arbitrary>], iteration_bounds = array<i64: 16, 9>, scalar_prefetch = 1 : i64, scratch_operands = 2 : i64, tpu.core_type = #tpu.core_type<tc>, window_params = [{transform_indices = @transform_0, window_bounds = array<i64: 512, 128>}, {transform_indices = @transform_1, window_bounds = array<i64: 8192, 16>}, {transform_indices = @transform_2, window_bounds = array<i64: 8192, 1>}, {transform_indices = @transform_3, window_bounds = array<i64: 512, 1>}]} {
    %get3A = arith.constant 0 : index
    %get3A_0 = memref.load %arg2[%get3A] : memref<2xi32, #tpu.memory_space<smem>>
    %ge3A = arith.cmpi sge, %arg0, %get3A_0 : i32
    %get3A_1 = arith.constant 1 : index
    %get3A_2 = memref.load %arg2[%get3A_1] : memref<2xi32, #tpu.memory_space<smem>>
    %le3A = arith.cmpi sle, %arg0, %get3A_2 : i32
    %and3A = arith.andi %ge3A, %le3A : i1
    %eq3A = arith.constant 0 : i32
    %eq3A_3 = arith.cmpi eq, %arg1, %eq3A : i32
    %and3A_4 = arith.andi %and3A, %eq3A_3 : i1
    %convert_element_type3A = arith.extui %and3A_4 : i1 to i32
    %cond3A = arith.constant 0 : i32
    %cond3A_5 = arith.cmpi ne, %convert_element_type3A, %cond3A : i32
    scf.if %cond3A_5 {
      %get3A_15 = arith.constant 0 : index
      %get3A_16 = arith.constant 0 : index
      %get3A_17 = vector.load %arg3[%get3A_15, %get3A_16] : memref<512x128xf32, #tpu.memory_space<vmem>>, vector<512x16xf32>
      %convert_element_type3A_18 = arith.truncf %get3A_17 : vector<512x16xf32> to vector<512x16xbf16>
      %swap3A = arith.constant 0 : index
      %swap3A_19 = arith.constant 0 : index
      %swap3A_20 = vector.load %arg7[%swap3A, %swap3A_19] : memref<512x16xbf16, #tpu.memory_space<vmem>>, vector<512x16xbf16>
      tpu.vector_store %arg7[%swap3A, %swap3A_19], %convert_element_type3A_18 {strides = array<i32>} : memref<512x16xbf16, #tpu.memory_space<vmem>>, vector<512x16xbf16>,
      %broadcast_in_dim3A = arith.constant 0.000000e+00 : f32
      %broadcast_in_dim3A_21 = vector.broadcast %broadcast_in_dim3A : f32 to vector<512x1xf32>
      %swap3A_22 = arith.constant 0 : index
      %swap3A_23 = arith.constant 0 : index
      %swap3A_24 = vector.load %arg8[%swap3A_22, %swap3A_23] : memref<512x1xf32, #tpu.memory_space<vmem>>, vector<512x1xf32>
      tpu.vector_store %arg8[%swap3A_22, %swap3A_23], %broadcast_in_dim3A_21 {strides = array<i32>} : memref<512x1xf32, #tpu.memory_space<vmem>>, vector<512x1xf32>,
    } else {
    }
    %convert_element_type3A_6 = arith.extui %and3A : i1 to i32
    %cond3A_7 = arith.constant 0 : i32
    %cond3A_8 = arith.cmpi ne, %convert_element_type3A_6, %cond3A_7 : i32
    scf.if %cond3A_8 {
      %get3A_15 = arith.constant 0 : index
      %get3A_16 = arith.constant 0 : index
      %get3A_17 = vector.load %arg7[%get3A_15, %get3A_16] : memref<512x16xbf16, #tpu.memory_space<vmem>>, vector<512x16xbf16>
      %get3A_18 = arith.constant 0 : index
      %get3A_19 = arith.constant 0 : index
      %get3A_20 = vector.load %arg4[%get3A_18, %get3A_19] : memref<8192x16xbf16, #tpu.memory_space<vmem>>, vector<8192x16xbf16>
      %dot_general3A = arith.constant dense<0.000000e+00> : vector<512x8192xf32>
      %dot_general3A_21 = tpu.matmul %get3A_17, %get3A_20, %dot_general3A {dimension_numbers = #tpu.dot_dimension_numbers<[1], [1], [0], [0], [0, 0, 1, 0], [], []>, transpose_lhs_hint = false} : vector<512x16xbf16>, vector<8192x16xbf16>, vector<512x8192xf32> -> vector<512x8192xf32>
      %convert_element_type3A_22 = arith.truncf %dot_general3A_21 : vector<512x8192xf32> to vector<512x8192xbf16>
      %exp3A = math.exp %convert_element_type3A_22 : vector<512x8192xbf16>
      %get3A_23 = arith.constant 0 : index
      %get3A_24 = arith.constant 0 : index
      %get3A_25 = vector.load %arg5[%get3A_23, %get3A_24] : memref<8192x1xf32, #tpu.memory_space<vmem>>, vector<8192x1xf32>
      %exp3A_26 = math.exp %get3A_25 : vector<8192x1xf32>
      %convert_element_type3A_27 = arith.truncf %exp3A_26 : vector<8192x1xf32> to vector<8192x1xbf16>
      %get3A_28 = arith.constant 0 : index
      %get3A_29 = arith.constant 0 : index
      %get3A_30 = vector.load %arg8[%get3A_28, %get3A_29] : memref<512x1xf32, #tpu.memory_space<vmem>>, vector<512x1xf32>
      %dot_general3A_31 = arith.constant dense<0.000000e+00> : vector<512x1xf32>
      %dot_general3A_32 = tpu.matmul %exp3A, %convert_element_type3A_27, %dot_general3A_31 {dimension_numbers = #tpu.dot_dimension_numbers<[1], [0], [0], [1], [0, 0, 1, 1], [], []>, transpose_lhs_hint = false} : vector<512x8192xbf16>, vector<8192x1xbf16>, vector<512x1xf32> -> vector<512x1xf32>
      %add3A = arith.addf %get3A_30, %dot_general3A_32 : vector<512x1xf32>
      %swap3A = arith.constant 0 : index
      %swap3A_33 = arith.constant 0 : index
      %swap3A_34 = vector.load %arg8[%swap3A, %swap3A_33] : memref<512x1xf32, #tpu.memory_space<vmem>>, vector<512x1xf32>
      tpu.vector_store %arg8[%swap3A, %swap3A_33], %add3A {strides = array<i32>} : memref<512x1xf32, #tpu.memory_space<vmem>>, vector<512x1xf32>,
    } else {
    }
    %eq3A_9 = arith.constant 8 : i32
    %eq3A_10 = arith.cmpi eq, %arg1, %eq3A_9 : i32
    %and3A_11 = arith.andi %and3A, %eq3A_10 : i1
    %convert_element_type3A_12 = arith.extui %and3A_11 : i1 to i32
    %cond3A_13 = arith.constant 0 : i32
    %cond3A_14 = arith.cmpi ne, %convert_element_type3A_12, %cond3A_13 : i32
    scf.if %cond3A_14 {
      %get3A_15 = arith.constant 0 : index
      %get3A_16 = arith.constant 0 : index
      %get3A_17 = vector.load %arg8[%get3A_15, %get3A_16] : memref<512x1xf32, #tpu.memory_space<vmem>>, vector<512x1xf32>
      %log3A = math.log %get3A_17 : vector<512x1xf32>
      %swap3A = arith.constant 0 : index
      %swap3A_18 = arith.constant 0 : index
      %swap3A_19 = vector.load %arg6[%swap3A, %swap3A_18] : memref<512x1xf32, #tpu.memory_space<vmem>>, vector<512x1xf32>
      tpu.vector_store %arg6[%swap3A, %swap3A_18], %log3A {strides = array<i32>} : memref<512x1xf32, #tpu.memory_space<vmem>>, vector<512x1xf32>,
    } else {
    }
    return
  }
  func.func @transform_0(%arg0: i32, %arg1: i32, %arg2: memref<2xi32, #tpu.memory_space<smem>>) -> (i32, i32) {
    %get3A = arith.constant 0 : index
    %get3A_0 = memref.load %arg2[%get3A] : memref<2xi32, #tpu.memory_space<smem>>
    %ge3A = arith.cmpi sge, %arg0, %get3A_0 : i32
    %get3A_1 = arith.constant 1 : index
    %get3A_2 = memref.load %arg2[%get3A_1] : memref<2xi32, #tpu.memory_space<smem>>
    %le3A = arith.cmpi sle, %arg0, %get3A_2 : i32
    %and3A = arith.andi %ge3A, %le3A : i1
    %jit3A = arith.constant 0 : i32
    %select_n3A = arith.select %and3A, %arg0, %jit3A : i32
    %c3_i32 = arith.constant 3 : i32
    %c0_i32 = arith.constant 0 : i32
    return %select_n3A, %c3_i32 : i32, i32
  }
  func.func @transform_1(%arg0: i32, %arg1: i32, %arg2: memref<2xi32, #tpu.memory_space<smem>>) -> (i32, i32) {
    %get3A = arith.constant 0 : index
    %get3A_0 = memref.load %arg2[%get3A] : memref<2xi32, #tpu.memory_space<smem>>
    %ge3A = arith.cmpi sge, %arg0, %get3A_0 : i32
    %get3A_1 = arith.constant 1 : index
    %get3A_2 = memref.load %arg2[%get3A_1] : memref<2xi32, #tpu.memory_space<smem>>
    %le3A = arith.cmpi sle, %arg0, %get3A_2 : i32
    %and3A = arith.andi %ge3A, %le3A : i1
    %jit3A = arith.constant 0 : i32
    %select_n3A = arith.select %and3A, %arg1, %jit3A : i32
    %c0_i32 = arith.constant 0 : i32
    %c0_i32_3 = arith.constant 0 : i32
    return %select_n3A, %c0_i32 : i32, i32
  }
  func.func @transform_2(%arg0: i32, %arg1: i32, %arg2: memref<2xi32, #tpu.memory_space<smem>>) -> (i32, i32) {
    %get3A = arith.constant 0 : index
    %get3A_0 = memref.load %arg2[%get3A] : memref<2xi32, #tpu.memory_space<smem>>
    %ge3A = arith.cmpi sge, %arg0, %get3A_0 : i32
    %get3A_1 = arith.constant 1 : index
    %get3A_2 = memref.load %arg2[%get3A_1] : memref<2xi32, #tpu.memory_space<smem>>
    %le3A = arith.cmpi sle, %arg0, %get3A_2 : i32
    %and3A = arith.andi %ge3A, %le3A : i1
    %jit3A = arith.constant 0 : i32
    %select_n3A = arith.select %and3A, %arg1, %jit3A : i32
    %c0_i32 = arith.constant 0 : i32
    %c0_i32_3 = arith.constant 0 : i32
    return %select_n3A, %c0_i32 : i32, i32
  }
  func.func @transform_3(%arg0: i32, %arg1: i32, %arg2: memref<2xi32, #tpu.memory_space<smem>>) -> (i32, i32) {
    %c0_i32 = arith.constant 0 : i32
    %c0_i32_0 = arith.constant 0 : i32
    return %arg0, %c0_i32 : i32, i32
  }
}

module attributes {stable_mosaic.version = 14 : i64} {
  func.func @_tail_kernel(%arg0: i32, %arg1: i32, %arg2: memref<2xi32, #tpu.memory_space<smem>>, %arg3: memref<512x256xf32, #tpu.memory_space<vmem>>, %arg4: memref<2048x256xbf16, #tpu.memory_space<vmem>>, %arg5: memref<2048x1xf32, #tpu.memory_space<vmem>>, %arg6: memref<512x1xf32, #tpu.memory_space<vmem>>, %arg7: memref<512x256xbf16, #tpu.memory_space<vmem>>, %arg8: memref<512x1xf32, #tpu.memory_space<vmem>>) attributes {dimension_semantics = [#tpu.dimension_semantics<arbitrary>, #tpu.dimension_semantics<arbitrary>], iteration_bounds = array<i64: 16, 10>, scalar_prefetch = 1 : i64, scratch_operands = 2 : i64, tpu.core_type = #tpu.core_type<tc>, window_params = [{transform_indices = @transform_0, window_bounds = array<i64: 512, 256>}, {transform_indices = @transform_1, window_bounds = array<i64: 2048, 256>}, {transform_indices = @transform_2, window_bounds = array<i64: 2048, 1>}, {transform_indices = @transform_3, window_bounds = array<i64: 512, 1>}]} {
    %get3A = arith.constant 0 : index
    %get3A_0 = memref.load %arg2[%get3A] : memref<2xi32, #tpu.memory_space<smem>>
    %ge3A = arith.cmpi sge, %arg0, %get3A_0 : i32
    %get3A_1 = arith.constant 1 : index
    %get3A_2 = memref.load %arg2[%get3A_1] : memref<2xi32, #tpu.memory_space<smem>>
    %le3A = arith.cmpi sle, %arg0, %get3A_2 : i32
    %and3A = arith.andi %ge3A, %le3A : i1
    %eq3A = arith.constant 0 : i32
    %eq3A_3 = arith.cmpi eq, %arg1, %eq3A : i32
    %and3A_4 = arith.andi %and3A, %eq3A_3 : i1
    %convert_element_type3A = arith.extui %and3A_4 : i1 to i32
    %cond3A = arith.constant 0 : i32
    %cond3A_5 = arith.cmpi ne, %convert_element_type3A, %cond3A : i32
    scf.if %cond3A_5 {
      %get3A_15 = arith.constant 0 : index
      %get3A_16 = arith.constant 0 : index
      %get3A_17 = vector.load %arg3[%get3A_15, %get3A_16] : memref<512x256xf32, #tpu.memory_space<vmem>>, vector<512x256xf32>
      %convert_element_type3A_18 = arith.truncf %get3A_17 : vector<512x256xf32> to vector<512x256xbf16>
      %swap3A = arith.constant 0 : index
      %swap3A_19 = arith.constant 0 : index
      %swap3A_20 = vector.load %arg7[%swap3A, %swap3A_19] : memref<512x256xbf16, #tpu.memory_space<vmem>>, vector<512x256xbf16>
      tpu.vector_store %arg7[%swap3A, %swap3A_19], %convert_element_type3A_18 {strides = array<i32>} : memref<512x256xbf16, #tpu.memory_space<vmem>>, vector<512x256xbf16>,
      %broadcast_in_dim3A = arith.constant 0.000000e+00 : f32
      %broadcast_in_dim3A_21 = vector.broadcast %broadcast_in_dim3A : f32 to vector<512x1xf32>
      %swap3A_22 = arith.constant 0 : index
      %swap3A_23 = arith.constant 0 : index
      %swap3A_24 = vector.load %arg8[%swap3A_22, %swap3A_23] : memref<512x1xf32, #tpu.memory_space<vmem>>, vector<512x1xf32>
      tpu.vector_store %arg8[%swap3A_22, %swap3A_23], %broadcast_in_dim3A_21 {strides = array<i32>} : memref<512x1xf32, #tpu.memory_space<vmem>>, vector<512x1xf32>,
    } else {
    }
    %convert_element_type3A_6 = arith.extui %and3A : i1 to i32
    %cond3A_7 = arith.constant 0 : i32
    %cond3A_8 = arith.cmpi ne, %convert_element_type3A_6, %cond3A_7 : i32
    scf.if %cond3A_8 {
      %get3A_15 = arith.constant 0 : index
      %get3A_16 = arith.constant 0 : index
      %get3A_17 = vector.load %arg7[%get3A_15, %get3A_16] : memref<512x256xbf16, #tpu.memory_space<vmem>>, vector<512x256xbf16>
      %get3A_18 = arith.constant 0 : index
      %get3A_19 = arith.constant 0 : index
      %get3A_20 = vector.load %arg4[%get3A_18, %get3A_19] : memref<2048x256xbf16, #tpu.memory_space<vmem>>, vector<2048x256xbf16>
      %dot_general3A = arith.constant dense<0.000000e+00> : vector<512x2048xf32>
      %dot_general3A_21 = tpu.matmul %get3A_17, %get3A_20, %dot_general3A {dimension_numbers = #tpu.dot_dimension_numbers<[1], [1], [0], [0], [0, 0, 1, 0], [], []>, transpose_lhs_hint = false} : vector<512x256xbf16>, vector<2048x256xbf16>, vector<512x2048xf32> -> vector<512x2048xf32>
      %convert_element_type3A_22 = arith.truncf %dot_general3A_21 : vector<512x2048xf32> to vector<512x2048xbf16>
      %exp3A = math.exp %convert_element_type3A_22 : vector<512x2048xbf16>
      %get3A_23 = arith.constant 0 : index
      %get3A_24 = arith.constant 0 : index
      %get3A_25 = vector.load %arg5[%get3A_23, %get3A_24] : memref<2048x1xf32, #tpu.memory_space<vmem>>, vector<2048x1xf32>
      %exp3A_26 = math.exp %get3A_25 : vector<2048x1xf32>
      %convert_element_type3A_27 = arith.truncf %exp3A_26 : vector<2048x1xf32> to vector<2048x1xbf16>
      %get3A_28 = arith.constant 0 : index
      %get3A_29 = arith.constant 0 : index
      %get3A_30 = vector.load %arg8[%get3A_28, %get3A_29] : memref<512x1xf32, #tpu.memory_space<vmem>>, vector<512x1xf32>
      %dot_general3A_31 = arith.constant dense<0.000000e+00> : vector<512x1xf32>
      %dot_general3A_32 = tpu.matmul %exp3A, %convert_element_type3A_27, %dot_general3A_31 {dimension_numbers = #tpu.dot_dimension_numbers<[1], [0], [0], [1], [0, 0, 1, 1], [], []>, transpose_lhs_hint = false} : vector<512x2048xbf16>, vector<2048x1xbf16>, vector<512x1xf32> -> vector<512x1xf32>
      %add3A = arith.addf %get3A_30, %dot_general3A_32 : vector<512x1xf32>
      %swap3A = arith.constant 0 : index
      %swap3A_33 = arith.constant 0 : index
      %swap3A_34 = vector.load %arg8[%swap3A, %swap3A_33] : memref<512x1xf32, #tpu.memory_space<vmem>>, vector<512x1xf32>
      tpu.vector_store %arg8[%swap3A, %swap3A_33], %add3A {strides = array<i32>} : memref<512x1xf32, #tpu.memory_space<vmem>>, vector<512x1xf32>,
    } else {
    }
    %eq3A_9 = arith.constant 9 : i32
    %eq3A_10 = arith.cmpi eq, %arg1, %eq3A_9 : i32
    %and3A_11 = arith.andi %and3A, %eq3A_10 : i1
    %convert_element_type3A_12 = arith.extui %and3A_11 : i1 to i32
    %cond3A_13 = arith.constant 0 : i32
    %cond3A_14 = arith.cmpi ne, %convert_element_type3A_12, %cond3A_13 : i32
    scf.if %cond3A_14 {
      %get3A_15 = arith.constant 0 : index
      %get3A_16 = arith.constant 0 : index
      %get3A_17 = vector.load %arg8[%get3A_15, %get3A_16] : memref<512x1xf32, #tpu.memory_space<vmem>>, vector<512x1xf32>
      %log3A = math.log %get3A_17 : vector<512x1xf32>
      %swap3A = arith.constant 0 : index
      %swap3A_18 = arith.constant 0 : index
      %swap3A_19 = vector.load %arg6[%swap3A, %swap3A_18] : memref<512x1xf32, #tpu.memory_space<vmem>>, vector<512x1xf32>
      tpu.vector_store %arg6[%swap3A, %swap3A_18], %log3A {strides = array<i32>} : memref<512x1xf32, #tpu.memory_space<vmem>>, vector<512x1xf32>,
    } else {
    }
    return
  }
  func.func @transform_0(%arg0: i32, %arg1: i32, %arg2: memref<2xi32, #tpu.memory_space<smem>>) -> (i32, i32) {
    %get3A = arith.constant 0 : index
    %get3A_0 = memref.load %arg2[%get3A] : memref<2xi32, #tpu.memory_space<smem>>
    %ge3A = arith.cmpi sge, %arg0, %get3A_0 : i32
    %get3A_1 = arith.constant 1 : index
    %get3A_2 = memref.load %arg2[%get3A_1] : memref<2xi32, #tpu.memory_space<smem>>
    %le3A = arith.cmpi sle, %arg0, %get3A_2 : i32
    %and3A = arith.andi %ge3A, %le3A : i1
    %jit3A = arith.constant 0 : i32
    %select_n3A = arith.select %and3A, %arg0, %jit3A : i32
    %c0_i32 = arith.constant 0 : i32
    %c0_i32_3 = arith.constant 0 : i32
    return %select_n3A, %c0_i32 : i32, i32
  }
  func.func @transform_1(%arg0: i32, %arg1: i32, %arg2: memref<2xi32, #tpu.memory_space<smem>>) -> (i32, i32) {
    %get3A = arith.constant 0 : index
    %get3A_0 = memref.load %arg2[%get3A] : memref<2xi32, #tpu.memory_space<smem>>
    %ge3A = arith.cmpi sge, %arg0, %get3A_0 : i32
    %get3A_1 = arith.constant 1 : index
    %get3A_2 = memref.load %arg2[%get3A_1] : memref<2xi32, #tpu.memory_space<smem>>
    %le3A = arith.cmpi sle, %arg0, %get3A_2 : i32
    %and3A = arith.andi %ge3A, %le3A : i1
    %jit3A = arith.constant 0 : i32
    %select_n3A = arith.select %and3A, %arg1, %jit3A : i32
    %c0_i32 = arith.constant 0 : i32
    %c0_i32_3 = arith.constant 0 : i32
    return %select_n3A, %c0_i32 : i32, i32
  }
  func.func @transform_2(%arg0: i32, %arg1: i32, %arg2: memref<2xi32, #tpu.memory_space<smem>>) -> (i32, i32) {
    %get3A = arith.constant 0 : index
    %get3A_0 = memref.load %arg2[%get3A] : memref<2xi32, #tpu.memory_space<smem>>
    %ge3A = arith.cmpi sge, %arg0, %get3A_0 : i32
    %get3A_1 = arith.constant 1 : index
    %get3A_2 = memref.load %arg2[%get3A_1] : memref<2xi32, #tpu.memory_space<smem>>
    %le3A = arith.cmpi sle, %arg0, %get3A_2 : i32
    %and3A = arith.andi %ge3A, %le3A : i1
    %jit3A = arith.constant 0 : i32
    %select_n3A = arith.select %and3A, %arg1, %jit3A : i32
    %c0_i32 = arith.constant 0 : i32
    %c0_i32_3 = arith.constant 0 : i32
    return %select_n3A, %c0_i32 : i32, i32
  }
  func.func @transform_3(%arg0: i32, %arg1: i32, %arg2: memref<2xi32, #tpu.memory_space<smem>>) -> (i32, i32) {
    %c0_i32 = arith.constant 0 : i32
    %c0_i32_0 = arith.constant 0 : i32
    return %arg0, %c0_i32 : i32, i32
  }
}

module attributes {stable_mosaic.version = 14 : i64} {
  func.func @_combine_kernel(%arg0: i32, %arg1: memref<512x1xi32, #tpu.memory_space<vmem>>, %arg2: memref<512x1xi32, #tpu.memory_space<vmem>>, %arg3: memref<512x1xi32, #tpu.memory_space<vmem>>, %arg4: memref<512x1xi32, #tpu.memory_space<vmem>>, %arg5: memref<512x256xf32, #tpu.memory_space<vmem>>, %arg6: memref<512x256xf32, #tpu.memory_space<vmem>>, %arg7: memref<512x128xf32, #tpu.memory_space<vmem>>, %arg8: memref<512x128xf32, #tpu.memory_space<vmem>>, %arg9: memref<512x128xf32, #tpu.memory_space<vmem>>, %arg10: memref<512x128xf32, #tpu.memory_space<vmem>>, %arg11: memref<512x128xf32, #tpu.memory_space<vmem>>, %arg12: memref<512x1xf32, #tpu.memory_space<vmem>>, %arg13: memref<512x1xf32, #tpu.memory_space<vmem>>, %arg14: memref<512x1xf32, #tpu.memory_space<vmem>>, %arg15: memref<512x1xf32, #tpu.memory_space<vmem>>) attributes {dimension_semantics = [#tpu.dimension_semantics<arbitrary>], iteration_bounds = array<i64: 16>, scalar_prefetch = 0 : i64, scratch_operands = 0 : i64, tpu.core_type = #tpu.core_type<tc>, window_params = [{transform_indices = @transform_0, window_bounds = array<i64: 512, 1>}, {transform_indices = @transform_1, window_bounds = array<i64: 512, 1>}, {transform_indices = @transform_2, window_bounds = array<i64: 512, 1>}, {transform_indices = @transform_3, window_bounds = array<i64: 512, 1>}, {transform_indices = @transform_4, window_bounds = array<i64: 512, 256>}, {transform_indices = @transform_5, window_bounds = array<i64: 512, 256>}, {transform_indices = @transform_6, window_bounds = array<i64: 512, 128>}, {transform_indices = @transform_7, window_bounds = array<i64: 512, 128>}, {transform_indices = @transform_8, window_bounds = array<i64: 512, 128>}, {transform_indices = @transform_9, window_bounds = array<i64: 512, 128>}, {transform_indices = @transform_10, window_bounds = array<i64: 512, 128>}, {transform_indices = @transform_11, window_bounds = array<i64: 512, 1>}, {transform_indices = @transform_12, window_bounds = array<i64: 512, 1>}, {transform_indices = @transform_13, window_bounds = array<i64: 512, 1>}, {transform_indices = @transform_14, window_bounds = array<i64: 512, 1>}]} {
    %get3A = arith.constant 0 : index
    %get3A_0 = arith.constant 0 : index
    %get3A_1 = vector.load %arg1[%get3A, %get3A_0] : memref<512x1xi32, #tpu.memory_space<vmem>>, vector<512x1xi32>
    %get3A_2 = arith.constant 0 : index
    %get3A_3 = arith.constant 0 : index
    %get3A_4 = vector.load %arg5[%get3A_2, %get3A_3] : memref<512x256xf32, #tpu.memory_space<vmem>>, vector<512x256xf32>
    %get3A_5 = arith.constant 0 : index
    %get3A_6 = arith.constant 0 : index
    %get3A_7 = vector.load %arg6[%get3A_5, %get3A_6] : memref<512x256xf32, #tpu.memory_space<vmem>>, vector<512x256xf32>
    %mul3A = arith.mulf %get3A_4, %get3A_7 : vector<512x256xf32>
    %reduce_sum3A = arith.constant dense<0.000000e+00> : vector<512xf32>
    %reduce_sum3A_8 = vector.multi_reduction <add>, %mul3A, %reduce_sum3A [1] : vector<512x256xf32> to vector<512xf32>
    %broadcast_in_dim3A = vector.shape_cast %reduce_sum3A_8 : vector<512xf32> to vector<512x1xf32>
    %iota3A = tpu.iota {dimensions = array<i32: 1>} : vector<512x128xi32>
    %jit3A = arith.constant 64 : i32
    %div3A = vector.broadcast %jit3A : i32 to vector<512x128xi32>
    %div3A_9 = arith.divsi %iota3A, %div3A : vector<512x128xi32>
    %sign3A = arith.constant 0 : i32
    %sign3A_10 = vector.broadcast %sign3A : i32 to vector<512x128xi32>
    %sign3A_11 = arith.cmpi sgt, %iota3A, %sign3A_10 : vector<512x128xi32>
    %sign3A_12 = arith.extui %sign3A_11 : vector<512x128xi1> to vector<512x128xi32>
    %sign3A_13 = arith.constant 0 : i32
    %sign3A_14 = vector.broadcast %sign3A_13 : i32 to vector<512x128xi32>
    %sign3A_15 = arith.cmpi slt, %iota3A, %sign3A_14 : vector<512x128xi32>
    %sign3A_16 = arith.extui %sign3A_15 : vector<512x128xi1> to vector<512x128xi32>
    %sign3A_17 = arith.subi %sign3A_12, %sign3A_16 : vector<512x128xi32>
    %sign3A_18 = arith.constant 0 : i32
    %sign3A_19 = arith.cmpi sgt, %jit3A, %sign3A_18 : i32
    %sign3A_20 = arith.extui %sign3A_19 : i1 to i32
    %sign3A_21 = arith.constant 0 : i32
    %sign3A_22 = arith.cmpi slt, %jit3A, %sign3A_21 : i32
    %sign3A_23 = arith.extui %sign3A_22 : i1 to i32
    %sign3A_24 = arith.subi %sign3A_20, %sign3A_23 : i32
    %ne3A = vector.broadcast %sign3A_24 : i32 to vector<512x128xi32>
    %ne3A_25 = arith.cmpi ne, %sign3A_17, %ne3A : vector<512x128xi32>
    %rem3A = vector.broadcast %jit3A : i32 to vector<512x128xi32>
    %rem3A_26 = arith.remsi %iota3A, %rem3A : vector<512x128xi32>
    %ne3A_27 = arith.constant 0 : i32
    %ne3A_28 = vector.broadcast %ne3A_27 : i32 to vector<512x128xi32>
    %ne3A_29 = arith.cmpi ne, %rem3A_26, %ne3A_28 : vector<512x128xi32>
    %and3A = arith.andi %ne3A_25, %ne3A_29 : vector<512x128xi1>
    %sub3A = arith.constant 1 : i32
    %sub3A_30 = vector.broadcast %sub3A : i32 to vector<512x128xi32>
    %sub3A_31 = arith.subi %div3A_9, %sub3A_30 : vector<512x128xi32>
    %select_n3A = arith.select %and3A, %sub3A_31, %div3A_9 : vector<512x128xi1>, vector<512x128xi32>
    %get3A_32 = arith.constant 0 : index
    %get3A_33 = arith.constant 0 : index
    %get3A_34 = vector.load %arg3[%get3A_32, %get3A_33] : memref<512x1xi32, #tpu.memory_space<vmem>>, vector<512x1xi32>
    %eq3A = vector.broadcast %get3A_34 : vector<512x1xi32> to vector<512x128xi32>
    %eq3A_35 = arith.cmpi eq, %select_n3A, %eq3A : vector<512x128xi32>
    %get3A_36 = arith.constant 0 : index
    %get3A_37 = arith.constant 0 : index
    %get3A_38 = vector.load %arg7[%get3A_36, %get3A_37] : memref<512x128xf32, #tpu.memory_space<vmem>>, vector<512x64xf32>
    %concatenate3A = tpu.concatenate %get3A_38, %get3A_38 in 1 : vector<512x64xf32>, vector<512x64xf32> -> vector<512x128xf32>
    %jit3A_39 = arith.constant 0.000000e+00 : f32
    %broadcast_in_dim3A_40 = vector.broadcast %jit3A_39 : f32 to vector<512x128xf32>
    %select_n3A_41 = arith.select %eq3A_35, %concatenate3A, %broadcast_in_dim3A_40 : vector<512x128xi1>, vector<512x128xf32>
    %get3A_42 = arith.constant 0 : index
    %get3A_43 = arith.constant 0 : index
    %get3A_44 = vector.load %arg8[%get3A_42, %get3A_43] : memref<512x128xf32, #tpu.memory_space<vmem>>, vector<512x128xf32>
    %mul3A_45 = arith.mulf %select_n3A_41, %get3A_44 : vector<512x128xf32>
    %reduce_sum3A_46 = arith.constant dense<0.000000e+00> : vector<512xf32>
    %reduce_sum3A_47 = vector.multi_reduction <add>, %mul3A_45, %reduce_sum3A_46 [1] : vector<512x128xf32> to vector<512xf32>
    %broadcast_in_dim3A_48 = vector.shape_cast %reduce_sum3A_47 : vector<512xf32> to vector<512x1xf32>
    %jit3A_49 = arith.constant 16 : i32
    %div3A_50 = vector.broadcast %jit3A_49 : i32 to vector<512x128xi32>
    %div3A_51 = arith.divsi %iota3A, %div3A_50 : vector<512x128xi32>
    %sign3A_52 = arith.constant 0 : i32
    %sign3A_53 = vector.broadcast %sign3A_52 : i32 to vector<512x128xi32>
    %sign3A_54 = arith.cmpi sgt, %iota3A, %sign3A_53 : vector<512x128xi32>
    %sign3A_55 = arith.extui %sign3A_54 : vector<512x128xi1> to vector<512x128xi32>
    %sign3A_56 = arith.constant 0 : i32
    %sign3A_57 = vector.broadcast %sign3A_56 : i32 to vector<512x128xi32>
    %sign3A_58 = arith.cmpi slt, %iota3A, %sign3A_57 : vector<512x128xi32>
    %sign3A_59 = arith.extui %sign3A_58 : vector<512x128xi1> to vector<512x128xi32>
    %sign3A_60 = arith.subi %sign3A_55, %sign3A_59 : vector<512x128xi32>
    %sign3A_61 = arith.constant 0 : i32
    %sign3A_62 = arith.cmpi sgt, %jit3A_49, %sign3A_61 : i32
    %sign3A_63 = arith.extui %sign3A_62 : i1 to i32
    %sign3A_64 = arith.constant 0 : i32
    %sign3A_65 = arith.cmpi slt, %jit3A_49, %sign3A_64 : i32
    %sign3A_66 = arith.extui %sign3A_65 : i1 to i32
    %sign3A_67 = arith.subi %sign3A_63, %sign3A_66 : i32
    %ne3A_68 = vector.broadcast %sign3A_67 : i32 to vector<512x128xi32>
    %ne3A_69 = arith.cmpi ne, %sign3A_60, %ne3A_68 : vector<512x128xi32>
    %rem3A_70 = vector.broadcast %jit3A_49 : i32 to vector<512x128xi32>
    %rem3A_71 = arith.remsi %iota3A, %rem3A_70 : vector<512x128xi32>
    %ne3A_72 = arith.constant 0 : i32
    %ne3A_73 = vector.broadcast %ne3A_72 : i32 to vector<512x128xi32>
    %ne3A_74 = arith.cmpi ne, %rem3A_71, %ne3A_73 : vector<512x128xi32>
    %and3A_75 = arith.andi %ne3A_69, %ne3A_74 : vector<512x128xi1>
    %sub3A_76 = arith.constant 1 : i32
    %sub3A_77 = vector.broadcast %sub3A_76 : i32 to vector<512x128xi32>
    %sub3A_78 = arith.subi %div3A_51, %sub3A_77 : vector<512x128xi32>
    %select_n3A_79 = arith.select %and3A_75, %sub3A_78, %div3A_51 : vector<512x128xi1>, vector<512x128xi32>
    %get3A_80 = arith.constant 0 : index
    %get3A_81 = arith.constant 0 : index
    %get3A_82 = vector.load %arg4[%get3A_80, %get3A_81] : memref<512x1xi32, #tpu.memory_space<vmem>>, vector<512x1xi32>
    %eq3A_83 = vector.broadcast %get3A_82 : vector<512x1xi32> to vector<512x128xi32>
    %eq3A_84 = arith.cmpi eq, %select_n3A_79, %eq3A_83 : vector<512x128xi32>
    %get3A_85 = arith.constant 0 : index
    %get3A_86 = arith.constant 0 : index
    %get3A_87 = vector.load %arg9[%get3A_85, %get3A_86] : memref<512x128xf32, #tpu.memory_space<vmem>>, vector<512x16xf32>
    %concatenate3A_88 = tpu.concatenate %get3A_87, %get3A_87, %get3A_87, %get3A_87, %get3A_87, %get3A_87, %get3A_87, %get3A_87 in 1 : vector<512x16xf32>, vector<512x16xf32>, vector<512x16xf32>, vector<512x16xf32>, vector<512x16xf32>, vector<512x16xf32>, vector<512x16xf32>, vector<512x16xf32> -> vector<512x128xf32>
    %jit3A_89 = arith.constant 0.000000e+00 : f32
    %broadcast_in_dim3A_90 = vector.broadcast %jit3A_89 : f32 to vector<512x128xf32>
    %select_n3A_91 = arith.select %eq3A_84, %concatenate3A_88, %broadcast_in_dim3A_90 : vector<512x128xi1>, vector<512x128xf32>
    %get3A_92 = arith.constant 0 : index
    %get3A_93 = arith.constant 0 : index
    %get3A_94 = vector.load %arg10[%get3A_92, %get3A_93] : memref<512x128xf32, #tpu.memory_space<vmem>>, vector<512x128xf32>
    %mul3A_95 = arith.mulf %select_n3A_91, %get3A_94 : vector<512x128xf32>
    %reduce_sum3A_96 = arith.constant dense<0.000000e+00> : vector<512xf32>
    %reduce_sum3A_97 = vector.multi_reduction <add>, %mul3A_95, %reduce_sum3A_96 [1] : vector<512x128xf32> to vector<512xf32>
    %broadcast_in_dim3A_98 = vector.shape_cast %reduce_sum3A_97 : vector<512xf32> to vector<512x1xf32>
    %get3A_99 = arith.constant 0 : index
    %get3A_100 = arith.constant 0 : index
    %get3A_101 = vector.load %arg2[%get3A_99, %get3A_100] : memref<512x1xi32, #tpu.memory_space<vmem>>, vector<512x1xi32>
    %eq3A_102 = vector.broadcast %get3A_101 : vector<512x1xi32> to vector<512x128xi32>
    %eq3A_103 = arith.cmpi eq, %iota3A, %eq3A_102 : vector<512x128xi32>
    %get3A_104 = arith.constant 0 : index
    %get3A_105 = arith.constant 0 : index
    %get3A_106 = vector.load %arg11[%get3A_104, %get3A_105] : memref<512x128xf32, #tpu.memory_space<vmem>>, vector<512x128xf32>
    %jit3A_107 = arith.constant 0.000000e+00 : f32
    %broadcast_in_dim3A_108 = vector.broadcast %jit3A_107 : f32 to vector<512x128xf32>
    %select_n3A_109 = arith.select %eq3A_103, %get3A_106, %broadcast_in_dim3A_108 : vector<512x128xi1>, vector<512x128xf32>
    %reduce_sum3A_110 = arith.constant dense<0.000000e+00> : vector<512xf32>
    %reduce_sum3A_111 = vector.multi_reduction <add>, %select_n3A_109, %reduce_sum3A_110 [1] : vector<512x128xf32> to vector<512xf32>
    %broadcast_in_dim3A_112 = vector.shape_cast %reduce_sum3A_111 : vector<512xf32> to vector<512x1xf32>
    %eq3A_113 = arith.constant 1 : i32
    %eq3A_114 = vector.broadcast %eq3A_113 : i32 to vector<512x1xi32>
    %eq3A_115 = arith.cmpi eq, %get3A_1, %eq3A_114 : vector<512x1xi32>
    %eq3A_116 = arith.constant 2 : i32
    %eq3A_117 = vector.broadcast %eq3A_116 : i32 to vector<512x1xi32>
    %eq3A_118 = arith.cmpi eq, %get3A_1, %eq3A_117 : vector<512x1xi32>
    %select_n3A_119 = arith.select %eq3A_118, %broadcast_in_dim3A_48, %broadcast_in_dim3A_98 : vector<512x1xi1>, vector<512x1xf32>
    %select_n3A_120 = arith.select %eq3A_115, %broadcast_in_dim3A, %select_n3A_119 : vector<512x1xi1>, vector<512x1xf32>
    %eq3A_121 = arith.constant 1 : i32
    %eq3A_122 = vector.broadcast %eq3A_121 : i32 to vector<512x1xi32>
    %eq3A_123 = arith.cmpi eq, %get3A_1, %eq3A_122 : vector<512x1xi32>
    %get3A_124 = arith.constant 0 : index
    %get3A_125 = arith.constant 0 : index
    %get3A_126 = vector.load %arg12[%get3A_124, %get3A_125] : memref<512x1xf32, #tpu.memory_space<vmem>>, vector<512x1xf32>
    %eq3A_127 = arith.constant 2 : i32
    %eq3A_128 = vector.broadcast %eq3A_127 : i32 to vector<512x1xi32>
    %eq3A_129 = arith.cmpi eq, %get3A_1, %eq3A_128 : vector<512x1xi32>
    %get3A_130 = arith.constant 0 : index
    %get3A_131 = arith.constant 0 : index
    %get3A_132 = vector.load %arg13[%get3A_130, %get3A_131] : memref<512x1xf32, #tpu.memory_space<vmem>>, vector<512x1xf32>
    %get3A_133 = arith.constant 0 : index
    %get3A_134 = arith.constant 0 : index
    %get3A_135 = vector.load %arg14[%get3A_133, %get3A_134] : memref<512x1xf32, #tpu.memory_space<vmem>>, vector<512x1xf32>
    %select_n3A_136 = arith.select %eq3A_129, %get3A_132, %get3A_135 : vector<512x1xi1>, vector<512x1xf32>
    %select_n3A_137 = arith.select %eq3A_123, %get3A_126, %select_n3A_136 : vector<512x1xi1>, vector<512x1xf32>
    %gt3A = arith.constant 0 : i32
    %gt3A_138 = vector.broadcast %gt3A : i32 to vector<512x1xi32>
    %gt3A_139 = arith.cmpi sgt, %get3A_1, %gt3A_138 : vector<512x1xi32>
    %add3A = arith.addf %select_n3A_120, %broadcast_in_dim3A_112 : vector<512x1xf32>
    %sub3A_140 = arith.subf %add3A, %select_n3A_137 : vector<512x1xf32>
    %jit3A_141 = arith.constant 0.000000e+00 : f32
    %broadcast_in_dim3A_142 = vector.broadcast %jit3A_141 : f32 to vector<512x1xf32>
    %select_n3A_143 = arith.select %gt3A_139, %sub3A_140, %broadcast_in_dim3A_142 : vector<512x1xi1>, vector<512x1xf32>
    %swap3A = arith.constant 0 : index
    %swap3A_144 = arith.constant 0 : index
    %swap3A_145 = vector.load %arg15[%swap3A, %swap3A_144] : memref<512x1xf32, #tpu.memory_space<vmem>>, vector<512x1xf32>
    tpu.vector_store %arg15[%swap3A, %swap3A_144], %select_n3A_143 {strides = array<i32>} : memref<512x1xf32, #tpu.memory_space<vmem>>, vector<512x1xf32>,
    return
  }
  func.func @transform_0(%arg0: i32) -> (i32, i32) {
    %c0_i32 = arith.constant 0 : i32
    %c0_i32_0 = arith.constant 0 : i32
    return %arg0, %c0_i32 : i32, i32
  }
  func.func @transform_1(%arg0: i32) -> (i32, i32) {
    %c0_i32 = arith.constant 0 : i32
    %c0_i32_0 = arith.constant 0 : i32
    return %arg0, %c0_i32 : i32, i32
  }
  func.func @transform_2(%arg0: i32) -> (i32, i32) {
    %c0_i32 = arith.constant 0 : i32
    %c0_i32_0 = arith.constant 0 : i32
    return %arg0, %c0_i32 : i32, i32
  }
  func.func @transform_3(%arg0: i32) -> (i32, i32) {
    %c0_i32 = arith.constant 0 : i32
    %c0_i32_0 = arith.constant 0 : i32
    return %arg0, %c0_i32 : i32, i32
  }
  func.func @transform_4(%arg0: i32) -> (i32, i32) {
    %c0_i32 = arith.constant 0 : i32
    %c0_i32_0 = arith.constant 0 : i32
    return %arg0, %c0_i32 : i32, i32
  }
  func.func @transform_5(%arg0: i32) -> (i32, i32) {
    %c0_i32 = arith.constant 0 : i32
    %c0_i32_0 = arith.constant 0 : i32
    return %arg0, %c0_i32 : i32, i32
  }
  func.func @transform_6(%arg0: i32) -> (i32, i32) {
    %c2_i32 = arith.constant 2 : i32
    %c0_i32 = arith.constant 0 : i32
    return %arg0, %c2_i32 : i32, i32
  }
  func.func @transform_7(%arg0: i32) -> (i32, i32) {
    %c0_i32 = arith.constant 0 : i32
    %c0_i32_0 = arith.constant 0 : i32
    return %arg0, %c0_i32 : i32, i32
  }
  func.func @transform_8(%arg0: i32) -> (i32, i32) {
    %c3_i32 = arith.constant 3 : i32
    %c0_i32 = arith.constant 0 : i32
    return %arg0, %c3_i32 : i32, i32
  }
  func.func @transform_9(%arg0: i32) -> (i32, i32) {
    %c0_i32 = arith.constant 0 : i32
    %c0_i32_0 = arith.constant 0 : i32
    return %arg0, %c0_i32 : i32, i32
  }
  func.func @transform_10(%arg0: i32) -> (i32, i32) {
    %c0_i32 = arith.constant 0 : i32
    %c0_i32_0 = arith.constant 0 : i32
    return %arg0, %c0_i32 : i32, i32
  }
  func.func @transform_11(%arg0: i32) -> (i32, i32) {
    %c0_i32 = arith.constant 0 : i32
    %c0_i32_0 = arith.constant 0 : i32
    return %arg0, %c0_i32 : i32, i32
  }
  func.func @transform_12(%arg0: i32) -> (i32, i32) {
    %c0_i32 = arith.constant 0 : i32
    %c0_i32_0 = arith.constant 0 : i32
    return %arg0, %c0_i32 : i32, i32
  }
  func.func @transform_13(%arg0: i32) -> (i32, i32) {
    %c0_i32 = arith.constant 0 : i32
    %c0_i32_0 = arith.constant 0 : i32
    return %arg0, %c0_i32 : i32, i32
  }
  func.func @transform_14(%arg0: i32) -> (i32, i32) {
    %c0_i32 = arith.constant 0 : i32
    %c0_i32_0 = arith.constant 0 : i32
    return %arg0, %c0_i32 : i32, i32
  }
}

module attributes {stable_mosaic.version = 14 : i64} {
  func.func @_unscatter_kernel(%arg0: i32, %arg1: memref<512x1xi32, #tpu.memory_space<vmem>>, %arg2: memref<512x1xf32, #tpu.memory_space<vmem>>, %arg3: memref<512x1xf32, #tpu.memory_space<vmem>>, %arg4: memref<64x128xf32, #tpu.memory_space<vmem>>, %arg5: memref<512x1xf32, #tpu.memory_space<vmem>>) attributes {dimension_semantics = [#tpu.dimension_semantics<arbitrary>], iteration_bounds = array<i64: 16>, scalar_prefetch = 0 : i64, scratch_operands = 0 : i64, tpu.core_type = #tpu.core_type<tc>, window_params = [{transform_indices = @transform_0, window_bounds = array<i64: 512, 1>}, {transform_indices = @transform_1, window_bounds = array<i64: 512, 1>}, {transform_indices = @transform_2, window_bounds = array<i64: 512, 1>}, {pipeline_mode = #tpu.pipeline_mode<synchronous>, transform_indices = @transform_3, window_bounds = array<i64: 64, 128>}, {transform_indices = @transform_4, window_bounds = array<i64: 512, 1>}]} {
    %get3A = arith.constant 0 : index
    %get3A_0 = arith.constant 0 : index
    %get3A_1 = vector.load %arg1[%get3A, %get3A_0] : memref<512x1xi32, #tpu.memory_space<vmem>>, vector<512x1xi32>
    %jit3A = arith.constant 128 : i32
    %div3A = vector.broadcast %jit3A : i32 to vector<512x1xi32>
    %div3A_2 = arith.divsi %get3A_1, %div3A : vector<512x1xi32>
    %sign3A = arith.constant 0 : i32
    %sign3A_3 = vector.broadcast %sign3A : i32 to vector<512x1xi32>
    %sign3A_4 = arith.cmpi sgt, %get3A_1, %sign3A_3 : vector<512x1xi32>
    %sign3A_5 = arith.extui %sign3A_4 : vector<512x1xi1> to vector<512x1xi32>
    %sign3A_6 = arith.constant 0 : i32
    %sign3A_7 = vector.broadcast %sign3A_6 : i32 to vector<512x1xi32>
    %sign3A_8 = arith.cmpi slt, %get3A_1, %sign3A_7 : vector<512x1xi32>
    %sign3A_9 = arith.extui %sign3A_8 : vector<512x1xi1> to vector<512x1xi32>
    %sign3A_10 = arith.subi %sign3A_5, %sign3A_9 : vector<512x1xi32>
    %sign3A_11 = arith.constant 0 : i32
    %sign3A_12 = arith.cmpi sgt, %jit3A, %sign3A_11 : i32
    %sign3A_13 = arith.extui %sign3A_12 : i1 to i32
    %sign3A_14 = arith.constant 0 : i32
    %sign3A_15 = arith.cmpi slt, %jit3A, %sign3A_14 : i32
    %sign3A_16 = arith.extui %sign3A_15 : i1 to i32
    %sign3A_17 = arith.subi %sign3A_13, %sign3A_16 : i32
    %ne3A = vector.broadcast %sign3A_17 : i32 to vector<512x1xi32>
    %ne3A_18 = arith.cmpi ne, %sign3A_10, %ne3A : vector<512x1xi32>
    %rem3A = vector.broadcast %jit3A : i32 to vector<512x1xi32>
    %rem3A_19 = arith.remsi %get3A_1, %rem3A : vector<512x1xi32>
    %ne3A_20 = arith.constant 0 : i32
    %ne3A_21 = vector.broadcast %ne3A_20 : i32 to vector<512x1xi32>
    %ne3A_22 = arith.cmpi ne, %rem3A_19, %ne3A_21 : vector<512x1xi32>
    %and3A = arith.andi %ne3A_18, %ne3A_22 : vector<512x1xi1>
    %sub3A = arith.constant 1 : i32
    %sub3A_23 = vector.broadcast %sub3A : i32 to vector<512x1xi32>
    %sub3A_24 = arith.subi %div3A_2, %sub3A_23 : vector<512x1xi32>
    %select_n3A = arith.select %and3A, %sub3A_24, %div3A_2 : vector<512x1xi1>, vector<512x1xi32>
    %jit3A_25 = arith.constant 128 : i32
    %eq3A = arith.constant 0 : i32
    %eq3A_26 = arith.cmpi eq, %jit3A_25, %eq3A : i32
    %jit3A_27 = arith.constant 1 : i32
    %select_n3A_28 = arith.select %eq3A_26, %jit3A_27, %jit3A_25 : i32
    %rem3A_29 = vector.broadcast %select_n3A_28 : i32 to vector<512x1xi32>
    %rem3A_30 = arith.remsi %get3A_1, %rem3A_29 : vector<512x1xi32>
    %ne3A_31 = arith.constant 0 : i32
    %ne3A_32 = vector.broadcast %ne3A_31 : i32 to vector<512x1xi32>
    %ne3A_33 = arith.cmpi ne, %rem3A_30, %ne3A_32 : vector<512x1xi32>
    %lt3A = arith.constant 0 : i32
    %lt3A_34 = vector.broadcast %lt3A : i32 to vector<512x1xi32>
    %lt3A_35 = arith.cmpi slt, %rem3A_30, %lt3A_34 : vector<512x1xi32>
    %lt3A_36 = arith.constant 0 : i32
    %lt3A_37 = arith.cmpi slt, %select_n3A_28, %lt3A_36 : i32
    %ne3A_38 = vector.broadcast %lt3A_37 : i1 to vector<512x1xi1>
    %ne3A_39 = vector.broadcast %ne3A_38 : vector<512x1xi1> to vector<512x1xi1>
    %ne3A_40 = arith.xori %lt3A_35, %ne3A_39 : vector<512x1xi1>
    %and3A_41 = arith.andi %ne3A_40, %ne3A_33 : vector<512x1xi1>
    %add3A = vector.broadcast %select_n3A_28 : i32 to vector<512x1xi32>
    %add3A_42 = arith.addi %rem3A_30, %add3A : vector<512x1xi32>
    %select_n3A_43 = arith.select %and3A_41, %add3A_42, %rem3A_30 : vector<512x1xi1>, vector<512x1xi32>
    %iota3A = tpu.iota {dimensions = array<i32: 1>} : vector<512x64xi32>
    %eq3A_44 = vector.broadcast %select_n3A : vector<512x1xi32> to vector<512x64xi32>
    %eq3A_45 = arith.cmpi eq, %iota3A, %eq3A_44 : vector<512x64xi32>
    %convert_element_type3A = arith.extui %eq3A_45 : vector<512x64xi1> to vector<512x64xi32>
    %convert_element_type3A_46 = arith.sitofp %convert_element_type3A : vector<512x64xi32> to vector<512x64xf32>
    %get3A_47 = arith.constant 0 : index
    %get3A_48 = arith.constant 0 : index
    %get3A_49 = vector.load %arg4[%get3A_47, %get3A_48] : memref<64x128xf32, #tpu.memory_space<vmem>>, vector<64x128xf32>
    %dot_general3A = arith.constant dense<0.000000e+00> : vector<512x128xf32>
    %dot_general3A_50 = tpu.matmul %convert_element_type3A_46, %get3A_49, %dot_general3A {dimension_numbers = #tpu.dot_dimension_numbers<[1], [0], [0], [1], [0, 0, 1, 1], [], []>, transpose_lhs_hint = false} : vector<512x64xf32>, vector<64x128xf32>, vector<512x128xf32> -> vector<512x128xf32>
    %iota3A_51 = tpu.iota {dimensions = array<i32: 1>} : vector<512x128xi32>
    %eq3A_52 = vector.broadcast %select_n3A_43 : vector<512x1xi32> to vector<512x128xi32>
    %eq3A_53 = arith.cmpi eq, %iota3A_51, %eq3A_52 : vector<512x128xi32>
    %jit3A_54 = arith.constant 0.000000e+00 : f32
    %broadcast_in_dim3A = vector.broadcast %jit3A_54 : f32 to vector<512x128xf32>
    %select_n3A_55 = arith.select %eq3A_53, %dot_general3A_50, %broadcast_in_dim3A : vector<512x128xi1>, vector<512x128xf32>
    %reduce_sum3A = arith.constant dense<0.000000e+00> : vector<512xf32>
    %reduce_sum3A_56 = vector.multi_reduction <add>, %select_n3A_55, %reduce_sum3A [1] : vector<512x128xf32> to vector<512xf32>
    %broadcast_in_dim3A_57 = vector.shape_cast %reduce_sum3A_56 : vector<512xf32> to vector<512x1xf32>
    %get3A_58 = arith.constant 0 : index
    %get3A_59 = arith.constant 0 : index
    %get3A_60 = vector.load %arg3[%get3A_58, %get3A_59] : memref<512x1xf32, #tpu.memory_space<vmem>>, vector<512x1xf32>
    %get3A_61 = arith.constant 0 : index
    %get3A_62 = arith.constant 0 : index
    %get3A_63 = vector.load %arg2[%get3A_61, %get3A_62] : memref<512x1xf32, #tpu.memory_space<vmem>>, vector<512x1xf32>
    %sub3A_64 = arith.subf %get3A_60, %get3A_63 : vector<512x1xf32>
    %add3A_65 = arith.addf %sub3A_64, %broadcast_in_dim3A_57 : vector<512x1xf32>
    %neg3A = arith.constant 0.000000e+00 : f32
    %neg3A_66 = vector.broadcast %neg3A : f32 to vector<512x1xf32>
    %neg3A_67 = arith.subf %neg3A_66, %add3A_65 : vector<512x1xf32>
    %swap3A = arith.constant 0 : index
    %swap3A_68 = arith.constant 0 : index
    %swap3A_69 = vector.load %arg5[%swap3A, %swap3A_68] : memref<512x1xf32, #tpu.memory_space<vmem>>, vector<512x1xf32>
    tpu.vector_store %arg5[%swap3A, %swap3A_68], %neg3A_67 {strides = array<i32>} : memref<512x1xf32, #tpu.memory_space<vmem>>, vector<512x1xf32>,
    return
  }
  func.func @transform_0(%arg0: i32) -> (i32, i32) {
    %c0_i32 = arith.constant 0 : i32
    %c0_i32_0 = arith.constant 0 : i32
    return %arg0, %c0_i32 : i32, i32
  }
  func.func @transform_1(%arg0: i32) -> (i32, i32) {
    %c0_i32 = arith.constant 0 : i32
    %c0_i32_0 = arith.constant 0 : i32
    return %arg0, %c0_i32 : i32, i32
  }
  func.func @transform_2(%arg0: i32) -> (i32, i32) {
    %c0_i32 = arith.constant 0 : i32
    %c0_i32_0 = arith.constant 0 : i32
    return %arg0, %c0_i32 : i32, i32
  }
  func.func @transform_3(%arg0: i32) -> (i32, i32) {
    %c0_i32 = arith.constant 0 : i32
    %c0_i32_0 = arith.constant 0 : i32
    %c0_i32_1 = arith.constant 0 : i32
    return %c0_i32, %c0_i32_0 : i32, i32
  }
  func.func @transform_4(%arg0: i32) -> (i32, i32) {
    %c0_i32 = arith.constant 0 : i32
    %c0_i32_0 = arith.constant 0 : i32
    return %arg0, %c0_i32 : i32, i32
  }
}

</mosaic_0001>

<sc_bundles>
// kernel: kernel.12.cloned.1.call-start
scs
__scs_entry_jumppad:
0x0: {  	(pc) =	sbr.rel $0x88, $3  }
0x1: {  	(tag) =	ssettag $0x0;
	lr =	simm.s32 $0x1  }
0x2: {  	[smem:$0x3F91] =	sst lr;
	_ =	strace $0xD0000000  }
0x3: {  	_ = 	snop  }
0x4: {  	_ = 	snop  }
0x5: {  	_ = 	snop  }
0x6: {  	_ = 	snop  }
0x7: {  	_ = 	snop  }
__scs_overlays_trampoline_lowered:
0x8: {  	[smem:$0x3FA0] =	sst s0  }
0x9: {  	[smem:$0x3FA1] =	sst s1  }
0xa: {  	[smem:$0x3FA2] =	sst s2  }
0xb: {  	[smem:$0x3FA3] =	sst s3  }
0xc: {  	[smem:$0x3FA4] =	sst s4  }
0xd: {  	[smem:$0x3FA5] =	sst s5  }
0xe: {  	[smem:$0x3FA6] =	sst s6  }
0xf: {  	[smem:$0x3FA7] =	sst s7  }
0x10: {  	[smem:$0x3FA8] =	sst s8  }
0x11: {  	[smem:$0x3FA9] =	sst s9;
	s0 =	simm.s32 @!p0 $0x0  }
0x12: {  	s1 =	sld [smem:$0x3F8F];
	s0 =	simm.s32 @p0 $0x1  }
0x13: {  	[smem:$0x3FAA] =	sst s0;
	s0 =	simm.s32 @!p1 $0x0  }
0x14: {  	s2 =	sld [smem:$0x3F8E];
	s0 =	simm.s32 @p1 $0x1  }
0x15: {  	[smem:$0x3FAB] =	sst s0;
	s0 =	simm.s32 @!p2 $0x0  }
0x16: {  	s3 =	sld [smem:$0x3FDB];
	s0 =	simm.s32 @p2 $0x1  }
0x17: {  	s4 =	simm.s32 $0x1BF5;
	[smem:$0x3FAD] =	sst s0  }
0x18: {  	s0 =	sld [smem:$0x3F90];
	_ =	swait.ge [sflag:s4], $0x0  }
0x19: {  	s7 =	sld [smem:$0x3F91]  }
0x1a: {  	s8 =	sadd.s32 $0xFFFFE003, lr  }
0x1b: {  	s9 =	sadd.s32 $0xFFFFFEF7, lr;
	s5 =	simm.s32 $0xFFFFFFFF;
	p2 =	slt.u32 s8, $0xFFFFF086  }
0x1c: {  	p1 =	slt.u32 s9, $0xF7A;
	s5 =	simm.s32 @!p2 $0x0  }
0x1d: {  	s5 =	simm.s32 @p1 $0x1;
	p0 =	seq.s32 s7, s2  }
0x1e: {  	s7 =	smul.u32 @!p0 $0xF7A, s2;
	p2 =	seq.s32 @!p0 s5, $0x0  }
0x1f: {  	s9 =	smul.u32 $0xF7A, s1;
	s8 =	simm.s32 @!p0 $0x1BF5;
	p2 =	por !p2, p0  }
0x20: {  	[sflag:s8] =	ssyncset.s32 @!p0 $0xFFFFF086;
	s6 =	sadd.s32 @!p0 s3, s7;
	s7 =	simm.s32 @!p0 $0x108  }
0x21: {  	s3 =	sadd.s32 s3, s9;
	s6 =	sadd.s32 @!p0 $0x88, s6;
	s7 =	simm.s32 @p2 $0x1082  }
0x22: {  	[simem:s7], [sflag:s8] =	dma.local @!p0 [hbm:s6], $0xF7A  }
0x23: {  	s9 =	sor.u32 $0xD0000000, s2;
	s6 =	simm.s32 $0x108;
	_ =	swait.ge @!p0 [sflag:s8], $0x0  }
0x24: {  	s3 =	sadd.s32 $0x88, s3;
	s6 =	simm.s32 @!p1 $0x1082;
	[sflag:s4] =	ssyncset.s32 $0xFFFFF086  }
0x25: {  	[simem:s6], [sflag:s4] =	dma.local [hbm:s3], $0xF7A  }
0x26: {  	[smem:$0x3F91] =	sst s1;
	(tag) =	ssettag s2;
	_ =	strace s9  }
0x27: {  	s1 =	sld [smem:$0x3FA1]  }
0x28: {  	s2 =	sld [smem:$0x3FA2]  }
0x29: {  	s4 =	sld [smem:$0x3FA4]  }
0x2a: {  	p0 =	seq.s32 s5, $0x0;
	s5 =	sld [smem:$0x3FA5]  }
0x2b: {  	s6 =	sld [smem:$0x3FA6]  }
0x2c: {  	s7 =	sld [smem:$0x3FA7]  }
0x2d: {  	s3 =	simm.s32 $0x108;
	s8 =	sld [smem:$0x3FA8]  }
0x2e: {  	s3 =	simm.s32 @!p0 $0x1082;
	s9 =	sld [smem:$0x3FA9]  }
0x2f: {  	lr =	sadd.s32 s0, s3;
	s0 =	sld [smem:$0x3FA0]  }
0x30: {  	s3 =	sld [smem:$0x3FA3]  }
0x31: {  	[smem:$0x3FAC] =	sst s10  }
0x32: {  	s10 =	sld [smem:$0x3FAA];
	_ =	sdelay $0x3  }
0x33: {  	p0 =	seq.s32 s10, $0x1;
	s10 =	sld [smem:$0x3FAC];
	_ =	sdelay $0x3  }
0x34: {  	[smem:$0x3FAC] =	sst s10  }
0x35: {  	s10 =	sld [smem:$0x3FAB];
	_ =	sdelay $0x3  }
0x36: {  	p1 =	seq.s32 s10, $0x1;
	s10 =	sld [smem:$0x3FAC];
	_ =	sdelay $0x3  }
0x37: {  	[smem:$0x3FAC] =	sst s10  }
0x38: {  	s10 =	sld [smem:$0x3FAD]  }
0x39: {  	_ = 	snop;
	(pc) =	sbr.ind lr, $3  }
0x3a: {  	_ = 	snop  }
0x3b: {  	_ = 	snop  }
0x3c: {  	p2 =	seq.s32 s10, $0x1;
	s10 =	sld [smem:$0x3FAC]  }
0x3d: {  	_ =	shalt  }
0x3e: {  	_ =	shalt  }
0x3f: {  	_ =	shalt  }
0x40: {  	_ =	shalt  }
0x41: {  	_ =	shalt  }
0x42: {  	_ =	shalt  }
0x43: {  	_ =	shalt  }
0x44: {  	_ =	shalt  }
0x45: {  	_ =	shalt  }
0x46: {  	_ =	shalt  }
0x47: {  	_ =	shalt  }
0x48: {  	_ =	shalt  }
0x49: {  	_ =	shalt  }
0x4a: {  	_ =	shalt  }
0x4b: {  	_ =	shalt  }
0x4c: {  	_ =	shalt  }
0x4d: {  	_ =	shalt  }
0x4e: {  	_ =	shalt  }
0x4f: {  	_ =	shalt  }
0x50: {  	_ =	shalt  }
0x51: {  	_ =	shalt  }
0x52: {  	_ =	shalt  }
0x53: {  	_ =	shalt  }
0x54: {  	_ =	shalt  }
0x55: {  	_ =	shalt  }
0x56: {  	_ =	shalt  }
0x57: {  	_ =	shalt  }
0x58: {  	_ =	shalt  }
0x59: {  	_ =	shalt  }
0x5a: {  	_ =	shalt  }
0x5b: {  	_ =	shalt  }
0x5c: {  	_ =	shalt  }
0x5d: {  	_ =	shalt  }
0x5e: {  	_ =	shalt  }
0x5f: {  	_ =	shalt  }
0x60: {  	_ =	shalt  }
0x61: {  	_ =	shalt  }
0x62: {  	_ =	shalt  }
0x63: {  	_ =	shalt  }
0x64: {  	_ =	shalt  }
0x65: {  	_ =	shalt  }
0x66: {  	_ =	shalt  }
0x67: {  	_ =	shalt  }
0x68: {  	_ =	shalt  }
0x69: {  	_ =	shalt  }
0x6a: {  	_ =	shalt  }
0x6b: {  	_ =	shalt  }
0x6c: {  	_ =	shalt  }
0x6d: {  	_ =	shalt  }
0x6e: {  	_ =	shalt  }
0x6f: {  	_ =	shalt  }
0x70: {  	_ =	shalt  }
0x71: {  	_ =	shalt  }
0x72: {  	_ =	shalt  }
0x73: {  	_ =	shalt  }
0x74: {  	_ =	shalt  }
0x75: {  	_ =	shalt  }
0x76: {  	_ =	shalt  }
0x77: {  	_ =	shalt  }
0x78: {  	_ =	shalt  }
0x79: {  	_ =	shalt  }
0x7a: {  	_ =	shalt  }
0x7b: {  	_ =	shalt  }
0x7c: {  	_ =	shalt  }
0x7d: {  	_ =	shalt  }
0x7e: {  	_ =	shalt  }
0x7f: {  	_ =	shalt  }
0x80: {  	_ =	shalt  }
0x81: {  	_ =	shalt  }
0x82: {  	_ =	shalt  }
0x83: {  	_ =	shalt  }
0x84: {  	_ =	shalt  }
0x85: {  	_ =	shalt  }
0x86: {  	_ =	shalt  }
0x87: {  	_ =	shalt  }
.Lfunc_end0:
.L_simem_size_0:
called_computation_lowered:
.L_overlay_start_0:
0x88: {  	s2 =	sld [smem:$0x3FD9]  }
0x89: {  	s3 =	sld [smem:$0x3FFE];
	_ =	sdelay $0x1  }
0x8a: {  	s1 =	srdreg.scid  }
0x8b: {  	s0 =	sand.u32 $0x1, s1  }
0x8c: {  	s17 =	sshll.u32 s0, $0xA;
	s2 =	sadd.s32 s3, s2  }
0x8d: {  	s2 =	sadd.s32 s2, s17  }
0x8e: {  	[smem:$0x3FB8] =	sst s2  }
0x8f: {  	_ = 	snop  }
0x90: {  	s2 =	sld [smem:$0x3FD0];
	(tm) =	ssettm $0x1  }
0x91: {  	s18 =	sld [smem:$0x3FFB];
	_ =	sdelay $0x3  }
0x92: {  	_ =	strace s18  }
0x93: {  	s3 =	sld [smem:$0x3FFC];
	_ =	sdelay $0x3  }
0x94: {  	_ =	strace s3  }
0x95: {  	s3 =	sld [smem:$0x3FFD];
	_ =	sdelay $0x3  }
0x96: {  	_ =	strace s3  }
0x97: {  	_ =	strace $0x8FFFFFFF  }
0x98: {  	s19 =	sld [smem:$0x3FDB];
	_ =	sdelay $0x1  }
0x99: {  	s4 =	simm.s32 $_scs_section_size  }
0x9a: {  	s5 =	simm.s32 $_size__tile_overlayer_lowered;
	s6 =	simm.s32 $_tile_overlayer_lowered  }
0x9b: {  	s22 =	simm.s32 $0x1BFF;
	s21 =	sshll.u32 s6, $0x1;
	s3 =	sadd.s32 s4, s19  }
0x9c: {  	s7 =	simm.s32 $0x0;
	s20 =	sshll.u32 s5, $0x1;
	s5 =	sadd.s32 s21, s3  }
0x9d: {  	[timem:s7], [sflag:s22] =	dma.local [hbm:s5], s20  }
0x9e: {  	_ =	swait.ge [sflag:s22], s20  }
0x9f: {  	s4 =	ssub.s32 $0x0, s20;
	[sflag:s22] =	ssyncset.done $0x0  }
0xa0: {  	[sflag:s22] =	ssyncadd.s32 s4;
	_ =	sdelay $0x1  }
0xa1: {  	s23 =	simm.s32 $0x1B8B  }
0xa2: {  	_ =	swait.ge [sflag:s23], $0x1  }
0xa3: {  	[sflag:s23] =	ssyncset.done $0x0  }
0xa4: {  	s25 =	simm.s32 $0x1B8E;
	s24 =	sld [smem:$0x3FFE];
	[sflag:s23] =	ssyncadd.s32 $0xFFFFFFFF  }
0xa5: {  	s26 =	simm.s32 $execute0_lowered;
	[smem:$0x3FD2] =	sst s25  }
0xa6: {  	s5 =	sshll.u32 s26, $0x1;
	_ =	strace $0x80000046;
	[dreg:$0x1] =	wrdreg $0xFFFFFFFF  }
0xa7: {  	s28 =	simm.s32 $_size_execute0_lowered;
	s3 =	sadd.s32 s3, s5;
	[dreg:$0x0] =	wrdreg $0x0  }
0xa8: {  	s5 =	sshll.u32 s28, $0x1;
	[dreg:$0x2] =	wrdreg s3  }
0xa9: {  	[dreg:$0x3] =	wrdreg s5  }
0xaa: {  	[dreg:$0x4] =	wrdreg $0xC0  }
0xab: {  	_ =	task [dreg:s7], $0x5FFFF  }
0xac: {  	[dreg:$0x1] =	wrdreg $0xFFFFFFFF  }
0xad: {  	[dreg:$0x0] =	wrdreg $0x60  }
0xae: {  	[dreg:$0x2] =	wrdreg s24  }
0xaf: {  	[dreg:$0x3] =	wrdreg s2  }
0xb0: {  	[dreg:$0x4] =	wrdreg $0x9  }
0xb1: {  	_ =	task.clear_ibuf [dreg:s7], $0x5FFFF;
	_ =	strace $0x90000046  }
0xb2: {  	s29 =	simm.s32 $0x9;
	_ =	strace $0x80000048  }
0xb3: {  	_ =	swait.ge [sflag:s29], $0x1  }
0xb4: {  	[sflag:s29] =	ssyncadd.s32 $0xFFFFFFFF  }
0xb5: {  	_ =	strace $0x90000048  }
0xb6: {  	_ =	sfence  }
0xb7: {  	s30 =	sld [smem:$0x0];
	_ =	sdelay $0x2  }
0xb8: {  	s31 =	sshll.u32 s1, $0xD;
	s1 =	sshrl.u32 s1, $0x2  }
0xb9: {  	s3 =	sand.u32 $0x4000, s31;
	s1 =	sadd.s32 s1, s30  }
0xba: {  	s0 =	sor.u32 s3, s0;
	s1 =	sshll.u32 s1, $0x11  }
0xbb: {  	s0 =	sor.u32 s1, s0  }
0xbc: {  	s0 =	sadd.s32 $0x8F2B, s0  }
0xbd: {  	[sflag:s0] =	ssyncadd.remote.s32 $0x1  }
0xbe: {  	_ =	sfence.sel $0xFFFF  }
0xbf: {  	[dreg:$0x0] =	wrdreg $0xFFFFFFFF;
	(pc) =	sbr.abs _section_cstart, $3  }
0xc0: {  	[dreg:$0x1] =	wrdreg $0xFFFFFFFF  }
0xc1: {  	_ =	task.clear_ibuf [dreg:s7], $0x2FFFF;
	_ =	strace $0x9FFFFFFF  }
0xc2: {  	(tm) =	ssettm $0x7FFFFFFF  }
0xc3: {  	_ =	shalt  }
tec
execute0_lowered:
.L_overlay_start_1:
0x0: {  	(tag) =	ssettag $0x1  }
0x1: {  	s0 =	rddreg [dreg:$0x0]  }
0x2: {  	s1 =	rddreg [dreg:$0x1];
	s3 =	srdreg.scid;
	s2 =	simm.s32 $0x0  }
0x3: {  	s5 =	stileid.u32;
	s28 =	simm.s32 $0x4900;
	s29 =	simm.s32 $0x5100  }
0x4: {  	s30 =	simm.s32 $0x5900;
	s31 =	simm.s32 $0x6100;
	s10 =	simm.s32 $0x8900  }
0x5: {  	s11 =	simm.s32 $0x9100;
	s12 =	simm.s32 $0x9900;
	s4 =	sand.u32 $0x1, s3  }
0x6: {  	[smem:$0x7FF] =	sst s2;
	s13 =	sshll.u32 s5, $0x9;
	s6 =	sadd.s32 $0x85800, s0  }
0x7: {  	s3 =	sadd.s32 $0x105800, s0;
	s14 =	sshll.u32 s4, $0x8;
	s4 =	ssub.s32 $0x2, s4  }
0x8: {  	_ =	strace $0x80000047;
	s5 =	sor.u32 s14, s13;
	s21 =	sshrl.u32 s4, $0x1  }
0x9: {  	s13 =	simm.s32 $0xA100;
	s14 =	simm.s32 $0xA900;
	s7 =	sshrl.u32 s5, $0x3  }
0xa: {  	s8 =	sshll.u32 s5, $0x6;
	s9 =	sor.u32 $0x40, s5;
	s20 =	sor.u32 $0x80, s5  }
0xb: {  	s5 =	sor.u32 $0xC0, s5;
	s25 =	ssub.s32 s4, s21;
	s4 =	sadd.s32 $0x105900, s0  }
0xc: {  	s21 =	simm.s32 $0x2100;
	s7 =	sadd.s32 s1, s7;
	s15 =	sadd.s32 s6, s8  }
0xd: {  	s16 =	sshrl.u32 s9, $0x3;
	s18 =	sshll.u32 s9, $0x6;
	s22 =	sshrl.u32 s20, $0x3  }
0xe: {  	s8 =	sshll.u32 s20, $0x6;
	s24 =	sshrl.u32 s5, $0x3;
	s5 =	sshll.u32 s5, $0x6  }
0xf: {  	s20 =	simm.s32 $0x1900;
	s9 =	simm.s32 $0x80;
	[dreg:$0x3] =	wrdreg s7  }
0x10: {  	[dreg:$0x4] =	wrdreg s15;
	s17 =	sadd.s32 s1, s16;
	s19 =	sadd.s32 s6, s18  }
0x11: {  	s7 =	sadd.s32 s1, s22;
	s23 =	sadd.s32 s6, s8;
	s1 =	sadd.s32 s1, s24  }
0x12: {  	s26 =	sadd.s32 s6, s5;
	s5 =	smax.u32 s25, $0x1;
	[dreg:$0x5] =	wrdreg s17  }
0x13: {  	s6 =	simm.s32 $0x3;
	s15 =	simm.s32 $0x1;
	[dreg:$0x6] =	wrdreg s19  }
0x14: {  	s16 =	simm.s32 $0x2;
	s24 =	simm.s32 $0x100;
	[dreg:$0x7] =	wrdreg s7  }
0x15: {  	s18 =	simm.s32 $0x900;
	s22 =	simm.s32 $0x2900;
	[dreg:$0x8] =	wrdreg s23  }
0x16: {  	v2 =	vlaneseq.u32;
	s25 =	simm.s32 $0x3900;
	s8 =	simm.s32 $0x7900;
	[dreg:$0x9] =	wrdreg s1  }
0x17: {  	vm0 =	vmmov $0xffff;
	v1 =	vshrl.u32 v2, $0x3;
	[dreg:$0xa] =	wrdreg s26;
	s19 =	simm.s32 $0x1100;
	s23 =	simm.s32 $0x3100  }
0x18: {  	v0 =	vand.u32 $0x7, v2;
	v2 =	vor.u32 $0x8, v2;
	v1 =	vmul.u32 $0x8, v1;
	s26 =	simm.s32 $0x4100;
	s7 =	simm.s32 $0x6900;
	s1 =	simm.s32 $0x7100  }
.LBB2_1:
0x19: {  	s17 =	rddreg [dreg:$0x3]  }
0x1a: {  	[tilespmem:s2], [sflag:$0x3] =	stream.linear.gather [hbm4b:s17+s2], $0x40, $0x38;
	[tilespmem:$0x10100] =	vst v63  }
0x1b: {  	_ =	swait.ge [sflag:s6], $0x40  }
0x1c: {  	[sflag:s6] =	ssyncset.done $0x0  }
0x1d: {  	s0 =	rddreg [dreg:$0x4];
	[sflag:s6] =	ssyncadd.s32 $0xFFFFFFC0  }
0x1e: {  	[tilespmem:s24], [sflag:$0x3] =	stream.linear.gather [hbm4b:s0+s2], $0x8000, $0x38;
	[tilespmem:$0x10100] =	vst v63  }
0x1f: {  	_ =	swait.ge [sflag:s6], $0x8000  }
0x20: {  	[sflag:s6] =	ssyncset.done $0x0  }
0x21: {  	[sflag:s6] =	ssyncadd.s32 $0xFFFF8000  }
0x22: {  	v3 =	vld [tilespmem:$0x0];
	_ =	sdelay $0x4  }
0x23: {  	v4 =	vshll.u32 v3, $0x2  }
0x24: {  	v3 =	vand.u32 $0x7, v3;
	v4 =	vand.u32 $0xFFFFFFE0, v4  }
0x25: {  	v3 =	vor.u32 v3, v4  }
0x26: {  	v4 =	vperm.xlane v3, v0;
	_ =	sdelay $0x1  }
0x27: {  	v4 =	vadd.s32 v1, v4;
	_ =	sdelay $0x1  }
0x28: {  	v3 =	vperm.xlane v3, v2;
	_ =	sdelay $0x1  }
0x29: {  	v3 =	vadd.s32 v1, v3  }
0x2a: {  	[hbm4b:s3+s2] =	stream.indirect_vreg.scatter [tilespmem:s24], [sflag:$0x1], $0x80, v4, vm0, $0xb8;
	[tilespmem:$0x10100] =	vst v63  }
0x2b: {  	_ = 	snop  }
0x2c: {  	[hbm4b:s4+s2] =	stream.indirect_vreg.scatter [tilespmem:s18], [sflag:$0x1], $0x80, v4, vm0, $0xb8;
	[tilespmem:$0x10100] =	vst v63  }
0x2d: {  	_ = 	snop  }
0x2e: {  	[hbm4b:s3+s2] =	stream.indirect_vreg.scatter [tilespmem:s19], [sflag:$0x1], $0x80, v3, vm0, $0xb8;
	[tilespmem:$0x10100] =	vst v63  }
0x2f: {  	_ = 	snop  }
0x30: {  	[hbm4b:s4+s2] =	stream.indirect_vreg.scatter [tilespmem:s20], [sflag:$0x1], $0x80, v3, vm0, $0xb8;
	[tilespmem:$0x10100] =	vst v63  }
0x31: {  	v3 =	vld [tilespmem:$0x10];
	_ =	sdelay $0x4  }
0x32: {  	v49 =	vshll.u32 v3, $0x2  }
0x33: {  	v3 =	vand.u32 $0x7, v3;
	v4 =	vand.u32 $0xFFFFFFE0, v49  }
0x34: {  	v3 =	vor.u32 v3, v4  }
0x35: {  	v4 =	vperm.xlane v3, v0;
	_ =	sdelay $0x1  }
0x36: {  	v4 =	vadd.s32 v1, v4;
	_ =	sdelay $0x1  }
0x37: {  	v3 =	vperm.xlane v3, v2;
	_ =	sdelay $0x1  }
0x38: {  	v3 =	vadd.s32 v1, v3  }
0x39: {  	[hbm4b:s3+s2] =	stream.indirect_vreg.scatter [tilespmem:s21], [sflag:$0x1], $0x80, v4, vm0, $0xb8;
	[tilespmem:$0x10100] =	vst v63  }
0x3a: {  	_ = 	snop  }
0x3b: {  	[hbm4b:s4+s2] =	stream.indirect_vreg.scatter [tilespmem:s22], [sflag:$0x1], $0x80, v4, vm0, $0xb8;
	[tilespmem:$0x10100] =	vst v63  }
0x3c: {  	_ = 	snop  }
0x3d: {  	[hbm4b:s3+s2] =	stream.indirect_vreg.scatter [tilespmem:s23], [sflag:$0x1], $0x80, v3, vm0, $0xb8;
	[tilespmem:$0x10100] =	vst v63  }
0x3e: {  	_ = 	snop  }
0x3f: {  	[hbm4b:s4+s2] =	stream.indirect_vreg.scatter [tilespmem:s25], [sflag:$0x1], $0x80, v3, vm0, $0xb8;
	[tilespmem:$0x10100] =	vst v63  }
0x40: {  	v3 =	vld [tilespmem:$0x20];
	_ =	sdelay $0x4  }
0x41: {  	v50 =	vshll.u32 v3, $0x2  }
0x42: {  	v3 =	vand.u32 $0x7, v3;
	v4 =	vand.u32 $0xFFFFFFE0, v50  }
0x43: {  	v3 =	vor.u32 v3, v4  }
0x44: {  	v4 =	vperm.xlane v3, v0;
	_ =	sdelay $0x1  }
0x45: {  	v4 =	vadd.s32 v1, v4;
	_ =	sdelay $0x1  }
0x46: {  	v3 =	vperm.xlane v3, v2;
	_ =	sdelay $0x1  }
0x47: {  	v3 =	vadd.s32 v1, v3  }
0x48: {  	[hbm4b:s3+s2] =	stream.indirect_vreg.scatter [tilespmem:s26], [sflag:$0x1], $0x80, v4, vm0, $0xb8;
	[tilespmem:$0x10100] =	vst v63  }
0x49: {  	_ = 	snop  }
0x4a: {  	[hbm4b:s4+s2] =	stream.indirect_vreg.scatter [tilespmem:s28], [sflag:$0x1], $0x80, v4, vm0, $0xb8;
	[tilespmem:$0x10100] =	vst v63  }
0x4b: {  	_ = 	snop  }
0x4c: {  	[hbm4b:s3+s2] =	stream.indirect_vreg.scatter [tilespmem:s29], [sflag:$0x1], $0x80, v3, vm0, $0xb8;
	[tilespmem:$0x10100] =	vst v63  }
0x4d: {  	_ = 	snop  }
0x4e: {  	[hbm4b:s4+s2] =	stream.indirect_vreg.scatter [tilespmem:s30], [sflag:$0x1], $0x80, v3, vm0, $0xb8;
	[tilespmem:$0x10100] =	vst v63  }
0x4f: {  	v3 =	vld [tilespmem:$0x30];
	_ =	sdelay $0x4  }
0x50: {  	v51 =	vshll.u32 v3, $0x2  }
0x51: {  	v3 =	vand.u32 $0x7, v3;
	v4 =	vand.u32 $0xFFFFFFE0, v51  }
0x52: {  	v3 =	vor.u32 v3, v4  }
0x53: {  	v4 =	vperm.xlane v3, v0;
	_ =	sdelay $0x1  }
0x54: {  	v4 =	vadd.s32 v1, v4;
	_ =	sdelay $0x1  }
0x55: {  	v3 =	vperm.xlane v3, v2;
	_ =	sdelay $0x1  }
0x56: {  	v3 =	vadd.s32 v1, v3  }
0x57: {  	[hbm4b:s3+s2] =	stream.indirect_vreg.scatter [tilespmem:s31], [sflag:$0x1], $0x80, v4, vm0, $0xb8;
	[tilespmem:$0x10100] =	vst v63  }
0x58: {  	_ = 	snop  }
0x59: {  	[hbm4b:s4+s2] =	stream.indirect_vreg.scatter [tilespmem:s7], [sflag:$0x1], $0x80, v4, vm0, $0xb8;
	[tilespmem:$0x10100] =	vst v63  }
0x5a: {  	_ = 	snop  }
0x5b: {  	[hbm4b:s3+s2] =	stream.indirect_vreg.scatter [tilespmem:s1], [sflag:$0x1], $0x80, v3, vm0, $0xb8;
	[tilespmem:$0x10100] =	vst v63  }
0x5c: {  	_ = 	snop  }
0x5d: {  	[hbm4b:s4+s2] =	stream.indirect_vreg.scatter [tilespmem:s8], [sflag:$0x1], $0x80, v3, vm0, $0xb8;
	[tilespmem:$0x10100] =	vst v63  }
0x5e: {  	s0 =	rddreg [dreg:$0x5]  }
0x5f: {  	[tilespmem:s9], [sflag:$0x3] =	stream.linear.gather [hbm4b:s0+s2], $0x40, $0x38;
	[tilespmem:$0x10100] =	vst v63  }
0x60: {  	_ =	swait.ge [sflag:s6], $0x40  }
0x61: {  	[sflag:s6] =	ssyncset.done $0x0  }
0x62: {  	s0 =	simm.s32 $0x8100;
	s17 =	rddreg [dreg:$0x6];
	[sflag:s6] =	ssyncadd.s32 $0xFFFFFFC0  }
0x63: {  	[tilespmem:s0], [sflag:$0x3] =	stream.linear.gather [hbm4b:s17+s2], $0x8000, $0x38;
	[tilespmem:$0x10100] =	vst v63  }
0x64: {  	_ =	swait.ge [sflag:s6], $0x8000  }
0x65: {  	[sflag:s6] =	ssyncset.done $0x0  }
0x66: {  	[sflag:s6] =	ssyncadd.s32 $0xFFFF8000  }
0x67: {  	v3 =	vld [tilespmem:$0x80];
	_ =	sdelay $0x4  }
0x68: {  	v52 =	vshll.u32 v3, $0x2  }
0x69: {  	v3 =	vand.u32 $0x7, v3;
	v4 =	vand.u32 $0xFFFFFFE0, v52  }
0x6a: {  	v3 =	vor.u32 v3, v4  }
0x6b: {  	v4 =	vperm.xlane v3, v0;
	_ =	sdelay $0x1  }
0x6c: {  	v4 =	vadd.s32 v1, v4;
	_ =	sdelay $0x1  }
0x6d: {  	v3 =	vperm.xlane v3, v2;
	_ =	sdelay $0x1  }
0x6e: {  	v3 =	vadd.s32 v1, v3  }
0x6f: {  	[hbm4b:s3+s2] =	stream.indirect_vreg.scatter [tilespmem:s0], [sflag:$0x2], $0x80, v4, vm0, $0xb8;
	[tilespmem:$0x10100] =	vst v63  }
0x70: {  	_ = 	snop  }
0x71: {  	[hbm4b:s4+s2] =	stream.indirect_vreg.scatter [tilespmem:s10], [sflag:$0x2], $0x80, v4, vm0, $0xb8;
	[tilespmem:$0x10100] =	vst v63  }
0x72: {  	_ = 	snop  }
0x73: {  	[hbm4b:s3+s2] =	stream.indirect_vreg.scatter [tilespmem:s11], [sflag:$0x2], $0x80, v3, vm0, $0xb8;
	[tilespmem:$0x10100] =	vst v63  }
0x74: {  	_ = 	snop  }
0x75: {  	[hbm4b:s4+s2] =	stream.indirect_vreg.scatter [tilespmem:s12], [sflag:$0x2], $0x80, v3, vm0, $0xb8;
	[tilespmem:$0x10100] =	vst v63  }
0x76: {  	v3 =	vld [tilespmem:$0x90];
	_ =	sdelay $0x4  }
0x77: {  	v53 =	vshll.u32 v3, $0x2  }
0x78: {  	v3 =	vand.u32 $0x7, v3;
	v4 =	vand.u32 $0xFFFFFFE0, v53  }
0x79: {  	v3 =	vor.u32 v3, v4  }
0x7a: {  	v4 =	vperm.xlane v3, v0;
	_ =	sdelay $0x1  }
0x7b: {  	v4 =	vadd.s32 v1, v4;
	_ =	sdelay $0x1  }
0x7c: {  	v3 =	vperm.xlane v3, v2;
	_ =	sdelay $0x1  }
0x7d: {  	v3 =	vadd.s32 v1, v3  }
0x7e: {  	[hbm4b:s3+s2] =	stream.indirect_vreg.scatter [tilespmem:s13], [sflag:$0x2], $0x80, v4, vm0, $0xb8;
	[tilespmem:$0x10100] =	vst v63  }
0x7f: {  	_ = 	snop  }
0x80: {  	[hbm4b:s4+s2] =	stream.indirect_vreg.scatter [tilespmem:s14], [sflag:$0x2], $0x80, v4, vm0, $0xb8;
	[tilespmem:$0x10100] =	vst v63  }
0x81: {  	s17 =	simm.s32 $0xB100  }
0x82: {  	[hbm4b:s3+s2] =	stream.indirect_vreg.scatter [tilespmem:s17], [sflag:$0x2], $0x80, v3, vm0, $0xb8;
	[tilespmem:$0x10100] =	vst v63  }
0x83: {  	s17 =	simm.s32 $0xB900  }
0x84: {  	[hbm4b:s4+s2] =	stream.indirect_vreg.scatter [tilespmem:s17], [sflag:$0x2], $0x80, v3, vm0, $0xb8;
	[tilespmem:$0x10100] =	vst v63  }
0x85: {  	v3 =	vld [tilespmem:$0xA0];
	_ =	sdelay $0x4  }
0x86: {  	v54 =	vshll.u32 v3, $0x2  }
0x87: {  	v3 =	vand.u32 $0x7, v3;
	v4 =	vand.u32 $0xFFFFFFE0, v54  }
0x88: {  	v3 =	vor.u32 v3, v4  }
0x89: {  	v4 =	vperm.xlane v3, v0;
	_ =	sdelay $0x1  }
0x8a: {  	v4 =	vadd.s32 v1, v4;
	_ =	sdelay $0x1  }
0x8b: {  	v3 =	vperm.xlane v3, v2;
	_ =	sdelay $0x1  }
0x8c: {  	s17 =	simm.s32 $0xC100;
	v3 =	vadd.s32 v1, v3  }
0x8d: {  	[hbm4b:s3+s2] =	stream.indirect_vreg.scatter [tilespmem:s17], [sflag:$0x2], $0x80, v4, vm0, $0xb8;
	[tilespmem:$0x10100] =	vst v63  }
0x8e: {  	s17 =	simm.s32 $0xC900  }
0x8f: {  	[hbm4b:s4+s2] =	stream.indirect_vreg.scatter [tilespmem:s17], [sflag:$0x2], $0x80, v4, vm0, $0xb8;
	[tilespmem:$0x10100] =	vst v63  }
0x90: {  	s17 =	simm.s32 $0xD100  }
0x91: {  	[hbm4b:s3+s2] =	stream.indirect_vreg.scatter [tilespmem:s17], [sflag:$0x2], $0x80, v3, vm0, $0xb8;
	[tilespmem:$0x10100] =	vst v63  }
0x92: {  	s17 =	simm.s32 $0xD900  }
0x93: {  	[hbm4b:s4+s2] =	stream.indirect_vreg.scatter [tilespmem:s17], [sflag:$0x2], $0x80, v3, vm0, $0xb8;
	[tilespmem:$0x10100] =	vst v63  }
0x94: {  	v3 =	vld [tilespmem:$0xB0];
	_ =	sdelay $0x4  }
0x95: {  	v55 =	vshll.u32 v3, $0x2  }
0x96: {  	v3 =	vand.u32 $0x7, v3;
	v4 =	vand.u32 $0xFFFFFFE0, v55  }
0x97: {  	v3 =	vor.u32 v3, v4  }
0x98: {  	v4 =	vperm.xlane v3, v0;
	_ =	sdelay $0x1  }
0x99: {  	v4 =	vadd.s32 v1, v4;
	_ =	sdelay $0x1  }
0x9a: {  	v3 =	vperm.xlane v3, v2;
	_ =	sdelay $0x1  }
0x9b: {  	s17 =	simm.s32 $0xE100;
	v3 =	vadd.s32 v1, v3  }
0x9c: {  	[hbm4b:s3+s2] =	stream.indirect_vreg.scatter [tilespmem:s17], [sflag:$0x2], $0x80, v4, vm0, $0xb8;
	[tilespmem:$0x10100] =	vst v63  }
0x9d: {  	s17 =	simm.s32 $0xE900  }
0x9e: {  	[hbm4b:s4+s2] =	stream.indirect_vreg.scatter [tilespmem:s17], [sflag:$0x2], $0x80, v4, vm0, $0xb8;
	[tilespmem:$0x10100] =	vst v63  }
0x9f: {  	s17 =	simm.s32 $0xF100  }
0xa0: {  	[hbm4b:s3+s2] =	stream.indirect_vreg.scatter [tilespmem:s17], [sflag:$0x2], $0x80, v3, vm0, $0xb8;
	[tilespmem:$0x10100] =	vst v63  }
0xa1: {  	s17 =	simm.s32 $0xF900  }
0xa2: {  	[hbm4b:s4+s2] =	stream.indirect_vreg.scatter [tilespmem:s17], [sflag:$0x2], $0x80, v3, vm0, $0xb8;
	[tilespmem:$0x10100] =	vst v63  }
0xa3: {  	_ =	swait.ge [sflag:s15], $0x8000  }
0xa4: {  	[sflag:s15] =	ssyncset.done $0x0  }
0xa5: {  	s17 =	rddreg [dreg:$0x7];
	[sflag:s15] =	ssyncadd.s32 $0xFFFF8000  }
0xa6: {  	[tilespmem:s2], [sflag:$0x3] =	stream.linear.gather [hbm4b:s17+s2], $0x40, $0x38;
	[tilespmem:$0x10100] =	vst v63  }
0xa7: {  	_ =	swait.ge [sflag:s6], $0x40  }
0xa8: {  	[sflag:s6] =	ssyncset.done $0x0  }
0xa9: {  	s17 =	rddreg [dreg:$0x8];
	[sflag:s6] =	ssyncadd.s32 $0xFFFFFFC0  }
0xaa: {  	[tilespmem:s24], [sflag:$0x3] =	stream.linear.gather [hbm4b:s17+s2], $0x8000, $0x38;
	[tilespmem:$0x10100] =	vst v63  }
0xab: {  	_ =	swait.ge [sflag:s6], $0x8000  }
0xac: {  	[sflag:s6] =	ssyncset.done $0x0  }
0xad: {  	[sflag:s6] =	ssyncadd.s32 $0xFFFF8000  }
0xae: {  	v3 =	vld [tilespmem:$0x0];
	_ =	sdelay $0x4  }
0xaf: {  	v56 =	vshll.u32 v3, $0x2  }
0xb0: {  	v3 =	vand.u32 $0x7, v3;
	v4 =	vand.u32 $0xFFFFFFE0, v56  }
0xb1: {  	v3 =	vor.u32 v3, v4  }
0xb2: {  	v4 =	vperm.xlane v3, v0;
	_ =	sdelay $0x1  }
0xb3: {  	v4 =	vadd.s32 v1, v4;
	_ =	sdelay $0x1  }
0xb4: {  	v3 =	vperm.xlane v3, v2;
	_ =	sdelay $0x1  }
0xb5: {  	v3 =	vadd.s32 v1, v3  }
0xb6: {  	[hbm4b:s3+s2] =	stream.indirect_vreg.scatter [tilespmem:s24], [sflag:$0x1], $0x80, v4, vm0, $0xb8;
	[tilespmem:$0x10100] =	vst v63  }
0xb7: {  	_ = 	snop  }
0xb8: {  	[hbm4b:s4+s2] =	stream.indirect_vreg.scatter [tilespmem:s18], [sflag:$0x1], $0x80, v4, vm0, $0xb8;
	[tilespmem:$0x10100] =	vst v63  }
0xb9: {  	_ = 	snop  }
0xba: {  	[hbm4b:s3+s2] =	stream.indirect_vreg.scatter [tilespmem:s19], [sflag:$0x1], $0x80, v3, vm0, $0xb8;
	[tilespmem:$0x10100] =	vst v63  }
0xbb: {  	_ = 	snop  }
0xbc: {  	[hbm4b:s4+s2] =	stream.indirect_vreg.scatter [tilespmem:s20], [sflag:$0x1], $0x80, v3, vm0, $0xb8;
	[tilespmem:$0x10100] =	vst v63  }
0xbd: {  	v3 =	vld [tilespmem:$0x10];
	_ =	sdelay $0x4  }
0xbe: {  	v57 =	vshll.u32 v3, $0x2  }
0xbf: {  	v3 =	vand.u32 $0x7, v3;
	v4 =	vand.u32 $0xFFFFFFE0, v57  }
0xc0: {  	v3 =	vor.u32 v3, v4  }
0xc1: {  	v4 =	vperm.xlane v3, v0;
	_ =	sdelay $0x1  }
0xc2: {  	v4 =	vadd.s32 v1, v4;
	_ =	sdelay $0x1  }
0xc3: {  	v3 =	vperm.xlane v3, v2;
	_ =	sdelay $0x1  }
0xc4: {  	v3 =	vadd.s32 v1, v3  }
0xc5: {  	[hbm4b:s3+s2] =	stream.indirect_vreg.scatter [tilespmem:s21], [sflag:$0x1], $0x80, v4, vm0, $0xb8;
	[tilespmem:$0x10100] =	vst v63  }
0xc6: {  	_ = 	snop  }
0xc7: {  	[hbm4b:s4+s2] =	stream.indirect_vreg.scatter [tilespmem:s22], [sflag:$0x1], $0x80, v4, vm0, $0xb8;
	[tilespmem:$0x10100] =	vst v63  }
0xc8: {  	_ = 	snop  }
0xc9: {  	[hbm4b:s3+s2] =	stream.indirect_vreg.scatter [tilespmem:s23], [sflag:$0x1], $0x80, v3, vm0, $0xb8;
	[tilespmem:$0x10100] =	vst v63  }
0xca: {  	_ = 	snop  }
0xcb: {  	[hbm4b:s4+s2] =	stream.indirect_vreg.scatter [tilespmem:s25], [sflag:$0x1], $0x80, v3, vm0, $0xb8;
	[tilespmem:$0x10100] =	vst v63  }
0xcc: {  	v3 =	vld [tilespmem:$0x20];
	_ =	sdelay $0x4  }
0xcd: {  	v58 =	vshll.u32 v3, $0x2  }
0xce: {  	v3 =	vand.u32 $0x7, v3;
	v4 =	vand.u32 $0xFFFFFFE0, v58  }
0xcf: {  	v3 =	vor.u32 v3, v4  }
0xd0: {  	v4 =	vperm.xlane v3, v0;
	_ =	sdelay $0x1  }
0xd1: {  	v4 =	vadd.s32 v1, v4;
	_ =	sdelay $0x1  }
0xd2: {  	v3 =	vperm.xlane v3, v2;
	_ =	sdelay $0x1  }
0xd3: {  	v3 =	vadd.s32 v1, v3  }
0xd4: {  	[hbm4b:s3+s2] =	stream.indirect_vreg.scatter [tilespmem:s26], [sflag:$0x1], $0x80, v4, vm0, $0xb8;
	[tilespmem:$0x10100] =	vst v63  }
0xd5: {  	_ = 	snop  }
0xd6: {  	[hbm4b:s4+s2] =	stream.indirect_vreg.scatter [tilespmem:s28], [sflag:$0x1], $0x80, v4, vm0, $0xb8;
	[tilespmem:$0x10100] =	vst v63  }
0xd7: {  	_ = 	snop  }
0xd8: {  	[hbm4b:s3+s2] =	stream.indirect_vreg.scatter [tilespmem:s29], [sflag:$0x1], $0x80, v3, vm0, $0xb8;
	[tilespmem:$0x10100] =	vst v63  }
0xd9: {  	_ = 	snop  }
0xda: {  	[hbm4b:s4+s2] =	stream.indirect_vreg.scatter [tilespmem:s30], [sflag:$0x1], $0x80, v3, vm0, $0xb8;
	[tilespmem:$0x10100] =	vst v63  }
0xdb: {  	v3 =	vld [tilespmem:$0x30];
	_ =	sdelay $0x4  }
0xdc: {  	v59 =	vshll.u32 v3, $0x2  }
0xdd: {  	v3 =	vand.u32 $0x7, v3;
	v4 =	vand.u32 $0xFFFFFFE0, v59  }
0xde: {  	v3 =	vor.u32 v3, v4  }
0xdf: {  	v4 =	vperm.xlane v3, v0;
	_ =	sdelay $0x1  }
0xe0: {  	v4 =	vadd.s32 v1, v4;
	_ =	sdelay $0x1  }
0xe1: {  	v3 =	vperm.xlane v3, v2;
	_ =	sdelay $0x1  }
0xe2: {  	v3 =	vadd.s32 v1, v3  }
0xe3: {  	[hbm4b:s3+s2] =	stream.indirect_vreg.scatter [tilespmem:s31], [sflag:$0x1], $0x80, v4, vm0, $0xb8;
	[tilespmem:$0x10100] =	vst v63  }
0xe4: {  	_ = 	snop  }
0xe5: {  	[hbm4b:s4+s2] =	stream.indirect_vreg.scatter [tilespmem:s7], [sflag:$0x1], $0x80, v4, vm0, $0xb8;
	[tilespmem:$0x10100] =	vst v63  }
0xe6: {  	_ = 	snop  }
0xe7: {  	[hbm4b:s3+s2] =	stream.indirect_vreg.scatter [tilespmem:s1], [sflag:$0x1], $0x80, v3, vm0, $0xb8;
	[tilespmem:$0x10100] =	vst v63  }
0xe8: {  	_ = 	snop  }
0xe9: {  	[hbm4b:s4+s2] =	stream.indirect_vreg.scatter [tilespmem:s8], [sflag:$0x1], $0x80, v3, vm0, $0xb8;
	[tilespmem:$0x10100] =	vst v63  }
0xea: {  	_ =	swait.ge [sflag:s16], $0x8000  }
0xeb: {  	[sflag:s16] =	ssyncset.done $0x0  }
0xec: {  	s17 =	rddreg [dreg:$0x9];
	[sflag:s16] =	ssyncadd.s32 $0xFFFF8000  }
0xed: {  	[tilespmem:s9], [sflag:$0x3] =	stream.linear.gather [hbm4b:s17+s2], $0x40, $0x38;
	[tilespmem:$0x10100] =	vst v63  }
0xee: {  	_ =	swait.ge [sflag:s6], $0x40  }
0xef: {  	[sflag:s6] =	ssyncset.done $0x0  }
0xf0: {  	s17 =	rddreg [dreg:$0xa];
	[sflag:s6] =	ssyncadd.s32 $0xFFFFFFC0  }
0xf1: {  	[tilespmem:s0], [sflag:$0x3] =	stream.linear.gather [hbm4b:s17+s2], $0x8000, $0x38;
	[tilespmem:$0x10100] =	vst v63  }
0xf2: {  	_ =	swait.ge [sflag:s6], $0x8000  }
0xf3: {  	[sflag:s6] =	ssyncset.done $0x0  }
0xf4: {  	[sflag:s6] =	ssyncadd.s32 $0xFFFF8000  }
0xf5: {  	v3 =	vld [tilespmem:$0x80];
	_ =	sdelay $0x4  }
0xf6: {  	v60 =	vshll.u32 v3, $0x2  }
0xf7: {  	v3 =	vand.u32 $0x7, v3;
	v4 =	vand.u32 $0xFFFFFFE0, v60  }
0xf8: {  	v3 =	vor.u32 v3, v4  }
0xf9: {  	v4 =	vperm.xlane v3, v0;
	_ =	sdelay $0x1  }
0xfa: {  	v4 =	vadd.s32 v1, v4;
	_ =	sdelay $0x1  }
0xfb: {  	v3 =	vperm.xlane v3, v2;
	_ =	sdelay $0x1  }
0xfc: {  	v3 =	vadd.s32 v1, v3  }
0xfd: {  	[hbm4b:s3+s2] =	stream.indirect_vreg.scatter [tilespmem:s0], [sflag:$0x2], $0x80, v4, vm0, $0xb8;
	[tilespmem:$0x10100] =	vst v63  }
0xfe: {  	_ = 	snop  }
0xff: {  	[hbm4b:s4+s2] =	stream.indirect_vreg.scatter [tilespmem:s10], [sflag:$0x2], $0x80, v4, vm0, $0xb8;
	[tilespmem:$0x10100] =	vst v63  }
0x100: {  	_ = 	snop  }
0x101: {  	[hbm4b:s3+s2] =	stream.indirect_vreg.scatter [tilespmem:s11], [sflag:$0x2], $0x80, v3, vm0, $0xb8;
	[tilespmem:$0x10100] =	vst v63  }
0x102: {  	_ = 	snop  }
0x103: {  	[hbm4b:s4+s2] =	stream.indirect_vreg.scatter [tilespmem:s12], [sflag:$0x2], $0x80, v3, vm0, $0xb8;
	[tilespmem:$0x10100] =	vst v63  }
0x104: {  	v3 =	vld [tilespmem:$0x90];
	_ =	sdelay $0x4  }
0x105: {  	v61 =	vshll.u32 v3, $0x2  }
0x106: {  	v3 =	vand.u32 $0x7, v3;
	v4 =	vand.u32 $0xFFFFFFE0, v61  }
0x107: {  	v3 =	vor.u32 v3, v4  }
0x108: {  	v4 =	vperm.xlane v3, v0;
	_ =	sdelay $0x1  }
0x109: {  	v4 =	vadd.s32 v1, v4;
	_ =	sdelay $0x1  }
0x10a: {  	v3 =	vperm.xlane v3, v2;
	_ =	sdelay $0x1  }
0x10b: {  	v3 =	vadd.s32 v1, v3  }
0x10c: {  	[hbm4b:s3+s2] =	stream.indirect_vreg.scatter [tilespmem:s13], [sflag:$0x2], $0x80, v4, vm0, $0xb8;
	[tilespmem:$0x10100] =	vst v63  }
0x10d: {  	_ = 	snop  }
0x10e: {  	[hbm4b:s4+s2] =	stream.indirect_vreg.scatter [tilespmem:s14], [sflag:$0x2], $0x80, v4, vm0, $0xb8;
	[tilespmem:$0x10100] =	vst v63  }
0x10f: {  	s17 =	simm.s32 $0xB100  }
0x110: {  	[hbm4b:s3+s2] =	stream.indirect_vreg.scatter [tilespmem:s17], [sflag:$0x2], $0x80, v3, vm0, $0xb8;
	[tilespmem:$0x10100] =	vst v63  }
0x111: {  	s17 =	simm.s32 $0xB900  }
0x112: {  	[hbm4b:s4+s2] =	stream.indirect_vreg.scatter [tilespmem:s17], [sflag:$0x2], $0x80, v3, vm0, $0xb8;
	[tilespmem:$0x10100] =	vst v63  }
0x113: {  	v3 =	vld [tilespmem:$0xA0];
	_ =	sdelay $0x4  }
0x114: {  	v62 =	vshll.u32 v3, $0x2  }
0x115: {  	v3 =	vand.u32 $0x7, v3;
	v4 =	vand.u32 $0xFFFFFFE0, v62  }
0x116: {  	v3 =	vor.u32 v3, v4  }
0x117: {  	v4 =	vperm.xlane v3, v0;
	_ =	sdelay $0x1  }
0x118: {  	v4 =	vadd.s32 v1, v4;
	_ =	sdelay $0x1  }
0x119: {  	v3 =	vperm.xlane v3, v2;
	_ =	sdelay $0x1  }
0x11a: {  	s17 =	simm.s32 $0xC100;
	v3 =	vadd.s32 v1, v3  }
0x11b: {  	[hbm4b:s3+s2] =	stream.indirect_vreg.scatter [tilespmem:s17], [sflag:$0x2], $0x80, v4, vm0, $0xb8;
	[tilespmem:$0x10100] =	vst v63  }
0x11c: {  	s17 =	simm.s32 $0xC900  }
0x11d: {  	[hbm4b:s4+s2] =	stream.indirect_vreg.scatter [tilespmem:s17], [sflag:$0x2], $0x80, v4, vm0, $0xb8;
	[tilespmem:$0x10100] =	vst v63  }
0x11e: {  	s17 =	simm.s32 $0xD100  }
0x11f: {  	[hbm4b:s3+s2] =	stream.indirect_vreg.scatter [tilespmem:s17], [sflag:$0x2], $0x80, v3, vm0, $0xb8;
	[tilespmem:$0x10100] =	vst v63  }
0x120: {  	s17 =	simm.s32 $0xD900  }
0x121: {  	[hbm4b:s4+s2] =	stream.indirect_vreg.scatter [tilespmem:s17], [sflag:$0x2], $0x80, v3, vm0, $0xb8;
	[tilespmem:$0x10100] =	vst v63  }
0x122: {  	v3 =	vld [tilespmem:$0xB0];
	_ =	sdelay $0x4  }
0x123: {  	v63 =	vshll.u32 v3, $0x2  }
0x124: {  	v3 =	vand.u32 $0x7, v3;
	v4 =	vand.u32 $0xFFFFFFE0, v63  }
0x125: {  	v3 =	vor.u32 v3, v4  }
0x126: {  	v4 =	vperm.xlane v3, v0;
	_ =	sdelay $0x1  }
0x127: {  	v4 =	vadd.s32 v1, v4;
	_ =	sdelay $0x1  }
0x128: {  	v3 =	vperm.xlane v3, v2;
	_ =	sdelay $0x1  }
0x129: {  	s17 =	simm.s32 $0xE100;
	v3 =	vadd.s32 v1, v3  }
0x12a: {  	[hbm4b:s3+s2] =	stream.indirect_vreg.scatter [tilespmem:s17], [sflag:$0x2], $0x80, v4, vm0, $0xb8;
	[tilespmem:$0x10100] =	vst v63  }
0x12b: {  	s17 =	simm.s32 $0xE900  }
0x12c: {  	[hbm4b:s4+s2] =	stream.indirect_vreg.scatter [tilespmem:s17], [sflag:$0x2], $0x80, v4, vm0, $0xb8;
	[tilespmem:$0x10100] =	vst v63  }
0x12d: {  	s17 =	simm.s32 $0xF100  }
0x12e: {  	[hbm4b:s3+s2] =	stream.indirect_vreg.scatter [tilespmem:s17], [sflag:$0x2], $0x80, v3, vm0, $0xb8;
	[tilespmem:$0x10100] =	vst v63  }
0x12f: {  	s17 =	simm.s32 $0xF900  }
0x130: {  	[hbm4b:s4+s2] =	stream.indirect_vreg.scatter [tilespmem:s17], [sflag:$0x2], $0x80, v3, vm0, $0xb8;
	[tilespmem:$0x10100] =	vst v63  }
0x131: {  	p0 =	sne.s32 s5, $0x1;
	_ =	swait.ge [sflag:s15], $0x8000  }
.Ltmp0:
0x132: {  	[sflag:s15] =	ssyncset.done $0x0;
	(pc) =	sbr.rel @p0 .LBB2_1-.Ltmp0, $4  }
0x133: {  	[sflag:s15] =	ssyncadd.s32 $0xFFFF8000  }
0x134: {  	_ =	swait.ge [sflag:s16], $0x8000  }
0x135: {  	[sflag:s16] =	ssyncset.done $0x0  }
0x136: {  	s5 =	sadd.s32 $0xFFFFFFFF, s5;
	[sflag:s16] =	ssyncadd.s32 $0xFFFF8000  }
0x137: {  	_ =	sfence.sel $0x180000  }
0x138: {  	[bflag:$0x0] =	sbarrier.arrive $0xFFFF  }
0x139: {  	_ =	strace $0x90000047  }
0x13a: {  	s0 =	stileid.u32;
	[bflag:$0x2] =	sbarrier.arrive $0xFFFF  }
0x13b: {  	p0 =	sne.s32 s0, $0x0;
	s0 =	rddreg [dreg:$0x2]  }
0x13c: {  	s0 =	sadd.s32 @!p0 $0x100000, s0  }
0x13d: {  	[sflag:s0] =	ssyncadd.tile.s32 @!p0 $0x1;
	_ =	shalt  }
.Lfunc_end2:
_tile_overlayer_lowered:
.L_overlay_start_2:
0x13e: {  	(tag) =	ssettag $0x2  }
0x13f: {  	s0 =	rddreg [dreg:$0x0];
	s2 =	stileid.u32  }
0x140: {  	s1 =	rddreg [dreg:$0x1];
	p0 =	sne.s32 s2, $0x0  }
0x141: {  	s3 =	rddreg [dreg:$0x2];
	[bflag:$0x3] =	sbarrier.arrive $0xFFFF;
	s2 =	simm.s32 @!p0 $0x1C03  }
0x142: {  	[timem:s3], [sflag:s2] =	dma.local @!p0 [hbm:s0], s1  }
0x143: {  	s0 =	simm.s32 @!p0 $0x3  }
0x144: {  	_ =	swait.ge @!p0 [sflag:s0], s1  }
0x145: {  	s1 =	ssub.s32 @!p0 $0x0, s1;
	[sflag:s0] =	ssyncset.done @!p0 $0x0  }
0x146: {  	[sflag:s0] =	ssyncadd.s32 @!p0 s1  }
0x147: {  	[bflag:$0x3] =	sbarrier.arrive $0xFFFF  }
0x148: {  	_ =	shalt  }

// kernel: kernel.15.cloned.1.call-start
scs
__scs_entry_jumppad:
0x0: {  	(pc) =	sbr.rel $0x88, $3  }
0x1: {  	(tag) =	ssettag $0x0;
	lr =	simm.s32 $0x1  }
0x2: {  	[smem:$0x3F91] =	sst lr;
	_ =	strace $0xD0000000  }
0x3: {  	_ = 	snop  }
0x4: {  	_ = 	snop  }
0x5: {  	_ = 	snop  }
0x6: {  	_ = 	snop  }
0x7: {  	_ = 	snop  }
__scs_overlays_trampoline_lowered:
0x8: {  	[smem:$0x3FA0] =	sst s0  }
0x9: {  	[smem:$0x3FA1] =	sst s1  }
0xa: {  	[smem:$0x3FA2] =	sst s2  }
0xb: {  	[smem:$0x3FA3] =	sst s3  }
0xc: {  	[smem:$0x3FA4] =	sst s4  }
0xd: {  	[smem:$0x3FA5] =	sst s5  }
0xe: {  	[smem:$0x3FA6] =	sst s6  }
0xf: {  	[smem:$0x3FA7] =	sst s7  }
0x10: {  	[smem:$0x3FA8] =	sst s8  }
0x11: {  	[smem:$0x3FA9] =	sst s9;
	s0 =	simm.s32 @!p0 $0x0  }
0x12: {  	s1 =	sld [smem:$0x3F8F];
	s0 =	simm.s32 @p0 $0x1  }
0x13: {  	[smem:$0x3FAA] =	sst s0;
	s0 =	simm.s32 @!p1 $0x0  }
0x14: {  	s2 =	sld [smem:$0x3F8E];
	s0 =	simm.s32 @p1 $0x1  }
0x15: {  	[smem:$0x3FAB] =	sst s0;
	s0 =	simm.s32 @!p2 $0x0  }
0x16: {  	s3 =	sld [smem:$0x3FDB];
	s0 =	simm.s32 @p2 $0x1  }
0x17: {  	s4 =	simm.s32 $0x1BF5;
	[smem:$0x3FAD] =	sst s0  }
0x18: {  	s0 =	sld [smem:$0x3F90];
	_ =	swait.ge [sflag:s4], $0x0  }
0x19: {  	s7 =	sld [smem:$0x3F91]  }
0x1a: {  	s8 =	sadd.s32 $0xFFFFE003, lr  }
0x1b: {  	s9 =	sadd.s32 $0xFFFFFEF7, lr;
	s5 =	simm.s32 $0xFFFFFFFF;
	p2 =	slt.u32 s8, $0xFFFFF086  }
0x1c: {  	p1 =	slt.u32 s9, $0xF7A;
	s5 =	simm.s32 @!p2 $0x0  }
0x1d: {  	s5 =	simm.s32 @p1 $0x1;
	p0 =	seq.s32 s7, s2  }
0x1e: {  	s7 =	smul.u32 @!p0 $0xF7A, s2;
	p2 =	seq.s32 @!p0 s5, $0x0  }
0x1f: {  	s9 =	smul.u32 $0xF7A, s1;
	s8 =	simm.s32 @!p0 $0x1BF5;
	p2 =	por !p2, p0  }
0x20: {  	[sflag:s8] =	ssyncset.s32 @!p0 $0xFFFFF086;
	s6 =	sadd.s32 @!p0 s3, s7;
	s7 =	simm.s32 @!p0 $0x108  }
0x21: {  	s3 =	sadd.s32 s3, s9;
	s6 =	sadd.s32 @!p0 $0x88, s6;
	s7 =	simm.s32 @p2 $0x1082  }
0x22: {  	[simem:s7], [sflag:s8] =	dma.local @!p0 [hbm:s6], $0xF7A  }
0x23: {  	s9 =	sor.u32 $0xD0000000, s2;
	s6 =	simm.s32 $0x108;
	_ =	swait.ge @!p0 [sflag:s8], $0x0  }
0x24: {  	s3 =	sadd.s32 $0x88, s3;
	s6 =	simm.s32 @!p1 $0x1082;
	[sflag:s4] =	ssyncset.s32 $0xFFFFF086  }
0x25: {  	[simem:s6], [sflag:s4] =	dma.local [hbm:s3], $0xF7A  }
0x26: {  	[smem:$0x3F91] =	sst s1;
	(tag) =	ssettag s2;
	_ =	strace s9  }
0x27: {  	s1 =	sld [smem:$0x3FA1]  }
0x28: {  	s2 =	sld [smem:$0x3FA2]  }
0x29: {  	s4 =	sld [smem:$0x3FA4]  }
0x2a: {  	p0 =	seq.s32 s5, $0x0;
	s5 =	sld [smem:$0x3FA5]  }
0x2b: {  	s6 =	sld [smem:$0x3FA6]  }
0x2c: {  	s7 =	sld [smem:$0x3FA7]  }
0x2d: {  	s3 =	simm.s32 $0x108;
	s8 =	sld [smem:$0x3FA8]  }
0x2e: {  	s3 =	simm.s32 @!p0 $0x1082;
	s9 =	sld [smem:$0x3FA9]  }
0x2f: {  	lr =	sadd.s32 s0, s3;
	s0 =	sld [smem:$0x3FA0]  }
0x30: {  	s3 =	sld [smem:$0x3FA3]  }
0x31: {  	[smem:$0x3FAC] =	sst s10  }
0x32: {  	s10 =	sld [smem:$0x3FAA];
	_ =	sdelay $0x3  }
0x33: {  	p0 =	seq.s32 s10, $0x1;
	s10 =	sld [smem:$0x3FAC];
	_ =	sdelay $0x3  }
0x34: {  	[smem:$0x3FAC] =	sst s10  }
0x35: {  	s10 =	sld [smem:$0x3FAB];
	_ =	sdelay $0x3  }
0x36: {  	p1 =	seq.s32 s10, $0x1;
	s10 =	sld [smem:$0x3FAC];
	_ =	sdelay $0x3  }
0x37: {  	[smem:$0x3FAC] =	sst s10  }
0x38: {  	s10 =	sld [smem:$0x3FAD]  }
0x39: {  	_ = 	snop;
	(pc) =	sbr.ind lr, $3  }
0x3a: {  	_ = 	snop  }
0x3b: {  	_ = 	snop  }
0x3c: {  	p2 =	seq.s32 s10, $0x1;
	s10 =	sld [smem:$0x3FAC]  }
0x3d: {  	_ =	shalt  }
0x3e: {  	_ =	shalt  }
0x3f: {  	_ =	shalt  }
0x40: {  	_ =	shalt  }
0x41: {  	_ =	shalt  }
0x42: {  	_ =	shalt  }
0x43: {  	_ =	shalt  }
0x44: {  	_ =	shalt  }
0x45: {  	_ =	shalt  }
0x46: {  	_ =	shalt  }
0x47: {  	_ =	shalt  }
0x48: {  	_ =	shalt  }
0x49: {  	_ =	shalt  }
0x4a: {  	_ =	shalt  }
0x4b: {  	_ =	shalt  }
0x4c: {  	_ =	shalt  }
0x4d: {  	_ =	shalt  }
0x4e: {  	_ =	shalt  }
0x4f: {  	_ =	shalt  }
0x50: {  	_ =	shalt  }
0x51: {  	_ =	shalt  }
0x52: {  	_ =	shalt  }
0x53: {  	_ =	shalt  }
0x54: {  	_ =	shalt  }
0x55: {  	_ =	shalt  }
0x56: {  	_ =	shalt  }
0x57: {  	_ =	shalt  }
0x58: {  	_ =	shalt  }
0x59: {  	_ =	shalt  }
0x5a: {  	_ =	shalt  }
0x5b: {  	_ =	shalt  }
0x5c: {  	_ =	shalt  }
0x5d: {  	_ =	shalt  }
0x5e: {  	_ =	shalt  }
0x5f: {  	_ =	shalt  }
0x60: {  	_ =	shalt  }
0x61: {  	_ =	shalt  }
0x62: {  	_ =	shalt  }
0x63: {  	_ =	shalt  }
0x64: {  	_ =	shalt  }
0x65: {  	_ =	shalt  }
0x66: {  	_ =	shalt  }
0x67: {  	_ =	shalt  }
0x68: {  	_ =	shalt  }
0x69: {  	_ =	shalt  }
0x6a: {  	_ =	shalt  }
0x6b: {  	_ =	shalt  }
0x6c: {  	_ =	shalt  }
0x6d: {  	_ =	shalt  }
0x6e: {  	_ =	shalt  }
0x6f: {  	_ =	shalt  }
0x70: {  	_ =	shalt  }
0x71: {  	_ =	shalt  }
0x72: {  	_ =	shalt  }
0x73: {  	_ =	shalt  }
0x74: {  	_ =	shalt  }
0x75: {  	_ =	shalt  }
0x76: {  	_ =	shalt  }
0x77: {  	_ =	shalt  }
0x78: {  	_ =	shalt  }
0x79: {  	_ =	shalt  }
0x7a: {  	_ =	shalt  }
0x7b: {  	_ =	shalt  }
0x7c: {  	_ =	shalt  }
0x7d: {  	_ =	shalt  }
0x7e: {  	_ =	shalt  }
0x7f: {  	_ =	shalt  }
0x80: {  	_ =	shalt  }
0x81: {  	_ =	shalt  }
0x82: {  	_ =	shalt  }
0x83: {  	_ =	shalt  }
0x84: {  	_ =	shalt  }
0x85: {  	_ =	shalt  }
0x86: {  	_ =	shalt  }
0x87: {  	_ =	shalt  }
.Lfunc_end0:
.L_simem_size_0:
called_computation.1_lowered:
.L_overlay_start_0:
0x88: {  	s2 =	sld [smem:$0x3FD9]  }
0x89: {  	s3 =	sld [smem:$0x3FFE];
	_ =	sdelay $0x1  }
0x8a: {  	s1 =	srdreg.scid  }
0x8b: {  	s0 =	sand.u32 $0x1, s1  }
0x8c: {  	s17 =	sshll.u32 s0, $0xA;
	s2 =	sadd.s32 s3, s2  }
0x8d: {  	s2 =	sadd.s32 s2, s17  }
0x8e: {  	[smem:$0x3FB8] =	sst s2  }
0x8f: {  	_ = 	snop  }
0x90: {  	s2 =	sld [smem:$0x3FC4];
	(tm) =	ssettm $0x1  }
0x91: {  	s18 =	sld [smem:$0x3FFB];
	_ =	sdelay $0x3  }
0x92: {  	_ =	strace s18  }
0x93: {  	s3 =	sld [smem:$0x3FFC];
	_ =	sdelay $0x3  }
0x94: {  	_ =	strace s3  }
0x95: {  	s3 =	sld [smem:$0x3FFD];
	_ =	sdelay $0x3  }
0x96: {  	_ =	strace s3  }
0x97: {  	_ =	strace $0x8FFFFFFF  }
0x98: {  	s19 =	sld [smem:$0x3FDB];
	_ =	sdelay $0x1  }
0x99: {  	s4 =	simm.s32 $_scs_section_size  }
0x9a: {  	s5 =	simm.s32 $_size__tile_overlayer_lowered;
	s6 =	simm.s32 $_tile_overlayer_lowered  }
0x9b: {  	s22 =	simm.s32 $0x1BFF;
	s21 =	sshll.u32 s6, $0x1;
	s3 =	sadd.s32 s4, s19  }
0x9c: {  	s7 =	simm.s32 $0x0;
	s20 =	sshll.u32 s5, $0x1;
	s5 =	sadd.s32 s21, s3  }
0x9d: {  	[timem:s7], [sflag:s22] =	dma.local [hbm:s5], s20  }
0x9e: {  	_ =	swait.ge [sflag:s22], s20  }
0x9f: {  	s4 =	ssub.s32 $0x0, s20;
	[sflag:s22] =	ssyncset.done $0x0  }
0xa0: {  	[sflag:s22] =	ssyncadd.s32 s4;
	_ =	sdelay $0x1  }
0xa1: {  	s23 =	simm.s32 $0x1B8B  }
0xa2: {  	_ =	swait.ge [sflag:s23], $0x1  }
0xa3: {  	[sflag:s23] =	ssyncset.done $0x0  }
0xa4: {  	s25 =	simm.s32 $0x1B8E;
	s24 =	sld [smem:$0x3FFE];
	[sflag:s23] =	ssyncadd.s32 $0xFFFFFFFF  }
0xa5: {  	s26 =	simm.s32 $execute0_lowered;
	[smem:$0x3FD2] =	sst s25  }
0xa6: {  	s5 =	sshll.u32 s26, $0x1;
	_ =	strace $0x80000049;
	[dreg:$0x1] =	wrdreg $0xFFFFFFFF  }
0xa7: {  	s28 =	simm.s32 $_size_execute0_lowered;
	s3 =	sadd.s32 s3, s5;
	[dreg:$0x0] =	wrdreg $0x0  }
0xa8: {  	s5 =	sshll.u32 s28, $0x1;
	[dreg:$0x2] =	wrdreg s3  }
0xa9: {  	[dreg:$0x3] =	wrdreg s5  }
0xaa: {  	[dreg:$0x4] =	wrdreg $0xC0  }
0xab: {  	_ =	task [dreg:s7], $0x5FFFF  }
0xac: {  	[dreg:$0x1] =	wrdreg $0xFFFFFFFF  }
0xad: {  	[dreg:$0x0] =	wrdreg $0x60  }
0xae: {  	[dreg:$0x2] =	wrdreg s2  }
0xaf: {  	[dreg:$0x3] =	wrdreg s24  }
0xb0: {  	[dreg:$0x4] =	wrdreg $0x9  }
0xb1: {  	_ =	task.clear_ibuf [dreg:s7], $0x5FFFF;
	_ =	strace $0x90000049  }
0xb2: {  	s29 =	simm.s32 $0x9;
	_ =	strace $0x8000004B  }
0xb3: {  	_ =	swait.ge [sflag:s29], $0x1  }
0xb4: {  	[sflag:s29] =	ssyncadd.s32 $0xFFFFFFFF  }
0xb5: {  	_ =	strace $0x9000004B  }
0xb6: {  	_ =	sfence  }
0xb7: {  	s30 =	sld [smem:$0x0];
	_ =	sdelay $0x2  }
0xb8: {  	s31 =	sshll.u32 s1, $0xD;
	s1 =	sshrl.u32 s1, $0x2  }
0xb9: {  	s3 =	sand.u32 $0x4000, s31;
	s1 =	sadd.s32 s1, s30  }
0xba: {  	s0 =	sor.u32 s3, s0;
	s1 =	sshll.u32 s1, $0x11  }
0xbb: {  	s0 =	sor.u32 s1, s0  }
0xbc: {  	s0 =	sadd.s32 $0x8F2B, s0  }
0xbd: {  	[sflag:s0] =	ssyncadd.remote.s32 $0x1  }
0xbe: {  	_ =	sfence.sel $0xFFFF  }
0xbf: {  	[dreg:$0x0] =	wrdreg $0xFFFFFFFF;
	(pc) =	sbr.abs _section_cstart, $3  }
0xc0: {  	[dreg:$0x1] =	wrdreg $0xFFFFFFFF  }
0xc1: {  	_ =	task.clear_ibuf [dreg:s7], $0x2FFFF;
	_ =	strace $0x9FFFFFFF  }
0xc2: {  	(tm) =	ssettm $0x7FFFFFFF  }
0xc3: {  	_ =	shalt  }
tec
execute0_lowered:
.L_overlay_start_1:
0x0: {  	(tag) =	ssettag $0x1  }
0x1: {  	s1 =	rddreg [dreg:$0x0]  }
0x2: {  	s0 =	rddreg [dreg:$0x1];
	s3 =	simm.s32 $0x0  }
0x3: {  	s4 =	srdreg.scid;
	s2 =	stileid.u32;
	s9 =	simm.s32 $0x3  }
0x4: {  	s10 =	simm.s32 $0x100;
	s11 =	simm.s32 $0x200;
	s12 =	simm.s32 $0x8300  }
0x5: {  	s13 =	simm.s32 $0x10300;
	s14 =	simm.s32 $0x1;
	s15 =	simm.s32 $0x2  }
0x6: {  	s16 =	simm.s32 $0x300;
	s17 =	simm.s32 $0xB00;
	s18 =	simm.s32 $0x1300  }
0x7: {  	s19 =	simm.s32 $0x1B00;
	s28 =	simm.s32 $0x5B00;
	s29 =	simm.s32 $0x6300  }
0x8: {  	s30 =	simm.s32 $0x6B00;
	[smem:$0x7FF] =	sst s3;
	s5 =	sadd.s32 $0x18D200, s0  }
0x9: {  	s4 =	sand.u32 $0x1, s4;
	s6 =	sshll.u32 s2, $0x9;
	s20 =	sadd.s32 $0x185800, s0  }
0xa: {  	_ =	strace $0x8000004A;
	s7 =	sshll.u32 s4, $0x8;
	[dreg:$0x3] =	wrdreg s5  }
0xb: {  	s31 =	simm.s32 $0x7300;
	[dreg:$0x4] =	wrdreg s20;
	s6 =	sor.u32 s7, s6  }
0xc: {  	s4 =	ssub.s32 $0x2, s4;
	s20 =	simm.s32 $0x2300;
	s21 =	sshrl.u32 s6, $0x3  }
0xd: {  	s8 =	sshrl.u32 s4, $0x1;
	s7 =	sshll.u32 s6, $0x5;
	s5 =	sadd.s32 s21, s0  }
0xe: {  	s6 =	sshll.u32 s6, $0x4;
	s8 =	ssub.s32 s4, s8;
	s22 =	sadd.s32 $0x2E6C00, s5  }
0xf: {  	s7 =	sadd.s32 s7, s0;
	s23 =	sadd.s32 $0x2E7000, s5;
	[dreg:$0x5] =	wrdreg s22  }
0x10: {  	s0 =	sadd.s32 s6, s0;
	s24 =	sadd.s32 $0x5000, s5;
	[dreg:$0x6] =	wrdreg s23  }
0x11: {  	s8 =	smax.u32 s8, $0x1;
	s25 =	sadd.s32 $0x327400, s0;
	[dreg:$0x7] =	wrdreg s24  }
0x12: {  	s21 =	simm.s32 $0x2B00;
	s26 =	sadd.s32 $0x2E7400, s7;
	[dreg:$0x8] =	wrdreg s25  }
0x13: {  	s0 =	sadd.s32 $0x347400, s0;
	s5 =	sadd.s32 $0x2E7C00, s7;
	[dreg:$0xa] =	wrdreg s26  }
0x14: {  	v2 =	vlaneseq.u32;
	s6 =	sadd.s32 $0x2E8400, s7;
	s7 =	sadd.s32 $0x2E8C00, s7;
	[dreg:$0x9] =	wrdreg s0  }
0x15: {  	vm0 =	vmmov $0xffff;
	v1 =	vshrl.u32 v2, $0x3;
	s22 =	simm.s32 $0x3300;
	s23 =	simm.s32 $0x3B00;
	s24 =	simm.s32 $0x4300  }
0x16: {  	v0 =	vand.u32 $0x7, v2;
	v2 =	vor.u32 $0x8, v2;
	v1 =	vmul.u32 $0x8, v1;
	s25 =	simm.s32 $0x4B00;
	s26 =	simm.s32 $0x5300;
	s0 =	simm.s32 $0x7B00  }
.LBB2_1:
0x17: {  	s2 =	rddreg [dreg:$0x5]  }
0x18: {  	[tilespmem:s3], [sflag:$0x3] =	stream.linear.gather [hbm4b:s2+s3], $0x100, $0x38;
	[tilespmem:$0x18300] =	vst v63  }
0x19: {  	_ =	swait.ge [sflag:s9], $0x100  }
0x1a: {  	[sflag:s9] =	ssyncset.done $0x0  }
0x1b: {  	s4 =	rddreg [dreg:$0x6];
	[sflag:s9] =	ssyncadd.s32 $0xFFFFFF00  }
0x1c: {  	[tilespmem:s10], [sflag:$0x3] =	stream.linear.gather [hbm4b:s4+s3], $0x100, $0x38;
	[tilespmem:$0x18300] =	vst v63  }
0x1d: {  	_ =	swait.ge [sflag:s9], $0x100  }
0x1e: {  	[sflag:s9] =	ssyncset.done $0x0  }
0x1f: {  	s4 =	rddreg [dreg:$0x7];
	[sflag:s9] =	ssyncadd.s32 $0xFFFFFF00  }
0x20: {  	[tilespmem:s11], [sflag:$0x3] =	stream.linear.gather [hbm4b:s4+s3], $0x100, $0x38;
	[tilespmem:$0x18300] =	vst v63  }
0x21: {  	_ =	swait.ge [sflag:s9], $0x100  }
0x22: {  	[sflag:s9] =	ssyncset.done $0x0  }
0x23: {  	s2 =	rddreg [dreg:$0x3];
	[sflag:s9] =	ssyncadd.s32 $0xFFFFFF00  }
0x24: {  	[tilespmem:s12], [sflag:$0x1] =	stream.indirect.gather [hbm4b:s2+s10], $0x80, s10, s10, $0xb8;
	[tilespmem:$0x18300] =	vst v63  }
0x25: {  	s4 =	rddreg [dreg:$0x4]  }
0x26: {  	[tilespmem:s13], [sflag:$0x2] =	stream.indirect.gather [hbm4b:s4+s10], $0x80, s11, s10, $0xb8;
	[tilespmem:$0x18300] =	vst v63  }
0x27: {  	_ =	swait.ge [sflag:s14], $0x8000  }
0x28: {  	[sflag:s14] =	ssyncset.done $0x0  }
0x29: {  	s4 =	rddreg [dreg:$0x8];
	[sflag:s14] =	ssyncadd.s32 $0xFFFF8000  }
0x2a: {  	[hbm4b:s4+s3] =	stream.linear.scatter [tilespmem:s12], [sflag:$0x3], $0x8000, $0x38;
	[tilespmem:$0x18300] =	vst v63  }
0x2b: {  	_ =	swait.ge [sflag:s9], $0x8000  }
0x2c: {  	[sflag:s9] =	ssyncset.done $0x0  }
0x2d: {  	[sflag:s9] =	ssyncadd.s32 $0xFFFF8000  }
0x2e: {  	_ =	swait.ge [sflag:s15], $0x8000  }
0x2f: {  	[sflag:s15] =	ssyncset.done $0x0  }
0x30: {  	s4 =	rddreg [dreg:$0x9];
	[sflag:s15] =	ssyncadd.s32 $0xFFFF8000  }
0x31: {  	[hbm4b:s4+s3] =	stream.linear.scatter [tilespmem:s13], [sflag:$0x3], $0x8000, $0x38;
	[tilespmem:$0x18300] =	vst v63  }
0x32: {  	_ =	swait.ge [sflag:s9], $0x8000  }
0x33: {  	[sflag:s9] =	ssyncset.done $0x0  }
0x34: {  	[sflag:s9] =	ssyncadd.s32 $0xFFFF8000  }
0x35: {  	v3 =	vld [tilespmem:$0x0];
	_ =	sdelay $0x4  }
0x36: {  	v4 =	vshll.u32 v3, $0x1  }
0x37: {  	v3 =	vand.u32 $0x7, v3;
	v4 =	vand.u32 $0xFFFFFFF0, v4  }
0x38: {  	v3 =	vor.u32 v3, v4  }
0x39: {  	v4 =	vperm.xlane v3, v0;
	_ =	sdelay $0x1  }
0x3a: {  	v3 =	vperm.xlane v3, v2;
	v4 =	vadd.s32 v1, v4;
	_ =	sdelay $0x1  }
0x3b: {  	v3 =	vadd.s32 v1, v3;
	_ =	sdelay $0x2  }
0x3c: {  	[tilespmem:s16], [sflag:$0x1] =	stream.indirect_vreg.gather [hbm4b:s1+s3], $0x80, v4, vm0, $0xb8;
	[tilespmem:$0x18300] =	vst v63  }
0x3d: {  	_ = 	snop  }
0x3e: {  	[tilespmem:s17], [sflag:$0x1] =	stream.indirect_vreg.gather [hbm4b:s1+s3], $0x80, v3, vm0, $0xb8;
	[tilespmem:$0x18300] =	vst v63  }
0x3f: {  	v3 =	vld [tilespmem:$0x10];
	_ =	sdelay $0x4  }
0x40: {  	v49 =	vshll.u32 v3, $0x1  }
0x41: {  	v3 =	vand.u32 $0x7, v3;
	v4 =	vand.u32 $0xFFFFFFF0, v49  }
0x42: {  	v3 =	vor.u32 v3, v4  }
0x43: {  	v4 =	vperm.xlane v3, v0;
	_ =	sdelay $0x1  }
0x44: {  	v3 =	vperm.xlane v3, v2;
	v4 =	vadd.s32 v1, v4;
	_ =	sdelay $0x1  }
0x45: {  	v3 =	vadd.s32 v1, v3;
	_ =	sdelay $0x2  }
0x46: {  	[tilespmem:s18], [sflag:$0x1] =	stream.indirect_vreg.gather [hbm4b:s1+s3], $0x80, v4, vm0, $0xb8;
	[tilespmem:$0x18300] =	vst v63  }
0x47: {  	_ = 	snop  }
0x48: {  	[tilespmem:s19], [sflag:$0x1] =	stream.indirect_vreg.gather [hbm4b:s1+s3], $0x80, v3, vm0, $0xb8;
	[tilespmem:$0x18300] =	vst v63  }
0x49: {  	v3 =	vld [tilespmem:$0x20];
	_ =	sdelay $0x4  }
0x4a: {  	v50 =	vshll.u32 v3, $0x1  }
0x4b: {  	v3 =	vand.u32 $0x7, v3;
	v4 =	vand.u32 $0xFFFFFFF0, v50  }
0x4c: {  	v3 =	vor.u32 v3, v4  }
0x4d: {  	v4 =	vperm.xlane v3, v0;
	_ =	sdelay $0x1  }
0x4e: {  	v3 =	vperm.xlane v3, v2;
	v4 =	vadd.s32 v1, v4;
	_ =	sdelay $0x1  }
0x4f: {  	v3 =	vadd.s32 v1, v3;
	_ =	sdelay $0x2  }
0x50: {  	[tilespmem:s20], [sflag:$0x1] =	stream.indirect_vreg.gather [hbm4b:s1+s3], $0x80, v4, vm0, $0xb8;
	[tilespmem:$0x18300] =	vst v63  }
0x51: {  	_ = 	snop  }
0x52: {  	[tilespmem:s21], [sflag:$0x1] =	stream.indirect_vreg.gather [hbm4b:s1+s3], $0x80, v3, vm0, $0xb8;
	[tilespmem:$0x18300] =	vst v63  }
0x53: {  	v3 =	vld [tilespmem:$0x30];
	_ =	sdelay $0x4  }
0x54: {  	v51 =	vshll.u32 v3, $0x1  }
0x55: {  	v3 =	vand.u32 $0x7, v3;
	v4 =	vand.u32 $0xFFFFFFF0, v51  }
0x56: {  	v3 =	vor.u32 v3, v4  }
0x57: {  	v4 =	vperm.xlane v3, v0;
	_ =	sdelay $0x1  }
0x58: {  	v3 =	vperm.xlane v3, v2;
	v4 =	vadd.s32 v1, v4;
	_ =	sdelay $0x1  }
0x59: {  	v3 =	vadd.s32 v1, v3;
	_ =	sdelay $0x2  }
0x5a: {  	[tilespmem:s22], [sflag:$0x1] =	stream.indirect_vreg.gather [hbm4b:s1+s3], $0x80, v4, vm0, $0xb8;
	[tilespmem:$0x18300] =	vst v63  }
0x5b: {  	_ = 	snop  }
0x5c: {  	[tilespmem:s23], [sflag:$0x1] =	stream.indirect_vreg.gather [hbm4b:s1+s3], $0x80, v3, vm0, $0xb8;
	[tilespmem:$0x18300] =	vst v63  }
0x5d: {  	v3 =	vld [tilespmem:$0x40];
	_ =	sdelay $0x4  }
0x5e: {  	v52 =	vshll.u32 v3, $0x1  }
0x5f: {  	v3 =	vand.u32 $0x7, v3;
	v4 =	vand.u32 $0xFFFFFFF0, v52  }
0x60: {  	v3 =	vor.u32 v3, v4  }
0x61: {  	v4 =	vperm.xlane v3, v0;
	_ =	sdelay $0x1  }
0x62: {  	v3 =	vperm.xlane v3, v2;
	v4 =	vadd.s32 v1, v4;
	_ =	sdelay $0x1  }
0x63: {  	v3 =	vadd.s32 v1, v3;
	_ =	sdelay $0x2  }
0x64: {  	[tilespmem:s24], [sflag:$0x2] =	stream.indirect_vreg.gather [hbm4b:s1+s3], $0x80, v4, vm0, $0xb8;
	[tilespmem:$0x18300] =	vst v63  }
0x65: {  	_ = 	snop  }
0x66: {  	[tilespmem:s25], [sflag:$0x2] =	stream.indirect_vreg.gather [hbm4b:s1+s3], $0x80, v3, vm0, $0xb8;
	[tilespmem:$0x18300] =	vst v63  }
0x67: {  	v3 =	vld [tilespmem:$0x50];
	_ =	sdelay $0x4  }
0x68: {  	v53 =	vshll.u32 v3, $0x1  }
0x69: {  	v3 =	vand.u32 $0x7, v3;
	v4 =	vand.u32 $0xFFFFFFF0, v53  }
0x6a: {  	v3 =	vor.u32 v3, v4  }
0x6b: {  	v4 =	vperm.xlane v3, v0;
	_ =	sdelay $0x1  }
0x6c: {  	v3 =	vperm.xlane v3, v2;
	v4 =	vadd.s32 v1, v4;
	_ =	sdelay $0x1  }
0x6d: {  	v3 =	vadd.s32 v1, v3;
	_ =	sdelay $0x2  }
0x6e: {  	[tilespmem:s26], [sflag:$0x2] =	stream.indirect_vreg.gather [hbm4b:s1+s3], $0x80, v4, vm0, $0xb8;
	[tilespmem:$0x18300] =	vst v63  }
0x6f: {  	_ = 	snop  }
0x70: {  	[tilespmem:s28], [sflag:$0x2] =	stream.indirect_vreg.gather [hbm4b:s1+s3], $0x80, v3, vm0, $0xb8;
	[tilespmem:$0x18300] =	vst v63  }
0x71: {  	v3 =	vld [tilespmem:$0x60];
	_ =	sdelay $0x4  }
0x72: {  	v54 =	vshll.u32 v3, $0x1  }
0x73: {  	v3 =	vand.u32 $0x7, v3;
	v4 =	vand.u32 $0xFFFFFFF0, v54  }
0x74: {  	v3 =	vor.u32 v3, v4  }
0x75: {  	v4 =	vperm.xlane v3, v0;
	_ =	sdelay $0x1  }
0x76: {  	v3 =	vperm.xlane v3, v2;
	v4 =	vadd.s32 v1, v4;
	_ =	sdelay $0x1  }
0x77: {  	v3 =	vadd.s32 v1, v3;
	_ =	sdelay $0x2  }
0x78: {  	[tilespmem:s29], [sflag:$0x2] =	stream.indirect_vreg.gather [hbm4b:s1+s3], $0x80, v4, vm0, $0xb8;
	[tilespmem:$0x18300] =	vst v63  }
0x79: {  	_ = 	snop  }
0x7a: {  	[tilespmem:s30], [sflag:$0x2] =	stream.indirect_vreg.gather [hbm4b:s1+s3], $0x80, v3, vm0, $0xb8;
	[tilespmem:$0x18300] =	vst v63  }
0x7b: {  	v3 =	vld [tilespmem:$0x70];
	_ =	sdelay $0x4  }
0x7c: {  	v55 =	vshll.u32 v3, $0x1  }
0x7d: {  	v3 =	vand.u32 $0x7, v3;
	v4 =	vand.u32 $0xFFFFFFF0, v55  }
0x7e: {  	v3 =	vor.u32 v3, v4  }
0x7f: {  	v4 =	vperm.xlane v3, v0;
	_ =	sdelay $0x1  }
0x80: {  	v3 =	vperm.xlane v3, v2;
	v4 =	vadd.s32 v1, v4;
	_ =	sdelay $0x1  }
0x81: {  	v3 =	vadd.s32 v1, v3;
	_ =	sdelay $0x2  }
0x82: {  	[tilespmem:s31], [sflag:$0x2] =	stream.indirect_vreg.gather [hbm4b:s1+s3], $0x80, v4, vm0, $0xb8;
	[tilespmem:$0x18300] =	vst v63  }
0x83: {  	_ = 	snop  }
0x84: {  	[tilespmem:s0], [sflag:$0x2] =	stream.indirect_vreg.gather [hbm4b:s1+s3], $0x80, v3, vm0, $0xb8;
	[tilespmem:$0x18300] =	vst v63  }
0x85: {  	_ =	swait.ge [sflag:s14], $0x4000  }
0x86: {  	[sflag:s14] =	ssyncset.done $0x0  }
0x87: {  	s4 =	rddreg [dreg:$0xa];
	[sflag:s14] =	ssyncadd.s32 $0xFFFFC000  }
0x88: {  	[hbm4b:s4+s3] =	stream.linear.scatter [tilespmem:s16], [sflag:$0x3], $0x4000, $0x38;
	[tilespmem:$0x18300] =	vst v63  }
0x89: {  	_ =	swait.ge [sflag:s9], $0x4000  }
0x8a: {  	[sflag:s9] =	ssyncset.done $0x0  }
0x8b: {  	[sflag:s9] =	ssyncadd.s32 $0xFFFFC000  }
0x8c: {  	v3 =	vld [tilespmem:$0x80];
	_ =	sdelay $0x4  }
0x8d: {  	v56 =	vshll.u32 v3, $0x1  }
0x8e: {  	v3 =	vand.u32 $0x7, v3;
	v4 =	vand.u32 $0xFFFFFFF0, v56  }
0x8f: {  	v3 =	vor.u32 v3, v4  }
0x90: {  	v4 =	vperm.xlane v3, v0;
	_ =	sdelay $0x1  }
0x91: {  	v3 =	vperm.xlane v3, v2;
	v4 =	vadd.s32 v1, v4;
	_ =	sdelay $0x1  }
0x92: {  	v3 =	vadd.s32 v1, v3;
	_ =	sdelay $0x2  }
0x93: {  	[tilespmem:s16], [sflag:$0x1] =	stream.indirect_vreg.gather [hbm4b:s1+s3], $0x80, v4, vm0, $0xb8;
	[tilespmem:$0x18300] =	vst v63  }
0x94: {  	_ = 	snop  }
0x95: {  	[tilespmem:s17], [sflag:$0x1] =	stream.indirect_vreg.gather [hbm4b:s1+s3], $0x80, v3, vm0, $0xb8;
	[tilespmem:$0x18300] =	vst v63  }
0x96: {  	v3 =	vld [tilespmem:$0x90];
	_ =	sdelay $0x4  }
0x97: {  	v57 =	vshll.u32 v3, $0x1  }
0x98: {  	v3 =	vand.u32 $0x7, v3;
	v4 =	vand.u32 $0xFFFFFFF0, v57  }
0x99: {  	v3 =	vor.u32 v3, v4  }
0x9a: {  	v4 =	vperm.xlane v3, v0;
	_ =	sdelay $0x1  }
0x9b: {  	v3 =	vperm.xlane v3, v2;
	v4 =	vadd.s32 v1, v4;
	_ =	sdelay $0x1  }
0x9c: {  	v3 =	vadd.s32 v1, v3;
	_ =	sdelay $0x2  }
0x9d: {  	[tilespmem:s18], [sflag:$0x1] =	stream.indirect_vreg.gather [hbm4b:s1+s3], $0x80, v4, vm0, $0xb8;
	[tilespmem:$0x18300] =	vst v63  }
0x9e: {  	_ = 	snop  }
0x9f: {  	[tilespmem:s19], [sflag:$0x1] =	stream.indirect_vreg.gather [hbm4b:s1+s3], $0x80, v3, vm0, $0xb8;
	[tilespmem:$0x18300] =	vst v63  }
0xa0: {  	v3 =	vld [tilespmem:$0xA0];
	_ =	sdelay $0x4  }
0xa1: {  	v58 =	vshll.u32 v3, $0x1  }
0xa2: {  	v3 =	vand.u32 $0x7, v3;
	v4 =	vand.u32 $0xFFFFFFF0, v58  }
0xa3: {  	v3 =	vor.u32 v3, v4  }
0xa4: {  	v4 =	vperm.xlane v3, v0;
	_ =	sdelay $0x1  }
0xa5: {  	v3 =	vperm.xlane v3, v2;
	v4 =	vadd.s32 v1, v4;
	_ =	sdelay $0x1  }
0xa6: {  	v3 =	vadd.s32 v1, v3;
	_ =	sdelay $0x2  }
0xa7: {  	[tilespmem:s20], [sflag:$0x1] =	stream.indirect_vreg.gather [hbm4b:s1+s3], $0x80, v4, vm0, $0xb8;
	[tilespmem:$0x18300] =	vst v63  }
0xa8: {  	_ = 	snop  }
0xa9: {  	[tilespmem:s21], [sflag:$0x1] =	stream.indirect_vreg.gather [hbm4b:s1+s3], $0x80, v3, vm0, $0xb8;
	[tilespmem:$0x18300] =	vst v63  }
0xaa: {  	v3 =	vld [tilespmem:$0xB0];
	_ =	sdelay $0x4  }
0xab: {  	v59 =	vshll.u32 v3, $0x1  }
0xac: {  	v3 =	vand.u32 $0x7, v3;
	v4 =	vand.u32 $0xFFFFFFF0, v59  }
0xad: {  	v3 =	vor.u32 v3, v4  }
0xae: {  	v4 =	vperm.xlane v3, v0;
	_ =	sdelay $0x1  }
0xaf: {  	v3 =	vperm.xlane v3, v2;
	v4 =	vadd.s32 v1, v4;
	_ =	sdelay $0x1  }
0xb0: {  	v3 =	vadd.s32 v1, v3;
	_ =	sdelay $0x2  }
0xb1: {  	[tilespmem:s22], [sflag:$0x1] =	stream.indirect_vreg.gather [hbm4b:s1+s3], $0x80, v4, vm0, $0xb8;
	[tilespmem:$0x18300] =	vst v63  }
0xb2: {  	_ = 	snop  }
0xb3: {  	[tilespmem:s23], [sflag:$0x1] =	stream.indirect_vreg.gather [hbm4b:s1+s3], $0x80, v3, vm0, $0xb8;
	[tilespmem:$0x18300] =	vst v63  }
0xb4: {  	_ =	swait.ge [sflag:s15], $0x4000  }
0xb5: {  	[sflag:s15] =	ssyncset.done $0x0  }
0xb6: {  	[sflag:s15] =	ssyncadd.s32 $0xFFFFC000  }
0xb7: {  	[hbm4b:s5+s3] =	stream.linear.scatter [tilespmem:s24], [sflag:$0x3], $0x4000, $0x38;
	[tilespmem:$0x18300] =	vst v63  }
0xb8: {  	_ =	swait.ge [sflag:s9], $0x4000  }
0xb9: {  	[sflag:s9] =	ssyncset.done $0x0  }
0xba: {  	[sflag:s9] =	ssyncadd.s32 $0xFFFFC000  }
0xbb: {  	v3 =	vld [tilespmem:$0xC0];
	_ =	sdelay $0x4  }
0xbc: {  	v60 =	vshll.u32 v3, $0x1  }
0xbd: {  	v3 =	vand.u32 $0x7, v3;
	v4 =	vand.u32 $0xFFFFFFF0, v60  }
0xbe: {  	v3 =	vor.u32 v3, v4  }
0xbf: {  	v4 =	vperm.xlane v3, v0;
	_ =	sdelay $0x1  }
0xc0: {  	v3 =	vperm.xlane v3, v2;
	v4 =	vadd.s32 v1, v4;
	_ =	sdelay $0x1  }
0xc1: {  	v3 =	vadd.s32 v1, v3;
	_ =	sdelay $0x2  }
0xc2: {  	[tilespmem:s24], [sflag:$0x2] =	stream.indirect_vreg.gather [hbm4b:s1+s3], $0x80, v4, vm0, $0xb8;
	[tilespmem:$0x18300] =	vst v63  }
0xc3: {  	_ = 	snop  }
0xc4: {  	[tilespmem:s25], [sflag:$0x2] =	stream.indirect_vreg.gather [hbm4b:s1+s3], $0x80, v3, vm0, $0xb8;
	[tilespmem:$0x18300] =	vst v63  }
0xc5: {  	v3 =	vld [tilespmem:$0xD0];
	_ =	sdelay $0x4  }
0xc6: {  	v61 =	vshll.u32 v3, $0x1  }
0xc7: {  	v3 =	vand.u32 $0x7, v3;
	v4 =	vand.u32 $0xFFFFFFF0, v61  }
0xc8: {  	v3 =	vor.u32 v3, v4  }
0xc9: {  	v4 =	vperm.xlane v3, v0;
	_ =	sdelay $0x1  }
0xca: {  	v3 =	vperm.xlane v3, v2;
	v4 =	vadd.s32 v1, v4;
	_ =	sdelay $0x1  }
0xcb: {  	v3 =	vadd.s32 v1, v3;
	_ =	sdelay $0x2  }
0xcc: {  	[tilespmem:s26], [sflag:$0x2] =	stream.indirect_vreg.gather [hbm4b:s1+s3], $0x80, v4, vm0, $0xb8;
	[tilespmem:$0x18300] =	vst v63  }
0xcd: {  	_ = 	snop  }
0xce: {  	[tilespmem:s28], [sflag:$0x2] =	stream.indirect_vreg.gather [hbm4b:s1+s3], $0x80, v3, vm0, $0xb8;
	[tilespmem:$0x18300] =	vst v63  }
0xcf: {  	v3 =	vld [tilespmem:$0xE0];
	_ =	sdelay $0x4  }
0xd0: {  	v62 =	vshll.u32 v3, $0x1  }
0xd1: {  	v3 =	vand.u32 $0x7, v3;
	v4 =	vand.u32 $0xFFFFFFF0, v62  }
0xd2: {  	v3 =	vor.u32 v3, v4  }
0xd3: {  	v4 =	vperm.xlane v3, v0;
	_ =	sdelay $0x1  }
0xd4: {  	v3 =	vperm.xlane v3, v2;
	v4 =	vadd.s32 v1, v4;
	_ =	sdelay $0x1  }
0xd5: {  	v3 =	vadd.s32 v1, v3;
	_ =	sdelay $0x2  }
0xd6: {  	[tilespmem:s29], [sflag:$0x2] =	stream.indirect_vreg.gather [hbm4b:s1+s3], $0x80, v4, vm0, $0xb8;
	[tilespmem:$0x18300] =	vst v63  }
0xd7: {  	_ = 	snop  }
0xd8: {  	[tilespmem:s30], [sflag:$0x2] =	stream.indirect_vreg.gather [hbm4b:s1+s3], $0x80, v3, vm0, $0xb8;
	[tilespmem:$0x18300] =	vst v63  }
0xd9: {  	v3 =	vld [tilespmem:$0xF0];
	_ =	sdelay $0x4  }
0xda: {  	v63 =	vshll.u32 v3, $0x1  }
0xdb: {  	v3 =	vand.u32 $0x7, v3;
	v4 =	vand.u32 $0xFFFFFFF0, v63  }
0xdc: {  	v3 =	vor.u32 v3, v4  }
0xdd: {  	v4 =	vperm.xlane v3, v0;
	_ =	sdelay $0x1  }
0xde: {  	v3 =	vperm.xlane v3, v2;
	v4 =	vadd.s32 v1, v4;
	_ =	sdelay $0x1  }
0xdf: {  	v3 =	vadd.s32 v1, v3;
	_ =	sdelay $0x2  }
0xe0: {  	[tilespmem:s31], [sflag:$0x2] =	stream.indirect_vreg.gather [hbm4b:s1+s3], $0x80, v4, vm0, $0xb8;
	[tilespmem:$0x18300] =	vst v63  }
0xe1: {  	_ = 	snop  }
0xe2: {  	[tilespmem:s0], [sflag:$0x2] =	stream.indirect_vreg.gather [hbm4b:s1+s3], $0x80, v3, vm0, $0xb8;
	[tilespmem:$0x18300] =	vst v63  }
0xe3: {  	_ =	swait.ge [sflag:s14], $0x4000  }
0xe4: {  	[sflag:s14] =	ssyncset.done $0x0  }
0xe5: {  	[sflag:s14] =	ssyncadd.s32 $0xFFFFC000  }
0xe6: {  	[hbm4b:s6+s3] =	stream.linear.scatter [tilespmem:s16], [sflag:$0x3], $0x4000, $0x38;
	[tilespmem:$0x18300] =	vst v63  }
0xe7: {  	_ =	swait.ge [sflag:s9], $0x4000  }
0xe8: {  	[sflag:s9] =	ssyncset.done $0x0  }
0xe9: {  	[sflag:s9] =	ssyncadd.s32 $0xFFFFC000  }
0xea: {  	_ =	swait.ge [sflag:s15], $0x4000  }
0xeb: {  	p0 =	sne.s32 s8, $0x1;
	[sflag:s15] =	ssyncset.done $0x0  }
.Ltmp0:
0xec: {  	[sflag:s15] =	ssyncadd.s32 $0xFFFFC000;
	(pc) =	sbr.rel @p0 .LBB2_1-.Ltmp0, $4  }
0xed: {  	[hbm4b:s7+s3] =	stream.linear.scatter [tilespmem:s24], [sflag:$0x3], $0x4000, $0x38;
	[tilespmem:$0x18300] =	vst v63  }
0xee: {  	_ =	swait.ge [sflag:s9], $0x4000  }
0xef: {  	[sflag:s9] =	ssyncset.done $0x0  }
0xf0: {  	s8 =	sadd.s32 $0xFFFFFFFF, s8;
	[sflag:s9] =	ssyncadd.s32 $0xFFFFC000  }
0xf1: {  	_ =	sfence.sel $0x180000  }
0xf2: {  	[bflag:$0x0] =	sbarrier.arrive $0xFFFF  }
0xf3: {  	_ =	strace $0x9000004A  }
0xf4: {  	s0 =	stileid.u32;
	[bflag:$0x2] =	sbarrier.arrive $0xFFFF  }
0xf5: {  	p0 =	sne.s32 s0, $0x0;
	s0 =	rddreg [dreg:$0x2]  }
0xf6: {  	s0 =	sadd.s32 @!p0 $0x100000, s0  }
0xf7: {  	[sflag:s0] =	ssyncadd.tile.s32 @!p0 $0x1;
	_ =	shalt  }
.Lfunc_end2:
_tile_overlayer_lowered:
.L_overlay_start_2:
0xf8: {  	(tag) =	ssettag $0x2  }
0xf9: {  	s0 =	rddreg [dreg:$0x0];
	s2 =	stileid.u32  }
0xfa: {  	s1 =	rddreg [dreg:$0x1];
	p0 =	sne.s32 s2, $0x0  }
0xfb: {  	s3 =	rddreg [dreg:$0x2];
	[bflag:$0x3] =	sbarrier.arrive $0xFFFF;
	s2 =	simm.s32 @!p0 $0x1C03  }
0xfc: {  	[timem:s3], [sflag:s2] =	dma.local @!p0 [hbm:s0], s1  }
0xfd: {  	s0 =	simm.s32 @!p0 $0x3  }
0xfe: {  	_ =	swait.ge @!p0 [sflag:s0], s1  }
0xff: {  	s1 =	ssub.s32 @!p0 $0x0, s1;
	[sflag:s0] =	ssyncset.done @!p0 $0x0  }
0x100: {  	[sflag:s0] =	ssyncadd.s32 @!p0 s1  }
0x101: {  	[bflag:$0x3] =	sbarrier.arrive $0xFFFF  }
0x102: {  	_ =	shalt  }

</sc_bundles>
